<compile_context>
chip_gen: v7x
topology: tpu7x:2x2x1
jax: 0.10.2.dev20260603
libtpu: 0.0.44.dev20260713+nightly
codegen_flags: <defaults>
</compile_context>

<pallas_src>
import functools

import jax
import jax.numpy as jnp
from jax import lax
from jax.experimental import pallas as pl
from jax.experimental.pallas import tpu as pltpu
from jax.experimental.pallas import tpu_sc as plsc

_N = 10000
_E = 160000
_D = 256
_H = 512

_NSUB = 16
_CHUNK = 128
_NCH = 80
_EPS = _NCH * _CHUNK
_EPAD = _NSUB * _EPS
_NA = _N + 256
_RPS = _N // _NSUB


def _sc_aggregate(xv, edges):
    mesh = plsc.VectorSubcoreMesh(core_axis_name="c", subcore_axis_name="s")

    @functools.partial(
        pl.kernel,
        out_type=jax.ShapeDtypeStruct((2, _N, 128), jnp.float32),
        mesh=mesh,
        scratch_types=[
            pltpu.VMEM((8, _CHUNK), jnp.int32),
            pltpu.VMEM((_CHUNK, 128), jnp.float32),
            pltpu.VMEM((_CHUNK, 128), jnp.float32),
            pltpu.VMEM((_CHUNK, 16), jnp.float32),
            pltpu.VMEM((_CHUNK, 16), jnp.float32),
            pltpu.VMEM_SHARED((_NA, 128), jnp.float32),
            pltpu.VMEM_SHARED((_NA, 16), jnp.float32),
            pltpu.SemaphoreType.DMA,
            pltpu.SemaphoreType.DMA,
            pltpu.SemaphoreType.DMA,
        ],
        compiler_params=pltpu.CompilerParams(use_tc_tiling_on_sc=False),
    )
    def k(xv_hbm, e_hbm, out_hbm, idx_v, buf_a, buf_b, ones_v,
          deg_v, acc, dacc, sem_g, sem_i, sem_s):
        c = lax.axis_index("c")
        s = lax.axis_index("s")
        srcr = e_hbm.at[0].at[s]
        dstr = e_hbm.at[1].at[s]
        cvec = jnp.full((16,), 0, jnp.int32) + c * _N

        zv = jnp.zeros((1, 16), jnp.float32)
        ov = jnp.ones((1, 16), jnp.float32)

        @pl.loop(0, _CHUNK)
        def _(r):
            for cc in range(0, 128, 16):
                buf_a[pl.ds(r, 1), pl.ds(cc, 16)] = zv
            ones_v[pl.ds(r, 1), pl.ds(0, 16)] = ov
            deg_v[pl.ds(r, 1), pl.ds(0, 16)] = zv

        @pl.loop(0, 6)
        def _(kk):
            ch = s + _NSUB * kk

            @pl.when(ch < _NA // _CHUNK)
            def _():
                pltpu.sync_copy(buf_a, acc.at[pl.ds(ch * _CHUNK, _CHUNK)])
                pltpu.sync_copy(deg_v, dacc.at[pl.ds(ch * _CHUNK, _CHUNK)])

            @pl.when(ch == _NA // _CHUNK)
            def _():
                r0 = ch * _CHUNK
                nr = _NA - r0
                pltpu.sync_copy(buf_a.at[pl.ds(0, nr)], acc.at[pl.ds(r0, nr)])
                pltpu.sync_copy(deg_v.at[pl.ds(0, nr)], dacc.at[pl.ds(r0, nr)])

        plsc.subcore_barrier()

        def idx_start(g, sl):
            pltpu.async_copy(srcr.at[g], idx_v.at[2 * sl], sem_i)
            pltpu.async_copy(dstr.at[g], idx_v.at[2 * sl + 1], sem_i)

        def idx_wait(g, sl):
            pltpu.make_async_copy(srcr.at[g], idx_v.at[2 * sl], sem_i).wait()
            pltpu.make_async_copy(dstr.at[g], idx_v.at[2 * sl + 1], sem_i).wait()
            for cc in range(0, _CHUNK, 16):
                idx_v[pl.ds(2 * sl, 1), pl.ds(cc, 16)] = (
                    idx_v[pl.ds(2 * sl, 1), pl.ds(cc, 16)] + cvec.reshape(1, 16))

        def gather_start(sl, buf):
            pltpu.async_copy(xv_hbm.at[idx_v.at[2 * sl]], buf, sem_g)

        def gather_wait(sl, buf):
            pltpu.make_async_copy(xv_hbm.at[idx_v.at[2 * sl]], buf, sem_g).wait()

        def scatter_start(sl, buf):
            pltpu.async_copy(buf, acc.at[idx_v.at[2 * sl + 1]], sem_s, add=True)
            pltpu.async_copy(ones_v, dacc.at[idx_v.at[2 * sl + 1]], sem_s, add=True)

        def scatter_wait(sl, buf):
            pltpu.make_async_copy(buf, acc.at[idx_v.at[2 * sl + 1]], sem_s).wait()
            pltpu.make_async_copy(ones_v, dacc.at[idx_v.at[2 * sl + 1]], sem_s).wait()

        idx_start(0, 0)
        idx_wait(0, 0)
        gather_start(0, buf_a)
        idx_start(1, 1)
        idx_start(2, 2)

        @pl.loop(0, _NCH // 4)
        def _(b):
            for j in range(4):
                p, q = (buf_a, buf_b) if j % 2 == 0 else (buf_b, buf_a)
                k = 4 * b + j

                @pl.when(k < _NCH - 1)
                def _():
                    idx_wait(k + 1, (j + 1) % 4)

                gather_wait(j % 4, p)

                @pl.when(k > 0)
                def _():
                    scatter_wait((j + 3) % 4, q)

                @pl.when(k < _NCH - 1)
                def _():
                    gather_start((j + 1) % 4, q)

                scatter_start(j % 4, p)

                @pl.when(k + 3 < _NCH)
                def _():
                    idx_start(k + 3, (j + 3) % 4)

        scatter_wait(3, buf_b)

        plsc.subcore_barrier()

        @pl.loop(0, 5)
        def _(kk):
            r0 = s * _RPS + kk * 125
            pltpu.sync_copy(acc.at[pl.ds(r0, 125)], buf_a.at[pl.ds(0, 125)])
            pltpu.sync_copy(dacc.at[pl.ds(r0, 125)], deg_v.at[pl.ds(0, 125)])

            @pl.loop(0, 125)
            def _(r):
                ivec = 1.0 / jnp.maximum(deg_v[pl.ds(r, 1), pl.ds(0, 16)], 1.0)

                for cc in range(0, 128, 16):
                    buf_a[pl.ds(r, 1), pl.ds(cc, 16)] = (
                        buf_a[pl.ds(r, 1), pl.ds(cc, 16)] * ivec)

            pltpu.sync_copy(buf_a.at[pl.ds(0, 125)],
                            out_hbm.at[c].at[pl.ds(r0, 125)])

    return k(xv, edges)


def _xv_body(x_ref, o_ref):
    o_ref[...] = x_ref[...]


def _xv(x):
    B = 2000
    return pl.pallas_call(
        _xv_body,
        grid=(2, _N // B),
        in_specs=[pl.BlockSpec((B, 128), lambda c, i: (i, c))],
        out_specs=pl.BlockSpec((B, 128), lambda c, i: (c * (_N // B) + i, 0)),
        out_shape=jax.ShapeDtypeStruct((2 * _N, 128), jnp.float32),
    )(x)


def _mm1_body(x_ref, wr_ref, o_ref):
    o_ref[...] = jnp.dot(x_ref[...], wr_ref[...],
                         preferred_element_type=jnp.float32)


def _mm1(x, W_root):
    B = 2000
    return pl.pallas_call(
        _mm1_body,
        grid=(_N // B,),
        in_specs=[
            pl.BlockSpec((B, _D), lambda i: (i, 0)),
            pl.BlockSpec((_D, _H), lambda i: (0, 0)),
        ],
        out_specs=pl.BlockSpec((B, _H), lambda i: (i, 0)),
        out_shape=jax.ShapeDtypeStruct((_N, _H), jnp.float32),
    )(x, W_root)


def _mlp_body(r_ref, nb_ref, wn_ref, bc_ref, w1_ref, b1_ref,
              w2_ref, b2_ref, w3_ref, b3_ref, o_ref):
    f32 = jnp.float32
    h = r_ref[...]
    h = h + jnp.dot(nb_ref[0], wn_ref[:128], preferred_element_type=f32)
    h = h + jnp.dot(nb_ref[1], wn_ref[128:], preferred_element_type=f32)
    h = jnp.maximum(h + bc_ref[...], 0.0)
    z = jnp.maximum(jnp.dot(h, w1_ref[...], preferred_element_type=f32)
                    + b1_ref[...], 0.0)
    z = jnp.maximum(jnp.dot(z, w2_ref[...], preferred_element_type=f32)
                    + b2_ref[...], 0.0)
    l = jnp.dot(z, w3_ref[...], preferred_element_type=f32) + b3_ref[...]
    m = jnp.max(l, axis=-1, keepdims=True)
    e = jnp.exp(l - m)
    o_ref[...] = e / jnp.sum(e, axis=-1, keepdims=True)


def _mlp(r, neigh, W_neigh, b_conv, W1, b1, W2, b2, W3, b3):
    B = 2000
    grid = (_N // B,)
    full = lambda shape: pl.BlockSpec(shape, lambda i: tuple(0 for _ in shape))
    return pl.pallas_call(
        _mlp_body,
        grid=grid,
        in_specs=[
            pl.BlockSpec((B, _H), lambda i: (i, 0)),
            pl.BlockSpec((2, B, 128), lambda i: (0, i, 0)),
            full((_D, _H)),
            full((1, _H)),
            full((_H, 400)),
            full((1, 400)),
            full((400, 400)),
            full((1, 400)),
            full((400, 2)),
            full((1, 2)),
        ],
        out_specs=pl.BlockSpec((B, 2), lambda i: (i, 0)),
        out_shape=jax.ShapeDtypeStruct((_N, 2), jnp.float32),
    )(r, neigh, W_neigh, b_conv.reshape(1, _H), W1,
      b1.reshape(1, 400), W2, b2.reshape(1, 400), W3, b3.reshape(1, 2))


@jax.jit
def kernel(x, edge_index, W_root, W_neigh, b_conv, W1, b1, W2, b2, W3, b3):
    xv = _xv(x)
    pad = _EPAD - _E
    padi = jnp.arange(pad, dtype=jnp.int32)
    pads = jnp.stack([padi % _N, _N + (padi % 256)])
    edges = jnp.concatenate([edge_index, pads], axis=1).reshape(
        2, _NSUB, _NCH, _CHUNK)
    neigh = _sc_aggregate(xv, edges)
    r = _mm1(x, W_root)
    return _mlp(r, neigh, W_neigh, b_conv, W1, b1, W2, b2, W3, b3)

# --- scband reference (transcript-rebuilt; emitter-appended) ---
"""Pipeline reference for scband-graph-sagereasoner-53266184405310 (READ-ONLY COPY).

The authoritative reference and input builder live on the scoring server;
editing this copy changes nothing except your own understanding.
"""

import jax, jax.numpy as jnp
import numpy as np

N = 10000
E = 160000
D = 256      # emb_size
H = 2 * D    # 512, GraphConv out_feature_dim


def setup_inputs(seed: int = 0) -> dict:
    key = jax.random.key(seed)
    ks = jax.random.split(key, 12)
    scale = 0.02
    x = jax.random.normal(ks[0], (N, D), dtype=jnp.float32)
    edge_index = jax.random.randint(ks[1], (2, E), 0, N, dtype=jnp.int32)
    # GraphConv (GraphSAGE mean aggregator) parameters
    W_root = jax.random.normal(ks[2], (D, H), dtype=jnp.float32) * scale
    W_neigh = jax.random.normal(ks[3], (D, H), dtype=jnp.float32) * scale
    b_conv = jnp.zeros((H,), dtype=jnp.float32)
    # classifier: Dense(400, relu) -> Dense(400, relu) -> Dense(2, softmax)
    W1 = jax.random.normal(ks[4], (H, 400), dtype=jnp.float32) * scale
    b1 = jnp.zeros((400,), dtype=jnp.float32)
    W2 = jax.random.normal(ks[5], (400, 400), dtype=jnp.float32) * scale
    b2 = jnp.zeros((400,), dtype=jnp.float32)
    W3 = jax.random.normal(ks[6], (400, 2), dtype=jnp.float32) * scale
    b3 = jnp.zeros((2,), dtype=jnp.float32)
    return {
        "x": x, "edge_index": edge_index,
        "W_root": W_root, "W_neigh": W_neigh, "b_conv": b_conv,
        "W1": W1, "b1": b1, "W2": W2, "b2": b2, "W3": W3, "b3": b3,
    }


def reference(x, edge_index, W_root, W_neigh, b_conv, W1, b1, W2, b2, W3, b3):
    src = edge_index[0]
    dst = edge_index[1]
    n = x.shape[0]
    # gather neighbor (source) features along each edge
    msg = jnp.take(x, src, axis=0)
    # mean aggregation over incoming edges at each destination node
    agg = jax.ops.segment_sum(msg, dst, num_segments=n)
    deg = jax.ops.segment_sum(jnp.ones((msg.shape[0],), dtype=x.dtype), dst, num_segments=n)
    neigh = agg / jnp.maximum(deg, 1.0)[:, None]
    # GraphConv: combine root transform and neighbor transform
    h = jax.nn.relu(x @ W_root + neigh @ W_neigh + b_conv)
    # classifier MLP
    z = jax.nn.relu(h @ W1 + b1)
    z = jax.nn.relu(z @ W2 + b2)
    probs = jax.nn.softmax(z @ W3 + b3, axis=-1)
    return probs

if __name__ == "__main__":
    import jax
    _d = setup_inputs()
    print(jax.jit(kernel)(*tuple(_d.values())))

</pallas_src>

<mosaic_0001>
#map = affine_map<(d0, d1) -> (0, 0)>
#map1 = affine_map<(d0, d1) -> (0, 0, 0, 0)>
#map2 = affine_map<(d0, d1) -> (0, 0, 0)>
module attributes {stable_mosaic.version = 14 : i64} {
  func.func @k(%arg0: i32, %arg1: i32, %arg2: memref<20000x128xf32, #tpu.memory_space<hbm>>, %arg3: memref<2x16x80x128xi32, #tpu.memory_space<hbm>>, %arg4: memref<2x10000x128xf32, #tpu.memory_space<hbm>>, %arg5: memref<8x128xi32, #tpu.memory_space<vmem>>, %arg6: memref<128x128xf32, #tpu.memory_space<vmem>>, %arg7: memref<128x128xf32, #tpu.memory_space<vmem>>, %arg8: memref<128x16xf32, #tpu.memory_space<vmem>>, %arg9: memref<128x16xf32, #tpu.memory_space<vmem>>, %arg10: memref<10256x128xf32, #tpu.memory_space<vmem_shared>>, %arg11: memref<10256x16xf32, #tpu.memory_space<vmem_shared>>, %arg12: memref<!tpu.dma_semaphore, #tpu.memory_space<semaphore_mem>>, %arg13: memref<!tpu.dma_semaphore, #tpu.memory_space<semaphore_mem>>, %arg14: memref<!tpu.dma_semaphore, #tpu.memory_space<semaphore_mem>>) attributes {dimension_semantics = [#tpu.dimension_semantics<core_parallel>, #tpu.dimension_semantics<subcore_parallel>], iteration_bounds = array<i64: 2, 16>, scalar_prefetch = 0 : i64, scratch_operands = 10 : i64, tpu.core_type = #tpu.core_type<sc_vector_subcore>, window_params = [{transform_indices = #map}, {transform_indices = #map1}, {transform_indices = #map2}]} {
    %broadcast_in_dim3A = arith.constant 0 : i32
    %broadcast_in_dim3A_0 = vector.broadcast %broadcast_in_dim3A : i32 to vector<16xi32>
    %mul3A = arith.constant 10000 : i32
    %mul3A_1 = arith.muli %arg0, %mul3A : i32
    %add3A = vector.broadcast %mul3A_1 : i32 to vector<16xi32>
    %add3A_2 = arith.addi %broadcast_in_dim3A_0, %add3A : vector<16xi32>
    %broadcast_in_dim3A_3 = arith.constant 0.000000e+00 : f32
    %broadcast_in_dim3A_4 = vector.broadcast %broadcast_in_dim3A_3 : f32 to vector<1x16xf32>
    %broadcast_in_dim3A_5 = arith.constant 1.000000e+00 : f32
    %broadcast_in_dim3A_6 = vector.broadcast %broadcast_in_dim3A_5 : f32 to vector<1x16xf32>
    %scan3A = arith.constant 0 : i32
    %scan3A_7 = arith.constant 128 : i32
    %scan3A_8 = arith.addi %scan3A, %scan3A_7 : i32
    %scan3A_9 = arith.constant 1 : i32
    scf.for %scan3A_397 = %scan3A to %scan3A_8 step %scan3A_9  : i32 {
      %mul3A_398 = arith.constant 1 : i32
      %mul3A_399 = arith.muli %scan3A_397, %mul3A_398 : i32
      %add3A_400 = arith.constant 0 : i32
      %add3A_401 = arith.addi %add3A_400, %mul3A_399 : i32
      %swap3A_402 = arith.index_cast %add3A_401 : i32 to index
      %swap3A_403 = arith.constant 0 : index
      %swap3A_404 = tpu.vector_load %arg6[%swap3A_402, %swap3A_403] {strides = array<i32>} : memref<128x128xf32, #tpu.memory_space<vmem>>, vector<1x16xf32>,
      %swap3A_405 = vector.shape_cast %swap3A_404 : vector<1x16xf32> to vector<1x16xf32>
      %swap3A_406 = vector.shape_cast %broadcast_in_dim3A_4 : vector<1x16xf32> to vector<1x16xf32>
      tpu.vector_store %arg6[%swap3A_402, %swap3A_403], %swap3A_406 {strides = array<i32>} : memref<128x128xf32, #tpu.memory_space<vmem>>, vector<1x16xf32>,
      %swap3A_407 = arith.index_cast %add3A_401 : i32 to index
      %swap3A_408 = arith.constant 16 : index
      %swap3A_409 = tpu.vector_load %arg6[%swap3A_407, %swap3A_408] {strides = array<i32>} : memref<128x128xf32, #tpu.memory_space<vmem>>, vector<1x16xf32>,
      %swap3A_410 = vector.shape_cast %swap3A_409 : vector<1x16xf32> to vector<1x16xf32>
      %swap3A_411 = vector.shape_cast %broadcast_in_dim3A_4 : vector<1x16xf32> to vector<1x16xf32>
      tpu.vector_store %arg6[%swap3A_407, %swap3A_408], %swap3A_411 {strides = array<i32>} : memref<128x128xf32, #tpu.memory_space<vmem>>, vector<1x16xf32>,
      %swap3A_412 = arith.index_cast %add3A_401 : i32 to index
      %swap3A_413 = arith.constant 32 : index
      %swap3A_414 = tpu.vector_load %arg6[%swap3A_412, %swap3A_413] {strides = array<i32>} : memref<128x128xf32, #tpu.memory_space<vmem>>, vector<1x16xf32>,
      %swap3A_415 = vector.shape_cast %swap3A_414 : vector<1x16xf32> to vector<1x16xf32>
      %swap3A_416 = vector.shape_cast %broadcast_in_dim3A_4 : vector<1x16xf32> to vector<1x16xf32>
      tpu.vector_store %arg6[%swap3A_412, %swap3A_413], %swap3A_416 {strides = array<i32>} : memref<128x128xf32, #tpu.memory_space<vmem>>, vector<1x16xf32>,
      %swap3A_417 = arith.index_cast %add3A_401 : i32 to index
      %swap3A_418 = arith.constant 48 : index
      %swap3A_419 = tpu.vector_load %arg6[%swap3A_417, %swap3A_418] {strides = array<i32>} : memref<128x128xf32, #tpu.memory_space<vmem>>, vector<1x16xf32>,
      %swap3A_420 = vector.shape_cast %swap3A_419 : vector<1x16xf32> to vector<1x16xf32>
      %swap3A_421 = vector.shape_cast %broadcast_in_dim3A_4 : vector<1x16xf32> to vector<1x16xf32>
      tpu.vector_store %arg6[%swap3A_417, %swap3A_418], %swap3A_421 {strides = array<i32>} : memref<128x128xf32, #tpu.memory_space<vmem>>, vector<1x16xf32>,
      %swap3A_422 = arith.index_cast %add3A_401 : i32 to index
      %swap3A_423 = arith.constant 64 : index
      %swap3A_424 = tpu.vector_load %arg6[%swap3A_422, %swap3A_423] {strides = array<i32>} : memref<128x128xf32, #tpu.memory_space<vmem>>, vector<1x16xf32>,
      %swap3A_425 = vector.shape_cast %swap3A_424 : vector<1x16xf32> to vector<1x16xf32>
      %swap3A_426 = vector.shape_cast %broadcast_in_dim3A_4 : vector<1x16xf32> to vector<1x16xf32>
      tpu.vector_store %arg6[%swap3A_422, %swap3A_423], %swap3A_426 {strides = array<i32>} : memref<128x128xf32, #tpu.memory_space<vmem>>, vector<1x16xf32>,
      %swap3A_427 = arith.index_cast %add3A_401 : i32 to index
      %swap3A_428 = arith.constant 80 : index
      %swap3A_429 = tpu.vector_load %arg6[%swap3A_427, %swap3A_428] {strides = array<i32>} : memref<128x128xf32, #tpu.memory_space<vmem>>, vector<1x16xf32>,
      %swap3A_430 = vector.shape_cast %swap3A_429 : vector<1x16xf32> to vector<1x16xf32>
      %swap3A_431 = vector.shape_cast %broadcast_in_dim3A_4 : vector<1x16xf32> to vector<1x16xf32>
      tpu.vector_store %arg6[%swap3A_427, %swap3A_428], %swap3A_431 {strides = array<i32>} : memref<128x128xf32, #tpu.memory_space<vmem>>, vector<1x16xf32>,
      %swap3A_432 = arith.index_cast %add3A_401 : i32 to index
      %swap3A_433 = arith.constant 96 : index
      %swap3A_434 = tpu.vector_load %arg6[%swap3A_432, %swap3A_433] {strides = array<i32>} : memref<128x128xf32, #tpu.memory_space<vmem>>, vector<1x16xf32>,
      %swap3A_435 = vector.shape_cast %swap3A_434 : vector<1x16xf32> to vector<1x16xf32>
      %swap3A_436 = vector.shape_cast %broadcast_in_dim3A_4 : vector<1x16xf32> to vector<1x16xf32>
      tpu.vector_store %arg6[%swap3A_432, %swap3A_433], %swap3A_436 {strides = array<i32>} : memref<128x128xf32, #tpu.memory_space<vmem>>, vector<1x16xf32>,
      %swap3A_437 = arith.index_cast %add3A_401 : i32 to index
      %swap3A_438 = arith.constant 112 : index
      %swap3A_439 = tpu.vector_load %arg6[%swap3A_437, %swap3A_438] {strides = array<i32>} : memref<128x128xf32, #tpu.memory_space<vmem>>, vector<1x16xf32>,
      %swap3A_440 = vector.shape_cast %swap3A_439 : vector<1x16xf32> to vector<1x16xf32>
      %swap3A_441 = vector.shape_cast %broadcast_in_dim3A_4 : vector<1x16xf32> to vector<1x16xf32>
      tpu.vector_store %arg6[%swap3A_437, %swap3A_438], %swap3A_441 {strides = array<i32>} : memref<128x128xf32, #tpu.memory_space<vmem>>, vector<1x16xf32>,
      %swap3A_442 = arith.index_cast %add3A_401 : i32 to index
      %swap3A_443 = arith.constant 0 : index
      %swap3A_444 = tpu.vector_load %arg8[%swap3A_442, %swap3A_443] {strides = array<i32>} : memref<128x16xf32, #tpu.memory_space<vmem>>, vector<1x16xf32>,
      %swap3A_445 = vector.shape_cast %swap3A_444 : vector<1x16xf32> to vector<1x16xf32>
      %swap3A_446 = vector.shape_cast %broadcast_in_dim3A_6 : vector<1x16xf32> to vector<1x16xf32>
      tpu.vector_store %arg8[%swap3A_442, %swap3A_443], %swap3A_446 {strides = array<i32>} : memref<128x16xf32, #tpu.memory_space<vmem>>, vector<1x16xf32>,
      %swap3A_447 = arith.index_cast %add3A_401 : i32 to index
      %swap3A_448 = arith.constant 0 : index
      %swap3A_449 = tpu.vector_load %arg9[%swap3A_447, %swap3A_448] {strides = array<i32>} : memref<128x16xf32, #tpu.memory_space<vmem>>, vector<1x16xf32>,
      %swap3A_450 = vector.shape_cast %swap3A_449 : vector<1x16xf32> to vector<1x16xf32>
      %swap3A_451 = vector.shape_cast %broadcast_in_dim3A_4 : vector<1x16xf32> to vector<1x16xf32>
      tpu.vector_store %arg9[%swap3A_447, %swap3A_448], %swap3A_451 {strides = array<i32>} : memref<128x16xf32, #tpu.memory_space<vmem>>, vector<1x16xf32>,
    }
    %scan3A_10 = arith.constant 128 : i32
    %scan3A_11 = arith.constant 0 : i32
    %scan3A_12 = arith.constant 6 : i32
    %scan3A_13 = arith.addi %scan3A_11, %scan3A_12 : i32
    %scan3A_14 = arith.constant 1 : i32
    scf.for %scan3A_397 = %scan3A_11 to %scan3A_13 step %scan3A_14  : i32 {
      %mul3A_398 = arith.constant 1 : i32
      %mul3A_399 = arith.muli %scan3A_397, %mul3A_398 : i32
      %add3A_400 = arith.constant 0 : i32
      %add3A_401 = arith.addi %add3A_400, %mul3A_399 : i32
      %mul3A_402 = arith.constant 16 : i32
      %mul3A_403 = arith.muli %mul3A_402, %add3A_401 : i32
      %add3A_404 = arith.addi %arg1, %mul3A_403 : i32
      %lt3A = arith.constant 80 : i32
      %lt3A_405 = arith.cmpi slt, %add3A_404, %lt3A : i32
      %convert_element_type3A = arith.extui %lt3A_405 : i1 to i32
      %cond3A = arith.constant 0 : i32
      %cond3A_406 = arith.cmpi ne, %convert_element_type3A, %cond3A : i32
      scf.if %cond3A_406 {
        %mul3A_411 = arith.constant 128 : i32
        %mul3A_412 = arith.muli %add3A_404, %mul3A_411 : i32
        "tpu.region"() ({
          %run_scoped3A = tpu.sem_alloc : memref<!tpu.dma_semaphore, #tpu.memory_space<semaphore_mem>>
          %dma_start3A_415 = arith.constant 0 : i32
          %dma_start3A_416 = tpu.memref_slice %arg10[%mul3A_412, %dma_start3A_415] : memref<10256x128xf32, #tpu.memory_space<vmem_shared>> -> memref<128x128xf32, #tpu.memory_space<vmem_shared>>
          %dma_start3A_417 = arith.constant 0 : i32
          %dma_start3A_418 = tpu.memref_slice %arg10[%mul3A_412, %dma_start3A_417] : memref<10256x128xf32, #tpu.memory_space<vmem_shared>> -> memref<128x128xf32, #tpu.memory_space<vmem_shared>>
          tpu.enqueue_dma source(%arg6 : memref<128x128xf32, #tpu.memory_space<vmem>>) target(%dma_start3A_418 : memref<128x128xf32, #tpu.memory_space<vmem_shared>>) target_semaphore(%run_scoped3A : memref<!tpu.dma_semaphore, #tpu.memory_space<semaphore_mem>>)
          %dma_wait3A_419 = arith.constant 0 : i32
          %dma_wait3A_420 = tpu.memref_slice %arg10[%mul3A_412, %dma_wait3A_419] : memref<10256x128xf32, #tpu.memory_space<vmem_shared>> -> memref<128x128xf32, #tpu.memory_space<vmem_shared>>
          %dma_wait3A_421 = arith.constant 0 : i32
          %dma_wait3A_422 = tpu.memref_slice %arg10[%mul3A_412, %dma_wait3A_421] : memref<10256x128xf32, #tpu.memory_space<vmem_shared>> -> memref<128x128xf32, #tpu.memory_space<vmem_shared>>
          tpu.wait_dma2 semaphore(%run_scoped3A : memref<!tpu.dma_semaphore, #tpu.memory_space<semaphore_mem>>) src(%arg6 : memref<128x128xf32, #tpu.memory_space<vmem>>) dst(%dma_wait3A_422 : memref<128x128xf32, #tpu.memory_space<vmem_shared>>)
          tpu.yield
        }) : () -> ()
        %mul3A_413 = arith.constant 128 : i32
        %mul3A_414 = arith.muli %add3A_404, %mul3A_413 : i32
        "tpu.region"() ({
          %run_scoped3A = tpu.sem_alloc : memref<!tpu.dma_semaphore, #tpu.memory_space<semaphore_mem>>
          %dma_start3A_415 = arith.constant 0 : i32
          %dma_start3A_416 = tpu.memref_slice %arg11[%mul3A_414, %dma_start3A_415] : memref<10256x16xf32, #tpu.memory_space<vmem_shared>> -> memref<128x16xf32, #tpu.memory_space<vmem_shared>>
          %dma_start3A_417 = arith.constant 0 : i32
          %dma_start3A_418 = tpu.memref_slice %arg11[%mul3A_414, %dma_start3A_417] : memref<10256x16xf32, #tpu.memory_space<vmem_shared>> -> memref<128x16xf32, #tpu.memory_space<vmem_shared>>
          tpu.enqueue_dma source(%arg9 : memref<128x16xf32, #tpu.memory_space<vmem>>) target(%dma_start3A_418 : memref<128x16xf32, #tpu.memory_space<vmem_shared>>) target_semaphore(%run_scoped3A : memref<!tpu.dma_semaphore, #tpu.memory_space<semaphore_mem>>)
          %dma_wait3A_419 = arith.constant 0 : i32
          %dma_wait3A_420 = tpu.memref_slice %arg11[%mul3A_414, %dma_wait3A_419] : memref<10256x16xf32, #tpu.memory_space<vmem_shared>> -> memref<128x16xf32, #tpu.memory_space<vmem_shared>>
          %dma_wait3A_421 = arith.constant 0 : i32
          %dma_wait3A_422 = tpu.memref_slice %arg11[%mul3A_414, %dma_wait3A_421] : memref<10256x16xf32, #tpu.memory_space<vmem_shared>> -> memref<128x16xf32, #tpu.memory_space<vmem_shared>>
          tpu.wait_dma2 semaphore(%run_scoped3A : memref<!tpu.dma_semaphore, #tpu.memory_space<semaphore_mem>>) src(%arg9 : memref<128x16xf32, #tpu.memory_space<vmem>>) dst(%dma_wait3A_422 : memref<128x16xf32, #tpu.memory_space<vmem_shared>>)
          tpu.yield
        }) : () -> ()
      } else {
      }
      %eq3A = arith.constant 80 : i32
      %eq3A_407 = arith.cmpi eq, %add3A_404, %eq3A : i32
      %convert_element_type3A_408 = arith.extui %eq3A_407 : i1 to i32
      %cond3A_409 = arith.constant 0 : i32
      %cond3A_410 = arith.cmpi ne, %convert_element_type3A_408, %cond3A_409 : i32
      scf.if %cond3A_410 {
        %mul3A_411 = arith.constant 128 : i32
        %mul3A_412 = arith.muli %add3A_404, %mul3A_411 : i32
        %sub3A = arith.constant 10256 : i32
        %sub3A_413 = arith.subi %sub3A, %mul3A_412 : i32
        "tpu.region"() ({
          %run_scoped3A = tpu.sem_alloc : memref<!tpu.dma_semaphore, #tpu.memory_space<semaphore_mem>>
          %dma_start3A_414 = arith.constant 0 : i32
          %dma_start3A_415 = arith.constant 0 : i32
          %dma_start3A_416 = tpu.memref_slice %arg6[%dma_start3A_414, %dma_start3A_415] <%sub3A_413> : memref<128x128xf32, #tpu.memory_space<vmem>> -> memref<?x128xf32, #tpu.memory_space<vmem>>
          %dma_start3A_417 = arith.constant 0 : i32
          %dma_start3A_418 = tpu.memref_slice %arg10[%mul3A_412, %dma_start3A_417] <%sub3A_413> : memref<10256x128xf32, #tpu.memory_space<vmem_shared>> -> memref<?x128xf32, #tpu.memory_space<vmem_shared>>
          %dma_start3A_419 = arith.constant 0 : i32
          %dma_start3A_420 = tpu.memref_slice %arg10[%mul3A_412, %dma_start3A_419] <%sub3A_413> : memref<10256x128xf32, #tpu.memory_space<vmem_shared>> -> memref<?x128xf32, #tpu.memory_space<vmem_shared>>
          %dma_start3A_421 = arith.constant 0 : i32
          %dma_start3A_422 = arith.constant 0 : i32
          %dma_start3A_423 = tpu.memref_slice %arg6[%dma_start3A_421, %dma_start3A_422] <%sub3A_413> : memref<128x128xf32, #tpu.memory_space<vmem>> -> memref<?x128xf32, #tpu.memory_space<vmem>>
          tpu.enqueue_dma source(%dma_start3A_423 : memref<?x128xf32, #tpu.memory_space<vmem>>) target(%dma_start3A_420 : memref<?x128xf32, #tpu.memory_space<vmem_shared>>) target_semaphore(%run_scoped3A : memref<!tpu.dma_semaphore, #tpu.memory_space<semaphore_mem>>)
          %dma_wait3A_424 = arith.constant 0 : i32
          %dma_wait3A_425 = arith.constant 0 : i32
          %dma_wait3A_426 = tpu.memref_slice %arg6[%dma_wait3A_424, %dma_wait3A_425] <%sub3A_413> : memref<128x128xf32, #tpu.memory_space<vmem>> -> memref<?x128xf32, #tpu.memory_space<vmem>>
          %dma_wait3A_427 = arith.constant 0 : i32
          %dma_wait3A_428 = tpu.memref_slice %arg10[%mul3A_412, %dma_wait3A_427] <%sub3A_413> : memref<10256x128xf32, #tpu.memory_space<vmem_shared>> -> memref<?x128xf32, #tpu.memory_space<vmem_shared>>
          %dma_wait3A_429 = arith.constant 0 : i32
          %dma_wait3A_430 = tpu.memref_slice %arg10[%mul3A_412, %dma_wait3A_429] <%sub3A_413> : memref<10256x128xf32, #tpu.memory_space<vmem_shared>> -> memref<?x128xf32, #tpu.memory_space<vmem_shared>>
          %dma_wait3A_431 = arith.constant 0 : i32
          %dma_wait3A_432 = arith.constant 0 : i32
          %dma_wait3A_433 = tpu.memref_slice %arg6[%dma_wait3A_431, %dma_wait3A_432] <%sub3A_413> : memref<128x128xf32, #tpu.memory_space<vmem>> -> memref<?x128xf32, #tpu.memory_space<vmem>>
          tpu.wait_dma2 semaphore(%run_scoped3A : memref<!tpu.dma_semaphore, #tpu.memory_space<semaphore_mem>>) src(%dma_wait3A_433 : memref<?x128xf32, #tpu.memory_space<vmem>>) dst(%dma_wait3A_430 : memref<?x128xf32, #tpu.memory_space<vmem_shared>>)
          tpu.yield
        }) : () -> ()
        "tpu.region"() ({
          %run_scoped3A = tpu.sem_alloc : memref<!tpu.dma_semaphore, #tpu.memory_space<semaphore_mem>>
          %dma_start3A_414 = arith.constant 0 : i32
          %dma_start3A_415 = arith.constant 0 : i32
          %dma_start3A_416 = tpu.memref_slice %arg9[%dma_start3A_414, %dma_start3A_415] <%sub3A_413> : memref<128x16xf32, #tpu.memory_space<vmem>> -> memref<?x16xf32, #tpu.memory_space<vmem>>
          %dma_start3A_417 = arith.constant 0 : i32
          %dma_start3A_418 = tpu.memref_slice %arg11[%mul3A_412, %dma_start3A_417] <%sub3A_413> : memref<10256x16xf32, #tpu.memory_space<vmem_shared>> -> memref<?x16xf32, #tpu.memory_space<vmem_shared>>
          %dma_start3A_419 = arith.constant 0 : i32
          %dma_start3A_420 = tpu.memref_slice %arg11[%mul3A_412, %dma_start3A_419] <%sub3A_413> : memref<10256x16xf32, #tpu.memory_space<vmem_shared>> -> memref<?x16xf32, #tpu.memory_space<vmem_shared>>
          %dma_start3A_421 = arith.constant 0 : i32
          %dma_start3A_422 = arith.constant 0 : i32
          %dma_start3A_423 = tpu.memref_slice %arg9[%dma_start3A_421, %dma_start3A_422] <%sub3A_413> : memref<128x16xf32, #tpu.memory_space<vmem>> -> memref<?x16xf32, #tpu.memory_space<vmem>>
          tpu.enqueue_dma source(%dma_start3A_423 : memref<?x16xf32, #tpu.memory_space<vmem>>) target(%dma_start3A_420 : memref<?x16xf32, #tpu.memory_space<vmem_shared>>) target_semaphore(%run_scoped3A : memref<!tpu.dma_semaphore, #tpu.memory_space<semaphore_mem>>)
          %dma_wait3A_424 = arith.constant 0 : i32
          %dma_wait3A_425 = arith.constant 0 : i32
          %dma_wait3A_426 = tpu.memref_slice %arg9[%dma_wait3A_424, %dma_wait3A_425] <%sub3A_413> : memref<128x16xf32, #tpu.memory_space<vmem>> -> memref<?x16xf32, #tpu.memory_space<vmem>>
          %dma_wait3A_427 = arith.constant 0 : i32
          %dma_wait3A_428 = tpu.memref_slice %arg11[%mul3A_412, %dma_wait3A_427] <%sub3A_413> : memref<10256x16xf32, #tpu.memory_space<vmem_shared>> -> memref<?x16xf32, #tpu.memory_space<vmem_shared>>
          %dma_wait3A_429 = arith.constant 0 : i32
          %dma_wait3A_430 = tpu.memref_slice %arg11[%mul3A_412, %dma_wait3A_429] <%sub3A_413> : memref<10256x16xf32, #tpu.memory_space<vmem_shared>> -> memref<?x16xf32, #tpu.memory_space<vmem_shared>>
          %dma_wait3A_431 = arith.constant 0 : i32
          %dma_wait3A_432 = arith.constant 0 : i32
          %dma_wait3A_433 = tpu.memref_slice %arg9[%dma_wait3A_431, %dma_wait3A_432] <%sub3A_413> : memref<128x16xf32, #tpu.memory_space<vmem>> -> memref<?x16xf32, #tpu.memory_space<vmem>>
          tpu.wait_dma2 semaphore(%run_scoped3A : memref<!tpu.dma_semaphore, #tpu.memory_space<semaphore_mem>>) src(%dma_wait3A_433 : memref<?x16xf32, #tpu.memory_space<vmem>>) dst(%dma_wait3A_430 : memref<?x16xf32, #tpu.memory_space<vmem_shared>>)
          tpu.yield
        }) : () -> ()
      } else {
      }
    }
    %scan3A_15 = arith.constant 6 : i32
    %barrier3A = arith.constant 0 : index
    tpu.barrier barrier_id(%barrier3A)
    %dma_start3A = arith.constant 0 : i32
    %dma_start3A_16 = arith.constant 0 : i32
    %dma_start3A_17 = arith.constant 0 : i32
    %dma_start3A_18 = arith.constant 0 : i32
    %dma_start3A_19 = tpu.memref_slice %arg5[%dma_start3A_17, %dma_start3A_18] : memref<8x128xi32, #tpu.memory_space<vmem>> -> memref<1x128xi32, #tpu.memory_space<vmem>>
    %dma_start3A_20 = tpu.memref_squeeze %dma_start3A_19 : memref<1x128xi32, #tpu.memory_space<vmem>> -> memref<128xi32, #tpu.memory_space<vmem>>
    %dma_start3A_21 = arith.constant 0 : i32
    %dma_start3A_22 = arith.constant 0 : i32
    %dma_start3A_23 = arith.constant 0 : i32
    %dma_start3A_24 = tpu.memref_slice %arg3[%dma_start3A, %dma_start3A_21, %dma_start3A_22, %dma_start3A_23] : memref<2x16x80x128xi32, #tpu.memory_space<hbm>> -> memref<1x16x80x128xi32, #tpu.memory_space<hbm>>
    %dma_start3A_25 = tpu.memref_squeeze %dma_start3A_24 : memref<1x16x80x128xi32, #tpu.memory_space<hbm>> -> memref<16x80x128xi32, #tpu.memory_space<hbm>>
    %dma_start3A_26 = arith.constant 0 : i32
    %dma_start3A_27 = arith.constant 0 : i32
    %dma_start3A_28 = tpu.memref_slice %dma_start3A_25[%arg1, %dma_start3A_26, %dma_start3A_27] : memref<16x80x128xi32, #tpu.memory_space<hbm>> -> memref<1x80x128xi32, #tpu.memory_space<hbm>>
    %dma_start3A_29 = tpu.memref_squeeze %dma_start3A_28 : memref<1x80x128xi32, #tpu.memory_space<hbm>> -> memref<80x128xi32, #tpu.memory_space<hbm>>
    %dma_start3A_30 = arith.constant 0 : i32
    %dma_start3A_31 = tpu.memref_slice %dma_start3A_29[%dma_start3A_16, %dma_start3A_30] : memref<80x128xi32, #tpu.memory_space<hbm>> -> memref<1x128xi32, #tpu.memory_space<hbm>>
    %dma_start3A_32 = tpu.memref_squeeze %dma_start3A_31 : memref<1x128xi32, #tpu.memory_space<hbm>> -> memref<128xi32, #tpu.memory_space<hbm>>
    %dma_start3A_33 = arith.constant 0 : i32
    %dma_start3A_34 = tpu.memref_slice %arg5[%dma_start3A_17, %dma_start3A_33] : memref<8x128xi32, #tpu.memory_space<vmem>> -> memref<1x128xi32, #tpu.memory_space<vmem>>
    %dma_start3A_35 = tpu.memref_squeeze %dma_start3A_34 : memref<1x128xi32, #tpu.memory_space<vmem>> -> memref<128xi32, #tpu.memory_space<vmem>>
    %dma_start3A_36 = arith.constant 0 : i32
    %dma_start3A_37 = arith.constant 0 : i32
    %dma_start3A_38 = arith.constant 0 : i32
    %dma_start3A_39 = tpu.memref_slice %arg3[%dma_start3A, %dma_start3A_36, %dma_start3A_37, %dma_start3A_38] : memref<2x16x80x128xi32, #tpu.memory_space<hbm>> -> memref<1x16x80x128xi32, #tpu.memory_space<hbm>>
    %dma_start3A_40 = tpu.memref_squeeze %dma_start3A_39 : memref<1x16x80x128xi32, #tpu.memory_space<hbm>> -> memref<16x80x128xi32, #tpu.memory_space<hbm>>
    %dma_start3A_41 = arith.constant 0 : i32
    %dma_start3A_42 = arith.constant 0 : i32
    %dma_start3A_43 = tpu.memref_slice %dma_start3A_40[%arg1, %dma_start3A_41, %dma_start3A_42] : memref<16x80x128xi32, #tpu.memory_space<hbm>> -> memref<1x80x128xi32, #tpu.memory_space<hbm>>
    %dma_start3A_44 = tpu.memref_squeeze %dma_start3A_43 : memref<1x80x128xi32, #tpu.memory_space<hbm>> -> memref<80x128xi32, #tpu.memory_space<hbm>>
    %dma_start3A_45 = arith.constant 0 : i32
    %dma_start3A_46 = tpu.memref_slice %dma_start3A_44[%dma_start3A_16, %dma_start3A_45] : memref<80x128xi32, #tpu.memory_space<hbm>> -> memref<1x128xi32, #tpu.memory_space<hbm>>
    %dma_start3A_47 = tpu.memref_squeeze %dma_start3A_46 : memref<1x128xi32, #tpu.memory_space<hbm>> -> memref<128xi32, #tpu.memory_space<hbm>>
    tpu.enqueue_dma source(%dma_start3A_47 : memref<128xi32, #tpu.memory_space<hbm>>) target(%dma_start3A_35 : memref<128xi32, #tpu.memory_space<vmem>>) target_semaphore(%arg13 : memref<!tpu.dma_semaphore, #tpu.memory_space<semaphore_mem>>)
    %dma_start3A_48 = arith.constant 1 : i32
    %dma_start3A_49 = arith.constant 0 : i32
    %dma_start3A_50 = arith.constant 1 : i32
    %dma_start3A_51 = arith.constant 0 : i32
    %dma_start3A_52 = tpu.memref_slice %arg5[%dma_start3A_50, %dma_start3A_51] : memref<8x128xi32, #tpu.memory_space<vmem>> -> memref<1x128xi32, #tpu.memory_space<vmem>>
    %dma_start3A_53 = tpu.memref_squeeze %dma_start3A_52 : memref<1x128xi32, #tpu.memory_space<vmem>> -> memref<128xi32, #tpu.memory_space<vmem>>
    %dma_start3A_54 = arith.constant 0 : i32
    %dma_start3A_55 = arith.constant 0 : i32
    %dma_start3A_56 = arith.constant 0 : i32
    %dma_start3A_57 = tpu.memref_slice %arg3[%dma_start3A_48, %dma_start3A_54, %dma_start3A_55, %dma_start3A_56] : memref<2x16x80x128xi32, #tpu.memory_space<hbm>> -> memref<1x16x80x128xi32, #tpu.memory_space<hbm>>
    %dma_start3A_58 = tpu.memref_squeeze %dma_start3A_57 : memref<1x16x80x128xi32, #tpu.memory_space<hbm>> -> memref<16x80x128xi32, #tpu.memory_space<hbm>>
    %dma_start3A_59 = arith.constant 0 : i32
    %dma_start3A_60 = arith.constant 0 : i32
    %dma_start3A_61 = tpu.memref_slice %dma_start3A_58[%arg1, %dma_start3A_59, %dma_start3A_60] : memref<16x80x128xi32, #tpu.memory_space<hbm>> -> memref<1x80x128xi32, #tpu.memory_space<hbm>>
    %dma_start3A_62 = tpu.memref_squeeze %dma_start3A_61 : memref<1x80x128xi32, #tpu.memory_space<hbm>> -> memref<80x128xi32, #tpu.memory_space<hbm>>
    %dma_start3A_63 = arith.constant 0 : i32
    %dma_start3A_64 = tpu.memref_slice %dma_start3A_62[%dma_start3A_49, %dma_start3A_63] : memref<80x128xi32, #tpu.memory_space<hbm>> -> memref<1x128xi32, #tpu.memory_space<hbm>>
    %dma_start3A_65 = tpu.memref_squeeze %dma_start3A_64 : memref<1x128xi32, #tpu.memory_space<hbm>> -> memref<128xi32, #tpu.memory_space<hbm>>
    %dma_start3A_66 = arith.constant 0 : i32
    %dma_start3A_67 = tpu.memref_slice %arg5[%dma_start3A_50, %dma_start3A_66] : memref<8x128xi32, #tpu.memory_space<vmem>> -> memref<1x128xi32, #tpu.memory_space<vmem>>
    %dma_start3A_68 = tpu.memref_squeeze %dma_start3A_67 : memref<1x128xi32, #tpu.memory_space<vmem>> -> memref<128xi32, #tpu.memory_space<vmem>>
    %dma_start3A_69 = arith.constant 0 : i32
    %dma_start3A_70 = arith.constant 0 : i32
    %dma_start3A_71 = arith.constant 0 : i32
    %dma_start3A_72 = tpu.memref_slice %arg3[%dma_start3A_48, %dma_start3A_69, %dma_start3A_70, %dma_start3A_71] : memref<2x16x80x128xi32, #tpu.memory_space<hbm>> -> memref<1x16x80x128xi32, #tpu.memory_space<hbm>>
    %dma_start3A_73 = tpu.memref_squeeze %dma_start3A_72 : memref<1x16x80x128xi32, #tpu.memory_space<hbm>> -> memref<16x80x128xi32, #tpu.memory_space<hbm>>
    %dma_start3A_74 = arith.constant 0 : i32
    %dma_start3A_75 = arith.constant 0 : i32
    %dma_start3A_76 = tpu.memref_slice %dma_start3A_73[%arg1, %dma_start3A_74, %dma_start3A_75] : memref<16x80x128xi32, #tpu.memory_space<hbm>> -> memref<1x80x128xi32, #tpu.memory_space<hbm>>
    %dma_start3A_77 = tpu.memref_squeeze %dma_start3A_76 : memref<1x80x128xi32, #tpu.memory_space<hbm>> -> memref<80x128xi32, #tpu.memory_space<hbm>>
    %dma_start3A_78 = arith.constant 0 : i32
    %dma_start3A_79 = tpu.memref_slice %dma_start3A_77[%dma_start3A_49, %dma_start3A_78] : memref<80x128xi32, #tpu.memory_space<hbm>> -> memref<1x128xi32, #tpu.memory_space<hbm>>
    %dma_start3A_80 = tpu.memref_squeeze %dma_start3A_79 : memref<1x128xi32, #tpu.memory_space<hbm>> -> memref<128xi32, #tpu.memory_space<hbm>>
    tpu.enqueue_dma source(%dma_start3A_80 : memref<128xi32, #tpu.memory_space<hbm>>) target(%dma_start3A_68 : memref<128xi32, #tpu.memory_space<vmem>>) target_semaphore(%arg13 : memref<!tpu.dma_semaphore, #tpu.memory_space<semaphore_mem>>)
    %dma_wait3A = arith.constant 0 : i32
    %dma_wait3A_81 = arith.constant 0 : i32
    %dma_wait3A_82 = arith.constant 0 : i32
    %dma_wait3A_83 = arith.constant 0 : i32
    %dma_wait3A_84 = tpu.memref_slice %arg5[%dma_wait3A_82, %dma_wait3A_83] : memref<8x128xi32, #tpu.memory_space<vmem>> -> memref<1x128xi32, #tpu.memory_space<vmem>>
    %dma_wait3A_85 = tpu.memref_squeeze %dma_wait3A_84 : memref<1x128xi32, #tpu.memory_space<vmem>> -> memref<128xi32, #tpu.memory_space<vmem>>
    %dma_wait3A_86 = arith.constant 0 : i32
    %dma_wait3A_87 = arith.constant 0 : i32
    %dma_wait3A_88 = arith.constant 0 : i32
    %dma_wait3A_89 = tpu.memref_slice %arg3[%dma_wait3A, %dma_wait3A_86, %dma_wait3A_87, %dma_wait3A_88] : memref<2x16x80x128xi32, #tpu.memory_space<hbm>> -> memref<1x16x80x128xi32, #tpu.memory_space<hbm>>
    %dma_wait3A_90 = tpu.memref_squeeze %dma_wait3A_89 : memref<1x16x80x128xi32, #tpu.memory_space<hbm>> -> memref<16x80x128xi32, #tpu.memory_space<hbm>>
    %dma_wait3A_91 = arith.constant 0 : i32
    %dma_wait3A_92 = arith.constant 0 : i32
    %dma_wait3A_93 = tpu.memref_slice %dma_wait3A_90[%arg1, %dma_wait3A_91, %dma_wait3A_92] : memref<16x80x128xi32, #tpu.memory_space<hbm>> -> memref<1x80x128xi32, #tpu.memory_space<hbm>>
    %dma_wait3A_94 = tpu.memref_squeeze %dma_wait3A_93 : memref<1x80x128xi32, #tpu.memory_space<hbm>> -> memref<80x128xi32, #tpu.memory_space<hbm>>
    %dma_wait3A_95 = arith.constant 0 : i32
    %dma_wait3A_96 = tpu.memref_slice %dma_wait3A_94[%dma_wait3A_81, %dma_wait3A_95] : memref<80x128xi32, #tpu.memory_space<hbm>> -> memref<1x128xi32, #tpu.memory_space<hbm>>
    %dma_wait3A_97 = tpu.memref_squeeze %dma_wait3A_96 : memref<1x128xi32, #tpu.memory_space<hbm>> -> memref<128xi32, #tpu.memory_space<hbm>>
    %dma_wait3A_98 = arith.constant 0 : i32
    %dma_wait3A_99 = tpu.memref_slice %arg5[%dma_wait3A_82, %dma_wait3A_98] : memref<8x128xi32, #tpu.memory_space<vmem>> -> memref<1x128xi32, #tpu.memory_space<vmem>>
    %dma_wait3A_100 = tpu.memref_squeeze %dma_wait3A_99 : memref<1x128xi32, #tpu.memory_space<vmem>> -> memref<128xi32, #tpu.memory_space<vmem>>
    %dma_wait3A_101 = arith.constant 0 : i32
    %dma_wait3A_102 = arith.constant 0 : i32
    %dma_wait3A_103 = arith.constant 0 : i32
    %dma_wait3A_104 = tpu.memref_slice %arg3[%dma_wait3A, %dma_wait3A_101, %dma_wait3A_102, %dma_wait3A_103] : memref<2x16x80x128xi32, #tpu.memory_space<hbm>> -> memref<1x16x80x128xi32, #tpu.memory_space<hbm>>
    %dma_wait3A_105 = tpu.memref_squeeze %dma_wait3A_104 : memref<1x16x80x128xi32, #tpu.memory_space<hbm>> -> memref<16x80x128xi32, #tpu.memory_space<hbm>>
    %dma_wait3A_106 = arith.constant 0 : i32
    %dma_wait3A_107 = arith.constant 0 : i32
    %dma_wait3A_108 = tpu.memref_slice %dma_wait3A_105[%arg1, %dma_wait3A_106, %dma_wait3A_107] : memref<16x80x128xi32, #tpu.memory_space<hbm>> -> memref<1x80x128xi32, #tpu.memory_space<hbm>>
    %dma_wait3A_109 = tpu.memref_squeeze %dma_wait3A_108 : memref<1x80x128xi32, #tpu.memory_space<hbm>> -> memref<80x128xi32, #tpu.memory_space<hbm>>
    %dma_wait3A_110 = arith.constant 0 : i32
    %dma_wait3A_111 = tpu.memref_slice %dma_wait3A_109[%dma_wait3A_81, %dma_wait3A_110] : memref<80x128xi32, #tpu.memory_space<hbm>> -> memref<1x128xi32, #tpu.memory_space<hbm>>
    %dma_wait3A_112 = tpu.memref_squeeze %dma_wait3A_111 : memref<1x128xi32, #tpu.memory_space<hbm>> -> memref<128xi32, #tpu.memory_space<hbm>>
    tpu.wait_dma2 semaphore(%arg13 : memref<!tpu.dma_semaphore, #tpu.memory_space<semaphore_mem>>) src(%dma_wait3A_112 : memref<128xi32, #tpu.memory_space<hbm>>) dst(%dma_wait3A_100 : memref<128xi32, #tpu.memory_space<vmem>>)
    %dma_wait3A_113 = arith.constant 1 : i32
    %dma_wait3A_114 = arith.constant 0 : i32
    %dma_wait3A_115 = arith.constant 1 : i32
    %dma_wait3A_116 = arith.constant 0 : i32
    %dma_wait3A_117 = tpu.memref_slice %arg5[%dma_wait3A_115, %dma_wait3A_116] : memref<8x128xi32, #tpu.memory_space<vmem>> -> memref<1x128xi32, #tpu.memory_space<vmem>>
    %dma_wait3A_118 = tpu.memref_squeeze %dma_wait3A_117 : memref<1x128xi32, #tpu.memory_space<vmem>> -> memref<128xi32, #tpu.memory_space<vmem>>
    %dma_wait3A_119 = arith.constant 0 : i32
    %dma_wait3A_120 = arith.constant 0 : i32
    %dma_wait3A_121 = arith.constant 0 : i32
    %dma_wait3A_122 = tpu.memref_slice %arg3[%dma_wait3A_113, %dma_wait3A_119, %dma_wait3A_120, %dma_wait3A_121] : memref<2x16x80x128xi32, #tpu.memory_space<hbm>> -> memref<1x16x80x128xi32, #tpu.memory_space<hbm>>
    %dma_wait3A_123 = tpu.memref_squeeze %dma_wait3A_122 : memref<1x16x80x128xi32, #tpu.memory_space<hbm>> -> memref<16x80x128xi32, #tpu.memory_space<hbm>>
    %dma_wait3A_124 = arith.constant 0 : i32
    %dma_wait3A_125 = arith.constant 0 : i32
    %dma_wait3A_126 = tpu.memref_slice %dma_wait3A_123[%arg1, %dma_wait3A_124, %dma_wait3A_125] : memref<16x80x128xi32, #tpu.memory_space<hbm>> -> memref<1x80x128xi32, #tpu.memory_space<hbm>>
    %dma_wait3A_127 = tpu.memref_squeeze %dma_wait3A_126 : memref<1x80x128xi32, #tpu.memory_space<hbm>> -> memref<80x128xi32, #tpu.memory_space<hbm>>
    %dma_wait3A_128 = arith.constant 0 : i32
    %dma_wait3A_129 = tpu.memref_slice %dma_wait3A_127[%dma_wait3A_114, %dma_wait3A_128] : memref<80x128xi32, #tpu.memory_space<hbm>> -> memref<1x128xi32, #tpu.memory_space<hbm>>
    %dma_wait3A_130 = tpu.memref_squeeze %dma_wait3A_129 : memref<1x128xi32, #tpu.memory_space<hbm>> -> memref<128xi32, #tpu.memory_space<hbm>>
    %dma_wait3A_131 = arith.constant 0 : i32
    %dma_wait3A_132 = tpu.memref_slice %arg5[%dma_wait3A_115, %dma_wait3A_131] : memref<8x128xi32, #tpu.memory_space<vmem>> -> memref<1x128xi32, #tpu.memory_space<vmem>>
    %dma_wait3A_133 = tpu.memref_squeeze %dma_wait3A_132 : memref<1x128xi32, #tpu.memory_space<vmem>> -> memref<128xi32, #tpu.memory_space<vmem>>
    %dma_wait3A_134 = arith.constant 0 : i32
    %dma_wait3A_135 = arith.constant 0 : i32
    %dma_wait3A_136 = arith.constant 0 : i32
    %dma_wait3A_137 = tpu.memref_slice %arg3[%dma_wait3A_113, %dma_wait3A_134, %dma_wait3A_135, %dma_wait3A_136] : memref<2x16x80x128xi32, #tpu.memory_space<hbm>> -> memref<1x16x80x128xi32, #tpu.memory_space<hbm>>
    %dma_wait3A_138 = tpu.memref_squeeze %dma_wait3A_137 : memref<1x16x80x128xi32, #tpu.memory_space<hbm>> -> memref<16x80x128xi32, #tpu.memory_space<hbm>>
    %dma_wait3A_139 = arith.constant 0 : i32
    %dma_wait3A_140 = arith.constant 0 : i32
    %dma_wait3A_141 = tpu.memref_slice %dma_wait3A_138[%arg1, %dma_wait3A_139, %dma_wait3A_140] : memref<16x80x128xi32, #tpu.memory_space<hbm>> -> memref<1x80x128xi32, #tpu.memory_space<hbm>>
    %dma_wait3A_142 = tpu.memref_squeeze %dma_wait3A_141 : memref<1x80x128xi32, #tpu.memory_space<hbm>> -> memref<80x128xi32, #tpu.memory_space<hbm>>
    %dma_wait3A_143 = arith.constant 0 : i32
    %dma_wait3A_144 = tpu.memref_slice %dma_wait3A_142[%dma_wait3A_114, %dma_wait3A_143] : memref<80x128xi32, #tpu.memory_space<hbm>> -> memref<1x128xi32, #tpu.memory_space<hbm>>
    %dma_wait3A_145 = tpu.memref_squeeze %dma_wait3A_144 : memref<1x128xi32, #tpu.memory_space<hbm>> -> memref<128xi32, #tpu.memory_space<hbm>>
    tpu.wait_dma2 semaphore(%arg13 : memref<!tpu.dma_semaphore, #tpu.memory_space<semaphore_mem>>) src(%dma_wait3A_145 : memref<128xi32, #tpu.memory_space<hbm>>) dst(%dma_wait3A_133 : memref<128xi32, #tpu.memory_space<vmem>>)
    %get3A = arith.constant 0 : index
    %get3A_146 = arith.constant 0 : index
    %get3A_147 = tpu.vector_load %arg5[%get3A, %get3A_146] {strides = array<i32>} : memref<8x128xi32, #tpu.memory_space<vmem>>, vector<1x16xi32>,
    %get3A_148 = vector.shape_cast %get3A_147 : vector<1x16xi32> to vector<1x16xi32>
    %reshape3A = vector.shape_cast %add3A_2 : vector<16xi32> to vector<1x16xi32>
    %add3A_149 = arith.addi %get3A_148, %reshape3A : vector<1x16xi32>
    %swap3A = arith.constant 0 : index
    %swap3A_150 = arith.constant 0 : index
    %swap3A_151 = tpu.vector_load %arg5[%swap3A, %swap3A_150] {strides = array<i32>} : memref<8x128xi32, #tpu.memory_space<vmem>>, vector<1x16xi32>,
    %swap3A_152 = vector.shape_cast %swap3A_151 : vector<1x16xi32> to vector<1x16xi32>
    %swap3A_153 = vector.shape_cast %add3A_149 : vector<1x16xi32> to vector<1x16xi32>
    tpu.vector_store %arg5[%swap3A, %swap3A_150], %swap3A_153 {strides = array<i32>} : memref<8x128xi32, #tpu.memory_space<vmem>>, vector<1x16xi32>,
    %get3A_154 = arith.constant 0 : index
    %get3A_155 = arith.constant 16 : index
    %get3A_156 = tpu.vector_load %arg5[%get3A_154, %get3A_155] {strides = array<i32>} : memref<8x128xi32, #tpu.memory_space<vmem>>, vector<1x16xi32>,
    %get3A_157 = vector.shape_cast %get3A_156 : vector<1x16xi32> to vector<1x16xi32>
    %reshape3A_158 = vector.shape_cast %add3A_2 : vector<16xi32> to vector<1x16xi32>
    %add3A_159 = arith.addi %get3A_157, %reshape3A_158 : vector<1x16xi32>
    %swap3A_160 = arith.constant 0 : index
    %swap3A_161 = arith.constant 16 : index
    %swap3A_162 = tpu.vector_load %arg5[%swap3A_160, %swap3A_161] {strides = array<i32>} : memref<8x128xi32, #tpu.memory_space<vmem>>, vector<1x16xi32>,
    %swap3A_163 = vector.shape_cast %swap3A_162 : vector<1x16xi32> to vector<1x16xi32>
    %swap3A_164 = vector.shape_cast %add3A_159 : vector<1x16xi32> to vector<1x16xi32>
    tpu.vector_store %arg5[%swap3A_160, %swap3A_161], %swap3A_164 {strides = array<i32>} : memref<8x128xi32, #tpu.memory_space<vmem>>, vector<1x16xi32>,
    %get3A_165 = arith.constant 0 : index
    %get3A_166 = arith.constant 32 : index
    %get3A_167 = tpu.vector_load %arg5[%get3A_165, %get3A_166] {strides = array<i32>} : memref<8x128xi32, #tpu.memory_space<vmem>>, vector<1x16xi32>,
    %get3A_168 = vector.shape_cast %get3A_167 : vector<1x16xi32> to vector<1x16xi32>
    %reshape3A_169 = vector.shape_cast %add3A_2 : vector<16xi32> to vector<1x16xi32>
    %add3A_170 = arith.addi %get3A_168, %reshape3A_169 : vector<1x16xi32>
    %swap3A_171 = arith.constant 0 : index
    %swap3A_172 = arith.constant 32 : index
    %swap3A_173 = tpu.vector_load %arg5[%swap3A_171, %swap3A_172] {strides = array<i32>} : memref<8x128xi32, #tpu.memory_space<vmem>>, vector<1x16xi32>,
    %swap3A_174 = vector.shape_cast %swap3A_173 : vector<1x16xi32> to vector<1x16xi32>
    %swap3A_175 = vector.shape_cast %add3A_170 : vector<1x16xi32> to vector<1x16xi32>
    tpu.vector_store %arg5[%swap3A_171, %swap3A_172], %swap3A_175 {strides = array<i32>} : memref<8x128xi32, #tpu.memory_space<vmem>>, vector<1x16xi32>,
    %get3A_176 = arith.constant 0 : index
    %get3A_177 = arith.constant 48 : index
    %get3A_178 = tpu.vector_load %arg5[%get3A_176, %get3A_177] {strides = array<i32>} : memref<8x128xi32, #tpu.memory_space<vmem>>, vector<1x16xi32>,
    %get3A_179 = vector.shape_cast %get3A_178 : vector<1x16xi32> to vector<1x16xi32>
    %reshape3A_180 = vector.shape_cast %add3A_2 : vector<16xi32> to vector<1x16xi32>
    %add3A_181 = arith.addi %get3A_179, %reshape3A_180 : vector<1x16xi32>
    %swap3A_182 = arith.constant 0 : index
    %swap3A_183 = arith.constant 48 : index
    %swap3A_184 = tpu.vector_load %arg5[%swap3A_182, %swap3A_183] {strides = array<i32>} : memref<8x128xi32, #tpu.memory_space<vmem>>, vector<1x16xi32>,
    %swap3A_185 = vector.shape_cast %swap3A_184 : vector<1x16xi32> to vector<1x16xi32>
    %swap3A_186 = vector.shape_cast %add3A_181 : vector<1x16xi32> to vector<1x16xi32>
    tpu.vector_store %arg5[%swap3A_182, %swap3A_183], %swap3A_186 {strides = array<i32>} : memref<8x128xi32, #tpu.memory_space<vmem>>, vector<1x16xi32>,
    %get3A_187 = arith.constant 0 : index
    %get3A_188 = arith.constant 64 : index
    %get3A_189 = tpu.vector_load %arg5[%get3A_187, %get3A_188] {strides = array<i32>} : memref<8x128xi32, #tpu.memory_space<vmem>>, vector<1x16xi32>,
    %get3A_190 = vector.shape_cast %get3A_189 : vector<1x16xi32> to vector<1x16xi32>
    %reshape3A_191 = vector.shape_cast %add3A_2 : vector<16xi32> to vector<1x16xi32>
    %add3A_192 = arith.addi %get3A_190, %reshape3A_191 : vector<1x16xi32>
    %swap3A_193 = arith.constant 0 : index
    %swap3A_194 = arith.constant 64 : index
    %swap3A_195 = tpu.vector_load %arg5[%swap3A_193, %swap3A_194] {strides = array<i32>} : memref<8x128xi32, #tpu.memory_space<vmem>>, vector<1x16xi32>,
    %swap3A_196 = vector.shape_cast %swap3A_195 : vector<1x16xi32> to vector<1x16xi32>
    %swap3A_197 = vector.shape_cast %add3A_192 : vector<1x16xi32> to vector<1x16xi32>
    tpu.vector_store %arg5[%swap3A_193, %swap3A_194], %swap3A_197 {strides = array<i32>} : memref<8x128xi32, #tpu.memory_space<vmem>>, vector<1x16xi32>,
    %get3A_198 = arith.constant 0 : index
    %get3A_199 = arith.constant 80 : index
    %get3A_200 = tpu.vector_load %arg5[%get3A_198, %get3A_199] {strides = array<i32>} : memref<8x128xi32, #tpu.memory_space<vmem>>, vector<1x16xi32>,
    %get3A_201 = vector.shape_cast %get3A_200 : vector<1x16xi32> to vector<1x16xi32>
    %reshape3A_202 = vector.shape_cast %add3A_2 : vector<16xi32> to vector<1x16xi32>
    %add3A_203 = arith.addi %get3A_201, %reshape3A_202 : vector<1x16xi32>
    %swap3A_204 = arith.constant 0 : index
    %swap3A_205 = arith.constant 80 : index
    %swap3A_206 = tpu.vector_load %arg5[%swap3A_204, %swap3A_205] {strides = array<i32>} : memref<8x128xi32, #tpu.memory_space<vmem>>, vector<1x16xi32>,
    %swap3A_207 = vector.shape_cast %swap3A_206 : vector<1x16xi32> to vector<1x16xi32>
    %swap3A_208 = vector.shape_cast %add3A_203 : vector<1x16xi32> to vector<1x16xi32>
    tpu.vector_store %arg5[%swap3A_204, %swap3A_205], %swap3A_208 {strides = array<i32>} : memref<8x128xi32, #tpu.memory_space<vmem>>, vector<1x16xi32>,
    %get3A_209 = arith.constant 0 : index
    %get3A_210 = arith.constant 96 : index
    %get3A_211 = tpu.vector_load %arg5[%get3A_209, %get3A_210] {strides = array<i32>} : memref<8x128xi32, #tpu.memory_space<vmem>>, vector<1x16xi32>,
    %get3A_212 = vector.shape_cast %get3A_211 : vector<1x16xi32> to vector<1x16xi32>
    %reshape3A_213 = vector.shape_cast %add3A_2 : vector<16xi32> to vector<1x16xi32>
    %add3A_214 = arith.addi %get3A_212, %reshape3A_213 : vector<1x16xi32>
    %swap3A_215 = arith.constant 0 : index
    %swap3A_216 = arith.constant 96 : index
    %swap3A_217 = tpu.vector_load %arg5[%swap3A_215, %swap3A_216] {strides = array<i32>} : memref<8x128xi32, #tpu.memory_space<vmem>>, vector<1x16xi32>,
    %swap3A_218 = vector.shape_cast %swap3A_217 : vector<1x16xi32> to vector<1x16xi32>
    %swap3A_219 = vector.shape_cast %add3A_214 : vector<1x16xi32> to vector<1x16xi32>
    tpu.vector_store %arg5[%swap3A_215, %swap3A_216], %swap3A_219 {strides = array<i32>} : memref<8x128xi32, #tpu.memory_space<vmem>>, vector<1x16xi32>,
    %get3A_220 = arith.constant 0 : index
    %get3A_221 = arith.constant 112 : index
    %get3A_222 = tpu.vector_load %arg5[%get3A_220, %get3A_221] {strides = array<i32>} : memref<8x128xi32, #tpu.memory_space<vmem>>, vector<1x16xi32>,
    %get3A_223 = vector.shape_cast %get3A_222 : vector<1x16xi32> to vector<1x16xi32>
    %reshape3A_224 = vector.shape_cast %add3A_2 : vector<16xi32> to vector<1x16xi32>
    %add3A_225 = arith.addi %get3A_223, %reshape3A_224 : vector<1x16xi32>
    %swap3A_226 = arith.constant 0 : index
    %swap3A_227 = arith.constant 112 : index
    %swap3A_228 = tpu.vector_load %arg5[%swap3A_226, %swap3A_227] {strides = array<i32>} : memref<8x128xi32, #tpu.memory_space<vmem>>, vector<1x16xi32>,
    %swap3A_229 = vector.shape_cast %swap3A_228 : vector<1x16xi32> to vector<1x16xi32>
    %swap3A_230 = vector.shape_cast %add3A_225 : vector<1x16xi32> to vector<1x16xi32>
    tpu.vector_store %arg5[%swap3A_226, %swap3A_227], %swap3A_230 {strides = array<i32>} : memref<8x128xi32, #tpu.memory_space<vmem>>, vector<1x16xi32>,
    %dma_start3A_231 = arith.constant 0 : i32
    %dma_start3A_232 = arith.constant 0 : i32
    %dma_start3A_233 = tpu.memref_slice %arg5[%dma_start3A_231, %dma_start3A_232] : memref<8x128xi32, #tpu.memory_space<vmem>> -> memref<1x128xi32, #tpu.memory_space<vmem>>
    %dma_start3A_234 = tpu.memref_squeeze %dma_start3A_233 : memref<1x128xi32, #tpu.memory_space<vmem>> -> memref<128xi32, #tpu.memory_space<vmem>>
    %dma_start3A_235 = arith.constant 0 : i32
    %dma_start3A_236 = arith.constant 0 : i32
    %dma_start3A_237 = tpu.memref_slice %arg2[%dma_start3A_235, %dma_start3A_236] : memref<20000x128xf32, #tpu.memory_space<hbm>> -> memref<20000x128xf32, #tpu.memory_space<hbm>>
    tpu.enqueue_indirect_dma source(%dma_start3A_237 : memref<20000x128xf32, #tpu.memory_space<hbm>>) target(%arg6 : memref<128x128xf32, #tpu.memory_space<vmem>>) offsets(%dma_start3A_234 : memref<128xi32, #tpu.memory_space<vmem>>) semaphore(%arg12 : memref<!tpu.dma_semaphore, #tpu.memory_space<semaphore_mem>>)
    %dma_start3A_238 = arith.constant 0 : i32
    %dma_start3A_239 = arith.constant 1 : i32
    %dma_start3A_240 = arith.constant 2 : i32
    %dma_start3A_241 = arith.constant 0 : i32
    %dma_start3A_242 = tpu.memref_slice %arg5[%dma_start3A_240, %dma_start3A_241] : memref<8x128xi32, #tpu.memory_space<vmem>> -> memref<1x128xi32, #tpu.memory_space<vmem>>
    %dma_start3A_243 = tpu.memref_squeeze %dma_start3A_242 : memref<1x128xi32, #tpu.memory_space<vmem>> -> memref<128xi32, #tpu.memory_space<vmem>>
    %dma_start3A_244 = arith.constant 0 : i32
    %dma_start3A_245 = arith.constant 0 : i32
    %dma_start3A_246 = arith.constant 0 : i32
    %dma_start3A_247 = tpu.memref_slice %arg3[%dma_start3A_238, %dma_start3A_244, %dma_start3A_245, %dma_start3A_246] : memref<2x16x80x128xi32, #tpu.memory_space<hbm>> -> memref<1x16x80x128xi32, #tpu.memory_space<hbm>>
    %dma_start3A_248 = tpu.memref_squeeze %dma_start3A_247 : memref<1x16x80x128xi32, #tpu.memory_space<hbm>> -> memref<16x80x128xi32, #tpu.memory_space<hbm>>
    %dma_start3A_249 = arith.constant 0 : i32
    %dma_start3A_250 = arith.constant 0 : i32
    %dma_start3A_251 = tpu.memref_slice %dma_start3A_248[%arg1, %dma_start3A_249, %dma_start3A_250] : memref<16x80x128xi32, #tpu.memory_space<hbm>> -> memref<1x80x128xi32, #tpu.memory_space<hbm>>
    %dma_start3A_252 = tpu.memref_squeeze %dma_start3A_251 : memref<1x80x128xi32, #tpu.memory_space<hbm>> -> memref<80x128xi32, #tpu.memory_space<hbm>>
    %dma_start3A_253 = arith.constant 0 : i32
    %dma_start3A_254 = tpu.memref_slice %dma_start3A_252[%dma_start3A_239, %dma_start3A_253] : memref<80x128xi32, #tpu.memory_space<hbm>> -> memref<1x128xi32, #tpu.memory_space<hbm>>
    %dma_start3A_255 = tpu.memref_squeeze %dma_start3A_254 : memref<1x128xi32, #tpu.memory_space<hbm>> -> memref<128xi32, #tpu.memory_space<hbm>>
    %dma_start3A_256 = arith.constant 0 : i32
    %dma_start3A_257 = tpu.memref_slice %arg5[%dma_start3A_240, %dma_start3A_256] : memref<8x128xi32, #tpu.memory_space<vmem>> -> memref<1x128xi32, #tpu.memory_space<vmem>>
    %dma_start3A_258 = tpu.memref_squeeze %dma_start3A_257 : memref<1x128xi32, #tpu.memory_space<vmem>> -> memref<128xi32, #tpu.memory_space<vmem>>
    %dma_start3A_259 = arith.constant 0 : i32
    %dma_start3A_260 = arith.constant 0 : i32
    %dma_start3A_261 = arith.constant 0 : i32
    %dma_start3A_262 = tpu.memref_slice %arg3[%dma_start3A_238, %dma_start3A_259, %dma_start3A_260, %dma_start3A_261] : memref<2x16x80x128xi32, #tpu.memory_space<hbm>> -> memref<1x16x80x128xi32, #tpu.memory_space<hbm>>
    %dma_start3A_263 = tpu.memref_squeeze %dma_start3A_262 : memref<1x16x80x128xi32, #tpu.memory_space<hbm>> -> memref<16x80x128xi32, #tpu.memory_space<hbm>>
    %dma_start3A_264 = arith.constant 0 : i32
    %dma_start3A_265 = arith.constant 0 : i32
    %dma_start3A_266 = tpu.memref_slice %dma_start3A_263[%arg1, %dma_start3A_264, %dma_start3A_265] : memref<16x80x128xi32, #tpu.memory_space<hbm>> -> memref<1x80x128xi32, #tpu.memory_space<hbm>>
    %dma_start3A_267 = tpu.memref_squeeze %dma_start3A_266 : memref<1x80x128xi32, #tpu.memory_space<hbm>> -> memref<80x128xi32, #tpu.memory_space<hbm>>
    %dma_start3A_268 = arith.constant 0 : i32
    %dma_start3A_269 = tpu.memref_slice %dma_start3A_267[%dma_start3A_239, %dma_start3A_268] : memref<80x128xi32, #tpu.memory_space<hbm>> -> memref<1x128xi32, #tpu.memory_space<hbm>>
    %dma_start3A_270 = tpu.memref_squeeze %dma_start3A_269 : memref<1x128xi32, #tpu.memory_space<hbm>> -> memref<128xi32, #tpu.memory_space<hbm>>
    tpu.enqueue_dma source(%dma_start3A_270 : memref<128xi32, #tpu.memory_space<hbm>>) target(%dma_start3A_258 : memref<128xi32, #tpu.memory_space<vmem>>) target_semaphore(%arg13 : memref<!tpu.dma_semaphore, #tpu.memory_space<semaphore_mem>>)
    %dma_start3A_271 = arith.constant 1 : i32
    %dma_start3A_272 = arith.constant 1 : i32
    %dma_start3A_273 = arith.constant 3 : i32
    %dma_start3A_274 = arith.constant 0 : i32
    %dma_start3A_275 = tpu.memref_slice %arg5[%dma_start3A_273, %dma_start3A_274] : memref<8x128xi32, #tpu.memory_space<vmem>> -> memref<1x128xi32, #tpu.memory_space<vmem>>
    %dma_start3A_276 = tpu.memref_squeeze %dma_start3A_275 : memref<1x128xi32, #tpu.memory_space<vmem>> -> memref<128xi32, #tpu.memory_space<vmem>>
    %dma_start3A_277 = arith.constant 0 : i32
    %dma_start3A_278 = arith.constant 0 : i32
    %dma_start3A_279 = arith.constant 0 : i32
    %dma_start3A_280 = tpu.memref_slice %arg3[%dma_start3A_271, %dma_start3A_277, %dma_start3A_278, %dma_start3A_279] : memref<2x16x80x128xi32, #tpu.memory_space<hbm>> -> memref<1x16x80x128xi32, #tpu.memory_space<hbm>>
    %dma_start3A_281 = tpu.memref_squeeze %dma_start3A_280 : memref<1x16x80x128xi32, #tpu.memory_space<hbm>> -> memref<16x80x128xi32, #tpu.memory_space<hbm>>
    %dma_start3A_282 = arith.constant 0 : i32
    %dma_start3A_283 = arith.constant 0 : i32
    %dma_start3A_284 = tpu.memref_slice %dma_start3A_281[%arg1, %dma_start3A_282, %dma_start3A_283] : memref<16x80x128xi32, #tpu.memory_space<hbm>> -> memref<1x80x128xi32, #tpu.memory_space<hbm>>
    %dma_start3A_285 = tpu.memref_squeeze %dma_start3A_284 : memref<1x80x128xi32, #tpu.memory_space<hbm>> -> memref<80x128xi32, #tpu.memory_space<hbm>>
    %dma_start3A_286 = arith.constant 0 : i32
    %dma_start3A_287 = tpu.memref_slice %dma_start3A_285[%dma_start3A_272, %dma_start3A_286] : memref<80x128xi32, #tpu.memory_space<hbm>> -> memref<1x128xi32, #tpu.memory_space<hbm>>
    %dma_start3A_288 = tpu.memref_squeeze %dma_start3A_287 : memref<1x128xi32, #tpu.memory_space<hbm>> -> memref<128xi32, #tpu.memory_space<hbm>>
    %dma_start3A_289 = arith.constant 0 : i32
    %dma_start3A_290 = tpu.memref_slice %arg5[%dma_start3A_273, %dma_start3A_289] : memref<8x128xi32, #tpu.memory_space<vmem>> -> memref<1x128xi32, #tpu.memory_space<vmem>>
    %dma_start3A_291 = tpu.memref_squeeze %dma_start3A_290 : memref<1x128xi32, #tpu.memory_space<vmem>> -> memref<128xi32, #tpu.memory_space<vmem>>
    %dma_start3A_292 = arith.constant 0 : i32
    %dma_start3A_293 = arith.constant 0 : i32
    %dma_start3A_294 = arith.constant 0 : i32
    %dma_start3A_295 = tpu.memref_slice %arg3[%dma_start3A_271, %dma_start3A_292, %dma_start3A_293, %dma_start3A_294] : memref<2x16x80x128xi32, #tpu.memory_space<hbm>> -> memref<1x16x80x128xi32, #tpu.memory_space<hbm>>
    %dma_start3A_296 = tpu.memref_squeeze %dma_start3A_295 : memref<1x16x80x128xi32, #tpu.memory_space<hbm>> -> memref<16x80x128xi32, #tpu.memory_space<hbm>>
    %dma_start3A_297 = arith.constant 0 : i32
    %dma_start3A_298 = arith.constant 0 : i32
    %dma_start3A_299 = tpu.memref_slice %dma_start3A_296[%arg1, %dma_start3A_297, %dma_start3A_298] : memref<16x80x128xi32, #tpu.memory_space<hbm>> -> memref<1x80x128xi32, #tpu.memory_space<hbm>>
    %dma_start3A_300 = tpu.memref_squeeze %dma_start3A_299 : memref<1x80x128xi32, #tpu.memory_space<hbm>> -> memref<80x128xi32, #tpu.memory_space<hbm>>
    %dma_start3A_301 = arith.constant 0 : i32
    %dma_start3A_302 = tpu.memref_slice %dma_start3A_300[%dma_start3A_272, %dma_start3A_301] : memref<80x128xi32, #tpu.memory_space<hbm>> -> memref<1x128xi32, #tpu.memory_space<hbm>>
    %dma_start3A_303 = tpu.memref_squeeze %dma_start3A_302 : memref<1x128xi32, #tpu.memory_space<hbm>> -> memref<128xi32, #tpu.memory_space<hbm>>
    tpu.enqueue_dma source(%dma_start3A_303 : memref<128xi32, #tpu.memory_space<hbm>>) target(%dma_start3A_291 : memref<128xi32, #tpu.memory_space<vmem>>) target_semaphore(%arg13 : memref<!tpu.dma_semaphore, #tpu.memory_space<semaphore_mem>>)
    %dma_start3A_304 = arith.constant 0 : i32
    %dma_start3A_305 = arith.constant 2 : i32
    %dma_start3A_306 = arith.constant 4 : i32
    %dma_start3A_307 = arith.constant 0 : i32
    %dma_start3A_308 = tpu.memref_slice %arg5[%dma_start3A_306, %dma_start3A_307] : memref<8x128xi32, #tpu.memory_space<vmem>> -> memref<1x128xi32, #tpu.memory_space<vmem>>
    %dma_start3A_309 = tpu.memref_squeeze %dma_start3A_308 : memref<1x128xi32, #tpu.memory_space<vmem>> -> memref<128xi32, #tpu.memory_space<vmem>>
    %dma_start3A_310 = arith.constant 0 : i32
    %dma_start3A_311 = arith.constant 0 : i32
    %dma_start3A_312 = arith.constant 0 : i32
    %dma_start3A_313 = tpu.memref_slice %arg3[%dma_start3A_304, %dma_start3A_310, %dma_start3A_311, %dma_start3A_312] : memref<2x16x80x128xi32, #tpu.memory_space<hbm>> -> memref<1x16x80x128xi32, #tpu.memory_space<hbm>>
    %dma_start3A_314 = tpu.memref_squeeze %dma_start3A_313 : memref<1x16x80x128xi32, #tpu.memory_space<hbm>> -> memref<16x80x128xi32, #tpu.memory_space<hbm>>
    %dma_start3A_315 = arith.constant 0 : i32
    %dma_start3A_316 = arith.constant 0 : i32
    %dma_start3A_317 = tpu.memref_slice %dma_start3A_314[%arg1, %dma_start3A_315, %dma_start3A_316] : memref<16x80x128xi32, #tpu.memory_space<hbm>> -> memref<1x80x128xi32, #tpu.memory_space<hbm>>
    %dma_start3A_318 = tpu.memref_squeeze %dma_start3A_317 : memref<1x80x128xi32, #tpu.memory_space<hbm>> -> memref<80x128xi32, #tpu.memory_space<hbm>>
    %dma_start3A_319 = arith.constant 0 : i32
    %dma_start3A_320 = tpu.memref_slice %dma_start3A_318[%dma_start3A_305, %dma_start3A_319] : memref<80x128xi32, #tpu.memory_space<hbm>> -> memref<1x128xi32, #tpu.memory_space<hbm>>
    %dma_start3A_321 = tpu.memref_squeeze %dma_start3A_320 : memref<1x128xi32, #tpu.memory_space<hbm>> -> memref<128xi32, #tpu.memory_space<hbm>>
    %dma_start3A_322 = arith.constant 0 : i32
    %dma_start3A_323 = tpu.memref_slice %arg5[%dma_start3A_306, %dma_start3A_322] : memref<8x128xi32, #tpu.memory_space<vmem>> -> memref<1x128xi32, #tpu.memory_space<vmem>>
    %dma_start3A_324 = tpu.memref_squeeze %dma_start3A_323 : memref<1x128xi32, #tpu.memory_space<vmem>> -> memref<128xi32, #tpu.memory_space<vmem>>
    %dma_start3A_325 = arith.constant 0 : i32
    %dma_start3A_326 = arith.constant 0 : i32
    %dma_start3A_327 = arith.constant 0 : i32
    %dma_start3A_328 = tpu.memref_slice %arg3[%dma_start3A_304, %dma_start3A_325, %dma_start3A_326, %dma_start3A_327] : memref<2x16x80x128xi32, #tpu.memory_space<hbm>> -> memref<1x16x80x128xi32, #tpu.memory_space<hbm>>
    %dma_start3A_329 = tpu.memref_squeeze %dma_start3A_328 : memref<1x16x80x128xi32, #tpu.memory_space<hbm>> -> memref<16x80x128xi32, #tpu.memory_space<hbm>>
    %dma_start3A_330 = arith.constant 0 : i32
    %dma_start3A_331 = arith.constant 0 : i32
    %dma_start3A_332 = tpu.memref_slice %dma_start3A_329[%arg1, %dma_start3A_330, %dma_start3A_331] : memref<16x80x128xi32, #tpu.memory_space<hbm>> -> memref<1x80x128xi32, #tpu.memory_space<hbm>>
    %dma_start3A_333 = tpu.memref_squeeze %dma_start3A_332 : memref<1x80x128xi32, #tpu.memory_space<hbm>> -> memref<80x128xi32, #tpu.memory_space<hbm>>
    %dma_start3A_334 = arith.constant 0 : i32
    %dma_start3A_335 = tpu.memref_slice %dma_start3A_333[%dma_start3A_305, %dma_start3A_334] : memref<80x128xi32, #tpu.memory_space<hbm>> -> memref<1x128xi32, #tpu.memory_space<hbm>>
    %dma_start3A_336 = tpu.memref_squeeze %dma_start3A_335 : memref<1x128xi32, #tpu.memory_space<hbm>> -> memref<128xi32, #tpu.memory_space<hbm>>
    tpu.enqueue_dma source(%dma_start3A_336 : memref<128xi32, #tpu.memory_space<hbm>>) target(%dma_start3A_324 : memref<128xi32, #tpu.memory_space<vmem>>) target_semaphore(%arg13 : memref<!tpu.dma_semaphore, #tpu.memory_space<semaphore_mem>>)
    %dma_start3A_337 = arith.constant 1 : i32
    %dma_start3A_338 = arith.constant 2 : i32
    %dma_start3A_339 = arith.constant 5 : i32
    %dma_start3A_340 = arith.constant 0 : i32
    %dma_start3A_341 = tpu.memref_slice %arg5[%dma_start3A_339, %dma_start3A_340] : memref<8x128xi32, #tpu.memory_space<vmem>> -> memref<1x128xi32, #tpu.memory_space<vmem>>
    %dma_start3A_342 = tpu.memref_squeeze %dma_start3A_341 : memref<1x128xi32, #tpu.memory_space<vmem>> -> memref<128xi32, #tpu.memory_space<vmem>>
    %dma_start3A_343 = arith.constant 0 : i32
    %dma_start3A_344 = arith.constant 0 : i32
    %dma_start3A_345 = arith.constant 0 : i32
    %dma_start3A_346 = tpu.memref_slice %arg3[%dma_start3A_337, %dma_start3A_343, %dma_start3A_344, %dma_start3A_345] : memref<2x16x80x128xi32, #tpu.memory_space<hbm>> -> memref<1x16x80x128xi32, #tpu.memory_space<hbm>>
    %dma_start3A_347 = tpu.memref_squeeze %dma_start3A_346 : memref<1x16x80x128xi32, #tpu.memory_space<hbm>> -> memref<16x80x128xi32, #tpu.memory_space<hbm>>
    %dma_start3A_348 = arith.constant 0 : i32
    %dma_start3A_349 = arith.constant 0 : i32
    %dma_start3A_350 = tpu.memref_slice %dma_start3A_347[%arg1, %dma_start3A_348, %dma_start3A_349] : memref<16x80x128xi32, #tpu.memory_space<hbm>> -> memref<1x80x128xi32, #tpu.memory_space<hbm>>
    %dma_start3A_351 = tpu.memref_squeeze %dma_start3A_350 : memref<1x80x128xi32, #tpu.memory_space<hbm>> -> memref<80x128xi32, #tpu.memory_space<hbm>>
    %dma_start3A_352 = arith.constant 0 : i32
    %dma_start3A_353 = tpu.memref_slice %dma_start3A_351[%dma_start3A_338, %dma_start3A_352] : memref<80x128xi32, #tpu.memory_space<hbm>> -> memref<1x128xi32, #tpu.memory_space<hbm>>
    %dma_start3A_354 = tpu.memref_squeeze %dma_start3A_353 : memref<1x128xi32, #tpu.memory_space<hbm>> -> memref<128xi32, #tpu.memory_space<hbm>>
    %dma_start3A_355 = arith.constant 0 : i32
    %dma_start3A_356 = tpu.memref_slice %arg5[%dma_start3A_339, %dma_start3A_355] : memref<8x128xi32, #tpu.memory_space<vmem>> -> memref<1x128xi32, #tpu.memory_space<vmem>>
    %dma_start3A_357 = tpu.memref_squeeze %dma_start3A_356 : memref<1x128xi32, #tpu.memory_space<vmem>> -> memref<128xi32, #tpu.memory_space<vmem>>
    %dma_start3A_358 = arith.constant 0 : i32
    %dma_start3A_359 = arith.constant 0 : i32
    %dma_start3A_360 = arith.constant 0 : i32
    %dma_start3A_361 = tpu.memref_slice %arg3[%dma_start3A_337, %dma_start3A_358, %dma_start3A_359, %dma_start3A_360] : memref<2x16x80x128xi32, #tpu.memory_space<hbm>> -> memref<1x16x80x128xi32, #tpu.memory_space<hbm>>
    %dma_start3A_362 = tpu.memref_squeeze %dma_start3A_361 : memref<1x16x80x128xi32, #tpu.memory_space<hbm>> -> memref<16x80x128xi32, #tpu.memory_space<hbm>>
    %dma_start3A_363 = arith.constant 0 : i32
    %dma_start3A_364 = arith.constant 0 : i32
    %dma_start3A_365 = tpu.memref_slice %dma_start3A_362[%arg1, %dma_start3A_363, %dma_start3A_364] : memref<16x80x128xi32, #tpu.memory_space<hbm>> -> memref<1x80x128xi32, #tpu.memory_space<hbm>>
    %dma_start3A_366 = tpu.memref_squeeze %dma_start3A_365 : memref<1x80x128xi32, #tpu.memory_space<hbm>> -> memref<80x128xi32, #tpu.memory_space<hbm>>
    %dma_start3A_367 = arith.constant 0 : i32
    %dma_start3A_368 = tpu.memref_slice %dma_start3A_366[%dma_start3A_338, %dma_start3A_367] : memref<80x128xi32, #tpu.memory_space<hbm>> -> memref<1x128xi32, #tpu.memory_space<hbm>>
    %dma_start3A_369 = tpu.memref_squeeze %dma_start3A_368 : memref<1x128xi32, #tpu.memory_space<hbm>> -> memref<128xi32, #tpu.memory_space<hbm>>
    tpu.enqueue_dma source(%dma_start3A_369 : memref<128xi32, #tpu.memory_space<hbm>>) target(%dma_start3A_357 : memref<128xi32, #tpu.memory_space<vmem>>) target_semaphore(%arg13 : memref<!tpu.dma_semaphore, #tpu.memory_space<semaphore_mem>>)
    %scan3A_370 = arith.constant 0 : i32
    %scan3A_371 = arith.constant 1 : i32
    %scan3A_372 = arith.constant 0 : i32
    %scan3A_373 = arith.constant 20 : i32
    %scan3A_374 = arith.addi %scan3A_372, %scan3A_373 : i32
    %scan3A_375 = arith.constant 1 : i32
    scf.for %scan3A_397 = %scan3A_372 to %scan3A_374 step %scan3A_375  : i32 {
      %mul3A_398 = arith.constant 1 : i32
      %mul3A_399 = arith.muli %scan3A_397, %mul3A_398 : i32
      %add3A_400 = arith.constant 0 : i32
      %add3A_401 = arith.addi %add3A_400, %mul3A_399 : i32
      %mul3A_402 = arith.constant 4 : i32
      %mul3A_403 = arith.muli %mul3A_402, %add3A_401 : i32
      %add3A_404 = arith.constant 0 : i32
      %add3A_405 = arith.addi %mul3A_403, %add3A_404 : i32
      %lt3A = arith.constant 79 : i32
      %lt3A_406 = arith.cmpi slt, %add3A_405, %lt3A : i32
      %convert_element_type3A = arith.extui %lt3A_406 : i1 to i32
      %cond3A = arith.constant 0 : i32
      %cond3A_407 = arith.cmpi ne, %convert_element_type3A, %cond3A : i32
      scf.if %cond3A_407 {
        %add3A_586 = arith.constant 1 : i32
        %add3A_587 = arith.addi %add3A_405, %add3A_586 : i32
        %dma_wait3A_588 = arith.constant 2 : i32
        %dma_wait3A_589 = arith.constant 0 : i32
        %dma_wait3A_590 = tpu.memref_slice %arg5[%dma_wait3A_588, %dma_wait3A_589] : memref<8x128xi32, #tpu.memory_space<vmem>> -> memref<1x128xi32, #tpu.memory_space<vmem>>
        %dma_wait3A_591 = tpu.memref_squeeze %dma_wait3A_590 : memref<1x128xi32, #tpu.memory_space<vmem>> -> memref<128xi32, #tpu.memory_space<vmem>>
        %dma_wait3A_592 = arith.constant 0 : i32
        %dma_wait3A_593 = arith.constant 0 : i32
        %dma_wait3A_594 = arith.constant 0 : i32
        %dma_wait3A_595 = tpu.memref_slice %arg3[%scan3A_370, %dma_wait3A_592, %dma_wait3A_593, %dma_wait3A_594] : memref<2x16x80x128xi32, #tpu.memory_space<hbm>> -> memref<1x16x80x128xi32, #tpu.memory_space<hbm>>
        %dma_wait3A_596 = tpu.memref_squeeze %dma_wait3A_595 : memref<1x16x80x128xi32, #tpu.memory_space<hbm>> -> memref<16x80x128xi32, #tpu.memory_space<hbm>>
        %dma_wait3A_597 = arith.constant 0 : i32
        %dma_wait3A_598 = arith.constant 0 : i32
        %dma_wait3A_599 = tpu.memref_slice %dma_wait3A_596[%arg1, %dma_wait3A_597, %dma_wait3A_598] : memref<16x80x128xi32, #tpu.memory_space<hbm>> -> memref<1x80x128xi32, #tpu.memory_space<hbm>>
        %dma_wait3A_600 = tpu.memref_squeeze %dma_wait3A_599 : memref<1x80x128xi32, #tpu.memory_space<hbm>> -> memref<80x128xi32, #tpu.memory_space<hbm>>
        %dma_wait3A_601 = arith.constant 0 : i32
        %dma_wait3A_602 = tpu.memref_slice %dma_wait3A_600[%add3A_587, %dma_wait3A_601] : memref<80x128xi32, #tpu.memory_space<hbm>> -> memref<1x128xi32, #tpu.memory_space<hbm>>
        %dma_wait3A_603 = tpu.memref_squeeze %dma_wait3A_602 : memref<1x128xi32, #tpu.memory_space<hbm>> -> memref<128xi32, #tpu.memory_space<hbm>>
        %dma_wait3A_604 = arith.constant 0 : i32
        %dma_wait3A_605 = tpu.memref_slice %arg5[%dma_wait3A_588, %dma_wait3A_604] : memref<8x128xi32, #tpu.memory_space<vmem>> -> memref<1x128xi32, #tpu.memory_space<vmem>>
        %dma_wait3A_606 = tpu.memref_squeeze %dma_wait3A_605 : memref<1x128xi32, #tpu.memory_space<vmem>> -> memref<128xi32, #tpu.memory_space<vmem>>
        %dma_wait3A_607 = arith.constant 0 : i32
        %dma_wait3A_608 = arith.constant 0 : i32
        %dma_wait3A_609 = arith.constant 0 : i32
        %dma_wait3A_610 = tpu.memref_slice %arg3[%scan3A_370, %dma_wait3A_607, %dma_wait3A_608, %dma_wait3A_609] : memref<2x16x80x128xi32, #tpu.memory_space<hbm>> -> memref<1x16x80x128xi32, #tpu.memory_space<hbm>>
        %dma_wait3A_611 = tpu.memref_squeeze %dma_wait3A_610 : memref<1x16x80x128xi32, #tpu.memory_space<hbm>> -> memref<16x80x128xi32, #tpu.memory_space<hbm>>
        %dma_wait3A_612 = arith.constant 0 : i32
        %dma_wait3A_613 = arith.constant 0 : i32
        %dma_wait3A_614 = tpu.memref_slice %dma_wait3A_611[%arg1, %dma_wait3A_612, %dma_wait3A_613] : memref<16x80x128xi32, #tpu.memory_space<hbm>> -> memref<1x80x128xi32, #tpu.memory_space<hbm>>
        %dma_wait3A_615 = tpu.memref_squeeze %dma_wait3A_614 : memref<1x80x128xi32, #tpu.memory_space<hbm>> -> memref<80x128xi32, #tpu.memory_space<hbm>>
        %dma_wait3A_616 = arith.constant 0 : i32
        %dma_wait3A_617 = tpu.memref_slice %dma_wait3A_615[%add3A_587, %dma_wait3A_616] : memref<80x128xi32, #tpu.memory_space<hbm>> -> memref<1x128xi32, #tpu.memory_space<hbm>>
        %dma_wait3A_618 = tpu.memref_squeeze %dma_wait3A_617 : memref<1x128xi32, #tpu.memory_space<hbm>> -> memref<128xi32, #tpu.memory_space<hbm>>
        tpu.wait_dma2 semaphore(%arg13 : memref<!tpu.dma_semaphore, #tpu.memory_space<semaphore_mem>>) src(%dma_wait3A_618 : memref<128xi32, #tpu.memory_space<hbm>>) dst(%dma_wait3A_606 : memref<128xi32, #tpu.memory_space<vmem>>)
        %dma_wait3A_619 = arith.constant 3 : i32
        %dma_wait3A_620 = arith.constant 0 : i32
        %dma_wait3A_621 = tpu.memref_slice %arg5[%dma_wait3A_619, %dma_wait3A_620] : memref<8x128xi32, #tpu.memory_space<vmem>> -> memref<1x128xi32, #tpu.memory_space<vmem>>
        %dma_wait3A_622 = tpu.memref_squeeze %dma_wait3A_621 : memref<1x128xi32, #tpu.memory_space<vmem>> -> memref<128xi32, #tpu.memory_space<vmem>>
        %dma_wait3A_623 = arith.constant 0 : i32
        %dma_wait3A_624 = arith.constant 0 : i32
        %dma_wait3A_625 = arith.constant 0 : i32
        %dma_wait3A_626 = tpu.memref_slice %arg3[%scan3A_371, %dma_wait3A_623, %dma_wait3A_624, %dma_wait3A_625] : memref<2x16x80x128xi32, #tpu.memory_space<hbm>> -> memref<1x16x80x128xi32, #tpu.memory_space<hbm>>
        %dma_wait3A_627 = tpu.memref_squeeze %dma_wait3A_626 : memref<1x16x80x128xi32, #tpu.memory_space<hbm>> -> memref<16x80x128xi32, #tpu.memory_space<hbm>>
        %dma_wait3A_628 = arith.constant 0 : i32
        %dma_wait3A_629 = arith.constant 0 : i32
        %dma_wait3A_630 = tpu.memref_slice %dma_wait3A_627[%arg1, %dma_wait3A_628, %dma_wait3A_629] : memref<16x80x128xi32, #tpu.memory_space<hbm>> -> memref<1x80x128xi32, #tpu.memory_space<hbm>>
        %dma_wait3A_631 = tpu.memref_squeeze %dma_wait3A_630 : memref<1x80x128xi32, #tpu.memory_space<hbm>> -> memref<80x128xi32, #tpu.memory_space<hbm>>
        %dma_wait3A_632 = arith.constant 0 : i32
        %dma_wait3A_633 = tpu.memref_slice %dma_wait3A_631[%add3A_587, %dma_wait3A_632] : memref<80x128xi32, #tpu.memory_space<hbm>> -> memref<1x128xi32, #tpu.memory_space<hbm>>
        %dma_wait3A_634 = tpu.memref_squeeze %dma_wait3A_633 : memref<1x128xi32, #tpu.memory_space<hbm>> -> memref<128xi32, #tpu.memory_space<hbm>>
        %dma_wait3A_635 = arith.constant 0 : i32
        %dma_wait3A_636 = tpu.memref_slice %arg5[%dma_wait3A_619, %dma_wait3A_635] : memref<8x128xi32, #tpu.memory_space<vmem>> -> memref<1x128xi32, #tpu.memory_space<vmem>>
        %dma_wait3A_637 = tpu.memref_squeeze %dma_wait3A_636 : memref<1x128xi32, #tpu.memory_space<vmem>> -> memref<128xi32, #tpu.memory_space<vmem>>
        %dma_wait3A_638 = arith.constant 0 : i32
        %dma_wait3A_639 = arith.constant 0 : i32
        %dma_wait3A_640 = arith.constant 0 : i32
        %dma_wait3A_641 = tpu.memref_slice %arg3[%scan3A_371, %dma_wait3A_638, %dma_wait3A_639, %dma_wait3A_640] : memref<2x16x80x128xi32, #tpu.memory_space<hbm>> -> memref<1x16x80x128xi32, #tpu.memory_space<hbm>>
        %dma_wait3A_642 = tpu.memref_squeeze %dma_wait3A_641 : memref<1x16x80x128xi32, #tpu.memory_space<hbm>> -> memref<16x80x128xi32, #tpu.memory_space<hbm>>
        %dma_wait3A_643 = arith.constant 0 : i32
        %dma_wait3A_644 = arith.constant 0 : i32
        %dma_wait3A_645 = tpu.memref_slice %dma_wait3A_642[%arg1, %dma_wait3A_643, %dma_wait3A_644] : memref<16x80x128xi32, #tpu.memory_space<hbm>> -> memref<1x80x128xi32, #tpu.memory_space<hbm>>
        %dma_wait3A_646 = tpu.memref_squeeze %dma_wait3A_645 : memref<1x80x128xi32, #tpu.memory_space<hbm>> -> memref<80x128xi32, #tpu.memory_space<hbm>>
        %dma_wait3A_647 = arith.constant 0 : i32
        %dma_wait3A_648 = tpu.memref_slice %dma_wait3A_646[%add3A_587, %dma_wait3A_647] : memref<80x128xi32, #tpu.memory_space<hbm>> -> memref<1x128xi32, #tpu.memory_space<hbm>>
        %dma_wait3A_649 = tpu.memref_squeeze %dma_wait3A_648 : memref<1x128xi32, #tpu.memory_space<hbm>> -> memref<128xi32, #tpu.memory_space<hbm>>
        tpu.wait_dma2 semaphore(%arg13 : memref<!tpu.dma_semaphore, #tpu.memory_space<semaphore_mem>>) src(%dma_wait3A_649 : memref<128xi32, #tpu.memory_space<hbm>>) dst(%dma_wait3A_637 : memref<128xi32, #tpu.memory_space<vmem>>)
        %get3A_650 = arith.constant 2 : index
        %get3A_651 = arith.constant 0 : index
        %get3A_652 = tpu.vector_load %arg5[%get3A_650, %get3A_651] {strides = array<i32>} : memref<8x128xi32, #tpu.memory_space<vmem>>, vector<1x16xi32>,
        %get3A_653 = vector.shape_cast %get3A_652 : vector<1x16xi32> to vector<1x16xi32>
        %reshape3A_654 = vector.shape_cast %add3A_2 : vector<16xi32> to vector<1x16xi32>
        %add3A_655 = arith.addi %get3A_653, %reshape3A_654 : vector<1x16xi32>
        %swap3A_656 = arith.constant 2 : index
        %swap3A_657 = arith.constant 0 : index
        %swap3A_658 = tpu.vector_load %arg5[%swap3A_656, %swap3A_657] {strides = array<i32>} : memref<8x128xi32, #tpu.memory_space<vmem>>, vector<1x16xi32>,
        %swap3A_659 = vector.shape_cast %swap3A_658 : vector<1x16xi32> to vector<1x16xi32>
        %swap3A_660 = vector.shape_cast %add3A_655 : vector<1x16xi32> to vector<1x16xi32>
        tpu.vector_store %arg5[%swap3A_656, %swap3A_657], %swap3A_660 {strides = array<i32>} : memref<8x128xi32, #tpu.memory_space<vmem>>, vector<1x16xi32>,
        %get3A_661 = arith.constant 2 : index
        %get3A_662 = arith.constant 16 : index
        %get3A_663 = tpu.vector_load %arg5[%get3A_661, %get3A_662] {strides = array<i32>} : memref<8x128xi32, #tpu.memory_space<vmem>>, vector<1x16xi32>,
        %get3A_664 = vector.shape_cast %get3A_663 : vector<1x16xi32> to vector<1x16xi32>
        %reshape3A_665 = vector.shape_cast %add3A_2 : vector<16xi32> to vector<1x16xi32>
        %add3A_666 = arith.addi %get3A_664, %reshape3A_665 : vector<1x16xi32>
        %swap3A_667 = arith.constant 2 : index
        %swap3A_668 = arith.constant 16 : index
        %swap3A_669 = tpu.vector_load %arg5[%swap3A_667, %swap3A_668] {strides = array<i32>} : memref<8x128xi32, #tpu.memory_space<vmem>>, vector<1x16xi32>,
        %swap3A_670 = vector.shape_cast %swap3A_669 : vector<1x16xi32> to vector<1x16xi32>
        %swap3A_671 = vector.shape_cast %add3A_666 : vector<1x16xi32> to vector<1x16xi32>
        tpu.vector_store %arg5[%swap3A_667, %swap3A_668], %swap3A_671 {strides = array<i32>} : memref<8x128xi32, #tpu.memory_space<vmem>>, vector<1x16xi32>,
        %get3A_672 = arith.constant 2 : index
        %get3A_673 = arith.constant 32 : index
        %get3A_674 = tpu.vector_load %arg5[%get3A_672, %get3A_673] {strides = array<i32>} : memref<8x128xi32, #tpu.memory_space<vmem>>, vector<1x16xi32>,
        %get3A_675 = vector.shape_cast %get3A_674 : vector<1x16xi32> to vector<1x16xi32>
        %reshape3A_676 = vector.shape_cast %add3A_2 : vector<16xi32> to vector<1x16xi32>
        %add3A_677 = arith.addi %get3A_675, %reshape3A_676 : vector<1x16xi32>
        %swap3A_678 = arith.constant 2 : index
        %swap3A_679 = arith.constant 32 : index
        %swap3A_680 = tpu.vector_load %arg5[%swap3A_678, %swap3A_679] {strides = array<i32>} : memref<8x128xi32, #tpu.memory_space<vmem>>, vector<1x16xi32>,
        %swap3A_681 = vector.shape_cast %swap3A_680 : vector<1x16xi32> to vector<1x16xi32>
        %swap3A_682 = vector.shape_cast %add3A_677 : vector<1x16xi32> to vector<1x16xi32>
        tpu.vector_store %arg5[%swap3A_678, %swap3A_679], %swap3A_682 {strides = array<i32>} : memref<8x128xi32, #tpu.memory_space<vmem>>, vector<1x16xi32>,
        %get3A_683 = arith.constant 2 : index
        %get3A_684 = arith.constant 48 : index
        %get3A_685 = tpu.vector_load %arg5[%get3A_683, %get3A_684] {strides = array<i32>} : memref<8x128xi32, #tpu.memory_space<vmem>>, vector<1x16xi32>,
        %get3A_686 = vector.shape_cast %get3A_685 : vector<1x16xi32> to vector<1x16xi32>
        %reshape3A_687 = vector.shape_cast %add3A_2 : vector<16xi32> to vector<1x16xi32>
        %add3A_688 = arith.addi %get3A_686, %reshape3A_687 : vector<1x16xi32>
        %swap3A_689 = arith.constant 2 : index
        %swap3A_690 = arith.constant 48 : index
        %swap3A_691 = tpu.vector_load %arg5[%swap3A_689, %swap3A_690] {strides = array<i32>} : memref<8x128xi32, #tpu.memory_space<vmem>>, vector<1x16xi32>,
        %swap3A_692 = vector.shape_cast %swap3A_691 : vector<1x16xi32> to vector<1x16xi32>
        %swap3A_693 = vector.shape_cast %add3A_688 : vector<1x16xi32> to vector<1x16xi32>
        tpu.vector_store %arg5[%swap3A_689, %swap3A_690], %swap3A_693 {strides = array<i32>} : memref<8x128xi32, #tpu.memory_space<vmem>>, vector<1x16xi32>,
        %get3A_694 = arith.constant 2 : index
        %get3A_695 = arith.constant 64 : index
        %get3A_696 = tpu.vector_load %arg5[%get3A_694, %get3A_695] {strides = array<i32>} : memref<8x128xi32, #tpu.memory_space<vmem>>, vector<1x16xi32>,
        %get3A_697 = vector.shape_cast %get3A_696 : vector<1x16xi32> to vector<1x16xi32>
        %reshape3A_698 = vector.shape_cast %add3A_2 : vector<16xi32> to vector<1x16xi32>
        %add3A_699 = arith.addi %get3A_697, %reshape3A_698 : vector<1x16xi32>
        %swap3A_700 = arith.constant 2 : index
        %swap3A_701 = arith.constant 64 : index
        %swap3A_702 = tpu.vector_load %arg5[%swap3A_700, %swap3A_701] {strides = array<i32>} : memref<8x128xi32, #tpu.memory_space<vmem>>, vector<1x16xi32>,
        %swap3A_703 = vector.shape_cast %swap3A_702 : vector<1x16xi32> to vector<1x16xi32>
        %swap3A_704 = vector.shape_cast %add3A_699 : vector<1x16xi32> to vector<1x16xi32>
        tpu.vector_store %arg5[%swap3A_700, %swap3A_701], %swap3A_704 {strides = array<i32>} : memref<8x128xi32, #tpu.memory_space<vmem>>, vector<1x16xi32>,
        %get3A_705 = arith.constant 2 : index
        %get3A_706 = arith.constant 80 : index
        %get3A_707 = tpu.vector_load %arg5[%get3A_705, %get3A_706] {strides = array<i32>} : memref<8x128xi32, #tpu.memory_space<vmem>>, vector<1x16xi32>,
        %get3A_708 = vector.shape_cast %get3A_707 : vector<1x16xi32> to vector<1x16xi32>
        %reshape3A_709 = vector.shape_cast %add3A_2 : vector<16xi32> to vector<1x16xi32>
        %add3A_710 = arith.addi %get3A_708, %reshape3A_709 : vector<1x16xi32>
        %swap3A_711 = arith.constant 2 : index
        %swap3A_712 = arith.constant 80 : index
        %swap3A_713 = tpu.vector_load %arg5[%swap3A_711, %swap3A_712] {strides = array<i32>} : memref<8x128xi32, #tpu.memory_space<vmem>>, vector<1x16xi32>,
        %swap3A_714 = vector.shape_cast %swap3A_713 : vector<1x16xi32> to vector<1x16xi32>
        %swap3A_715 = vector.shape_cast %add3A_710 : vector<1x16xi32> to vector<1x16xi32>
        tpu.vector_store %arg5[%swap3A_711, %swap3A_712], %swap3A_715 {strides = array<i32>} : memref<8x128xi32, #tpu.memory_space<vmem>>, vector<1x16xi32>,
        %get3A_716 = arith.constant 2 : index
        %get3A_717 = arith.constant 96 : index
        %get3A_718 = tpu.vector_load %arg5[%get3A_716, %get3A_717] {strides = array<i32>} : memref<8x128xi32, #tpu.memory_space<vmem>>, vector<1x16xi32>,
        %get3A_719 = vector.shape_cast %get3A_718 : vector<1x16xi32> to vector<1x16xi32>
        %reshape3A_720 = vector.shape_cast %add3A_2 : vector<16xi32> to vector<1x16xi32>
        %add3A_721 = arith.addi %get3A_719, %reshape3A_720 : vector<1x16xi32>
        %swap3A_722 = arith.constant 2 : index
        %swap3A_723 = arith.constant 96 : index
        %swap3A_724 = tpu.vector_load %arg5[%swap3A_722, %swap3A_723] {strides = array<i32>} : memref<8x128xi32, #tpu.memory_space<vmem>>, vector<1x16xi32>,
        %swap3A_725 = vector.shape_cast %swap3A_724 : vector<1x16xi32> to vector<1x16xi32>
        %swap3A_726 = vector.shape_cast %add3A_721 : vector<1x16xi32> to vector<1x16xi32>
        tpu.vector_store %arg5[%swap3A_722, %swap3A_723], %swap3A_726 {strides = array<i32>} : memref<8x128xi32, #tpu.memory_space<vmem>>, vector<1x16xi32>,
        %get3A_727 = arith.constant 2 : index
        %get3A_728 = arith.constant 112 : index
        %get3A_729 = tpu.vector_load %arg5[%get3A_727, %get3A_728] {strides = array<i32>} : memref<8x128xi32, #tpu.memory_space<vmem>>, vector<1x16xi32>,
        %get3A_730 = vector.shape_cast %get3A_729 : vector<1x16xi32> to vector<1x16xi32>
        %reshape3A_731 = vector.shape_cast %add3A_2 : vector<16xi32> to vector<1x16xi32>
        %add3A_732 = arith.addi %get3A_730, %reshape3A_731 : vector<1x16xi32>
        %swap3A_733 = arith.constant 2 : index
        %swap3A_734 = arith.constant 112 : index
        %swap3A_735 = tpu.vector_load %arg5[%swap3A_733, %swap3A_734] {strides = array<i32>} : memref<8x128xi32, #tpu.memory_space<vmem>>, vector<1x16xi32>,
        %swap3A_736 = vector.shape_cast %swap3A_735 : vector<1x16xi32> to vector<1x16xi32>
        %swap3A_737 = vector.shape_cast %add3A_732 : vector<1x16xi32> to vector<1x16xi32>
        tpu.vector_store %arg5[%swap3A_733, %swap3A_734], %swap3A_737 {strides = array<i32>} : memref<8x128xi32, #tpu.memory_space<vmem>>, vector<1x16xi32>,
      } else {
      }
      %dma_wait3A_408 = arith.constant 0 : i32
      %dma_wait3A_409 = arith.constant 0 : i32
      %dma_wait3A_410 = tpu.memref_slice %arg5[%dma_wait3A_408, %dma_wait3A_409] : memref<8x128xi32, #tpu.memory_space<vmem>> -> memref<1x128xi32, #tpu.memory_space<vmem>>
      %dma_wait3A_411 = tpu.memref_squeeze %dma_wait3A_410 : memref<1x128xi32, #tpu.memory_space<vmem>> -> memref<128xi32, #tpu.memory_space<vmem>>
      %dma_wait3A_412 = arith.constant 0 : i32
      %dma_wait3A_413 = arith.constant 0 : i32
      %dma_wait3A_414 = tpu.memref_slice %arg2[%dma_wait3A_412, %dma_wait3A_413] : memref<20000x128xf32, #tpu.memory_space<hbm>> -> memref<20000x128xf32, #tpu.memory_space<hbm>>
      tpu.wait_indirect_dma semaphore(%arg12 : memref<!tpu.dma_semaphore, #tpu.memory_space<semaphore_mem>>) src(%dma_wait3A_414 : memref<20000x128xf32, #tpu.memory_space<hbm>>) dst(%arg6 : memref<128x128xf32, #tpu.memory_space<vmem>>)
      %gt3A = arith.constant 0 : i32
      %gt3A_415 = arith.cmpi sgt, %add3A_405, %gt3A : i32
      %convert_element_type3A_416 = arith.extui %gt3A_415 : i1 to i32
      %cond3A_417 = arith.constant 0 : i32
      %cond3A_418 = arith.cmpi ne, %convert_element_type3A_416, %cond3A_417 : i32
      scf.if %cond3A_418 {
        %dma_wait3A_586 = arith.constant 7 : i32
        %dma_wait3A_587 = arith.constant 0 : i32
        %dma_wait3A_588 = tpu.memref_slice %arg5[%dma_wait3A_586, %dma_wait3A_587] : memref<8x128xi32, #tpu.memory_space<vmem>> -> memref<1x128xi32, #tpu.memory_space<vmem>>
        %dma_wait3A_589 = tpu.memref_squeeze %dma_wait3A_588 : memref<1x128xi32, #tpu.memory_space<vmem>> -> memref<128xi32, #tpu.memory_space<vmem>>
        %dma_wait3A_590 = arith.constant 0 : i32
        %dma_wait3A_591 = arith.constant 0 : i32
        %dma_wait3A_592 = tpu.memref_slice %arg10[%dma_wait3A_590, %dma_wait3A_591] : memref<10256x128xf32, #tpu.memory_space<vmem_shared>> -> memref<10256x128xf32, #tpu.memory_space<vmem_shared>>
        tpu.wait_indirect_dma semaphore(%arg14 : memref<!tpu.dma_semaphore, #tpu.memory_space<semaphore_mem>>) src(%arg7 : memref<128x128xf32, #tpu.memory_space<vmem>>) dst(%dma_wait3A_592 : memref<10256x128xf32, #tpu.memory_space<vmem_shared>>)
        %dma_wait3A_593 = arith.constant 7 : i32
        %dma_wait3A_594 = arith.constant 0 : i32
        %dma_wait3A_595 = tpu.memref_slice %arg5[%dma_wait3A_593, %dma_wait3A_594] : memref<8x128xi32, #tpu.memory_space<vmem>> -> memref<1x128xi32, #tpu.memory_space<vmem>>
        %dma_wait3A_596 = tpu.memref_squeeze %dma_wait3A_595 : memref<1x128xi32, #tpu.memory_space<vmem>> -> memref<128xi32, #tpu.memory_space<vmem>>
        %dma_wait3A_597 = arith.constant 0 : i32
        %dma_wait3A_598 = arith.constant 0 : i32
        %dma_wait3A_599 = tpu.memref_slice %arg11[%dma_wait3A_597, %dma_wait3A_598] : memref<10256x16xf32, #tpu.memory_space<vmem_shared>> -> memref<10256x16xf32, #tpu.memory_space<vmem_shared>>
        tpu.wait_indirect_dma semaphore(%arg14 : memref<!tpu.dma_semaphore, #tpu.memory_space<semaphore_mem>>) src(%arg8 : memref<128x16xf32, #tpu.memory_space<vmem>>) dst(%dma_wait3A_599 : memref<10256x16xf32, #tpu.memory_space<vmem_shared>>)
      } else {
      }
      %lt3A_419 = arith.constant 79 : i32
      %lt3A_420 = arith.cmpi slt, %add3A_405, %lt3A_419 : i32
      %convert_element_type3A_421 = arith.extui %lt3A_420 : i1 to i32
      %cond3A_422 = arith.constant 0 : i32
      %cond3A_423 = arith.cmpi ne, %convert_element_type3A_421, %cond3A_422 : i32
      scf.if %cond3A_423 {
        %dma_start3A_586 = arith.constant 2 : i32
        %dma_start3A_587 = arith.constant 0 : i32
        %dma_start3A_588 = tpu.memref_slice %arg5[%dma_start3A_586, %dma_start3A_587] : memref<8x128xi32, #tpu.memory_space<vmem>> -> memref<1x128xi32, #tpu.memory_space<vmem>>
        %dma_start3A_589 = tpu.memref_squeeze %dma_start3A_588 : memref<1x128xi32, #tpu.memory_space<vmem>> -> memref<128xi32, #tpu.memory_space<vmem>>
        %dma_start3A_590 = arith.constant 0 : i32
        %dma_start3A_591 = arith.constant 0 : i32
        %dma_start3A_592 = tpu.memref_slice %arg2[%dma_start3A_590, %dma_start3A_591] : memref<20000x128xf32, #tpu.memory_space<hbm>> -> memref<20000x128xf32, #tpu.memory_space<hbm>>
        tpu.enqueue_indirect_dma source(%dma_start3A_592 : memref<20000x128xf32, #tpu.memory_space<hbm>>) target(%arg7 : memref<128x128xf32, #tpu.memory_space<vmem>>) offsets(%dma_start3A_589 : memref<128xi32, #tpu.memory_space<vmem>>) semaphore(%arg12 : memref<!tpu.dma_semaphore, #tpu.memory_space<semaphore_mem>>)
      } else {
      }
      %dma_start3A_424 = arith.constant 1 : i32
      %dma_start3A_425 = arith.constant 0 : i32
      %dma_start3A_426 = tpu.memref_slice %arg5[%dma_start3A_424, %dma_start3A_425] : memref<8x128xi32, #tpu.memory_space<vmem>> -> memref<1x128xi32, #tpu.memory_space<vmem>>
      %dma_start3A_427 = tpu.memref_squeeze %dma_start3A_426 : memref<1x128xi32, #tpu.memory_space<vmem>> -> memref<128xi32, #tpu.memory_space<vmem>>
      %dma_start3A_428 = arith.constant 0 : i32
      %dma_start3A_429 = arith.constant 0 : i32
      %dma_start3A_430 = tpu.memref_slice %arg10[%dma_start3A_428, %dma_start3A_429] : memref<10256x128xf32, #tpu.memory_space<vmem_shared>> -> memref<10256x128xf32, #tpu.memory_space<vmem_shared>>
      tpu.enqueue_indirect_dma source(%arg6 : memref<128x128xf32, #tpu.memory_space<vmem>>) target(%dma_start3A_430 : memref<10256x128xf32, #tpu.memory_space<vmem_shared>>) offsets(%dma_start3A_427 : memref<128xi32, #tpu.memory_space<vmem>>) semaphore(%arg14 : memref<!tpu.dma_semaphore, #tpu.memory_space<semaphore_mem>>) {add = true}
      %dma_start3A_431 = arith.constant 1 : i32
      %dma_start3A_432 = arith.constant 0 : i32
      %dma_start3A_433 = tpu.memref_slice %arg5[%dma_start3A_431, %dma_start3A_432] : memref<8x128xi32, #tpu.memory_space<vmem>> -> memref<1x128xi32, #tpu.memory_space<vmem>>
      %dma_start3A_434 = tpu.memref_squeeze %dma_start3A_433 : memref<1x128xi32, #tpu.memory_space<vmem>> -> memref<128xi32, #tpu.memory_space<vmem>>
      %dma_start3A_435 = arith.constant 0 : i32
      %dma_start3A_436 = arith.constant 0 : i32
      %dma_start3A_437 = tpu.memref_slice %arg11[%dma_start3A_435, %dma_start3A_436] : memref<10256x16xf32, #tpu.memory_space<vmem_shared>> -> memref<10256x16xf32, #tpu.memory_space<vmem_shared>>
      tpu.enqueue_indirect_dma source(%arg8 : memref<128x16xf32, #tpu.memory_space<vmem>>) target(%dma_start3A_437 : memref<10256x16xf32, #tpu.memory_space<vmem_shared>>) offsets(%dma_start3A_434 : memref<128xi32, #tpu.memory_space<vmem>>) semaphore(%arg14 : memref<!tpu.dma_semaphore, #tpu.memory_space<semaphore_mem>>) {add = true}
      %add3A_438 = arith.constant 3 : i32
      %add3A_439 = arith.addi %add3A_405, %add3A_438 : i32
      %lt3A_440 = arith.constant 80 : i32
      %lt3A_441 = arith.cmpi slt, %add3A_439, %lt3A_440 : i32
      %convert_element_type3A_442 = arith.extui %lt3A_441 : i1 to i32
      %cond3A_443 = arith.constant 0 : i32
      %cond3A_444 = arith.cmpi ne, %convert_element_type3A_442, %cond3A_443 : i32
      scf.if %cond3A_444 {
        %add3A_586 = arith.constant 3 : i32
        %add3A_587 = arith.addi %add3A_405, %add3A_586 : i32
        %dma_start3A_588 = arith.constant 6 : i32
        %dma_start3A_589 = arith.constant 0 : i32
        %dma_start3A_590 = tpu.memref_slice %arg5[%dma_start3A_588, %dma_start3A_589] : memref<8x128xi32, #tpu.memory_space<vmem>> -> memref<1x128xi32, #tpu.memory_space<vmem>>
        %dma_start3A_591 = tpu.memref_squeeze %dma_start3A_590 : memref<1x128xi32, #tpu.memory_space<vmem>> -> memref<128xi32, #tpu.memory_space<vmem>>
        %dma_start3A_592 = arith.constant 0 : i32
        %dma_start3A_593 = arith.constant 0 : i32
        %dma_start3A_594 = arith.constant 0 : i32
        %dma_start3A_595 = tpu.memref_slice %arg3[%scan3A_370, %dma_start3A_592, %dma_start3A_593, %dma_start3A_594] : memref<2x16x80x128xi32, #tpu.memory_space<hbm>> -> memref<1x16x80x128xi32, #tpu.memory_space<hbm>>
        %dma_start3A_596 = tpu.memref_squeeze %dma_start3A_595 : memref<1x16x80x128xi32, #tpu.memory_space<hbm>> -> memref<16x80x128xi32, #tpu.memory_space<hbm>>
        %dma_start3A_597 = arith.constant 0 : i32
        %dma_start3A_598 = arith.constant 0 : i32
        %dma_start3A_599 = tpu.memref_slice %dma_start3A_596[%arg1, %dma_start3A_597, %dma_start3A_598] : memref<16x80x128xi32, #tpu.memory_space<hbm>> -> memref<1x80x128xi32, #tpu.memory_space<hbm>>
        %dma_start3A_600 = tpu.memref_squeeze %dma_start3A_599 : memref<1x80x128xi32, #tpu.memory_space<hbm>> -> memref<80x128xi32, #tpu.memory_space<hbm>>
        %dma_start3A_601 = arith.constant 0 : i32
        %dma_start3A_602 = tpu.memref_slice %dma_start3A_600[%add3A_587, %dma_start3A_601] : memref<80x128xi32, #tpu.memory_space<hbm>> -> memref<1x128xi32, #tpu.memory_space<hbm>>
        %dma_start3A_603 = tpu.memref_squeeze %dma_start3A_602 : memref<1x128xi32, #tpu.memory_space<hbm>> -> memref<128xi32, #tpu.memory_space<hbm>>
        %dma_start3A_604 = arith.constant 0 : i32
        %dma_start3A_605 = tpu.memref_slice %arg5[%dma_start3A_588, %dma_start3A_604] : memref<8x128xi32, #tpu.memory_space<vmem>> -> memref<1x128xi32, #tpu.memory_space<vmem>>
        %dma_start3A_606 = tpu.memref_squeeze %dma_start3A_605 : memref<1x128xi32, #tpu.memory_space<vmem>> -> memref<128xi32, #tpu.memory_space<vmem>>
        %dma_start3A_607 = arith.constant 0 : i32
        %dma_start3A_608 = arith.constant 0 : i32
        %dma_start3A_609 = arith.constant 0 : i32
        %dma_start3A_610 = tpu.memref_slice %arg3[%scan3A_370, %dma_start3A_607, %dma_start3A_608, %dma_start3A_609] : memref<2x16x80x128xi32, #tpu.memory_space<hbm>> -> memref<1x16x80x128xi32, #tpu.memory_space<hbm>>
        %dma_start3A_611 = tpu.memref_squeeze %dma_start3A_610 : memref<1x16x80x128xi32, #tpu.memory_space<hbm>> -> memref<16x80x128xi32, #tpu.memory_space<hbm>>
        %dma_start3A_612 = arith.constant 0 : i32
        %dma_start3A_613 = arith.constant 0 : i32
        %dma_start3A_614 = tpu.memref_slice %dma_start3A_611[%arg1, %dma_start3A_612, %dma_start3A_613] : memref<16x80x128xi32, #tpu.memory_space<hbm>> -> memref<1x80x128xi32, #tpu.memory_space<hbm>>
        %dma_start3A_615 = tpu.memref_squeeze %dma_start3A_614 : memref<1x80x128xi32, #tpu.memory_space<hbm>> -> memref<80x128xi32, #tpu.memory_space<hbm>>
        %dma_start3A_616 = arith.constant 0 : i32
        %dma_start3A_617 = tpu.memref_slice %dma_start3A_615[%add3A_587, %dma_start3A_616] : memref<80x128xi32, #tpu.memory_space<hbm>> -> memref<1x128xi32, #tpu.memory_space<hbm>>
        %dma_start3A_618 = tpu.memref_squeeze %dma_start3A_617 : memref<1x128xi32, #tpu.memory_space<hbm>> -> memref<128xi32, #tpu.memory_space<hbm>>
        tpu.enqueue_dma source(%dma_start3A_618 : memref<128xi32, #tpu.memory_space<hbm>>) target(%dma_start3A_606 : memref<128xi32, #tpu.memory_space<vmem>>) target_semaphore(%arg13 : memref<!tpu.dma_semaphore, #tpu.memory_space<semaphore_mem>>)
        %dma_start3A_619 = arith.constant 7 : i32
        %dma_start3A_620 = arith.constant 0 : i32
        %dma_start3A_621 = tpu.memref_slice %arg5[%dma_start3A_619, %dma_start3A_620] : memref<8x128xi32, #tpu.memory_space<vmem>> -> memref<1x128xi32, #tpu.memory_space<vmem>>
        %dma_start3A_622 = tpu.memref_squeeze %dma_start3A_621 : memref<1x128xi32, #tpu.memory_space<vmem>> -> memref<128xi32, #tpu.memory_space<vmem>>
        %dma_start3A_623 = arith.constant 0 : i32
        %dma_start3A_624 = arith.constant 0 : i32
        %dma_start3A_625 = arith.constant 0 : i32
        %dma_start3A_626 = tpu.memref_slice %arg3[%scan3A_371, %dma_start3A_623, %dma_start3A_624, %dma_start3A_625] : memref<2x16x80x128xi32, #tpu.memory_space<hbm>> -> memref<1x16x80x128xi32, #tpu.memory_space<hbm>>
        %dma_start3A_627 = tpu.memref_squeeze %dma_start3A_626 : memref<1x16x80x128xi32, #tpu.memory_space<hbm>> -> memref<16x80x128xi32, #tpu.memory_space<hbm>>
        %dma_start3A_628 = arith.constant 0 : i32
        %dma_start3A_629 = arith.constant 0 : i32
        %dma_start3A_630 = tpu.memref_slice %dma_start3A_627[%arg1, %dma_start3A_628, %dma_start3A_629] : memref<16x80x128xi32, #tpu.memory_space<hbm>> -> memref<1x80x128xi32, #tpu.memory_space<hbm>>
        %dma_start3A_631 = tpu.memref_squeeze %dma_start3A_630 : memref<1x80x128xi32, #tpu.memory_space<hbm>> -> memref<80x128xi32, #tpu.memory_space<hbm>>
        %dma_start3A_632 = arith.constant 0 : i32
        %dma_start3A_633 = tpu.memref_slice %dma_start3A_631[%add3A_587, %dma_start3A_632] : memref<80x128xi32, #tpu.memory_space<hbm>> -> memref<1x128xi32, #tpu.memory_space<hbm>>
        %dma_start3A_634 = tpu.memref_squeeze %dma_start3A_633 : memref<1x128xi32, #tpu.memory_space<hbm>> -> memref<128xi32, #tpu.memory_space<hbm>>
        %dma_start3A_635 = arith.constant 0 : i32
        %dma_start3A_636 = tpu.memref_slice %arg5[%dma_start3A_619, %dma_start3A_635] : memref<8x128xi32, #tpu.memory_space<vmem>> -> memref<1x128xi32, #tpu.memory_space<vmem>>
        %dma_start3A_637 = tpu.memref_squeeze %dma_start3A_636 : memref<1x128xi32, #tpu.memory_space<vmem>> -> memref<128xi32, #tpu.memory_space<vmem>>
        %dma_start3A_638 = arith.constant 0 : i32
        %dma_start3A_639 = arith.constant 0 : i32
        %dma_start3A_640 = arith.constant 0 : i32
        %dma_start3A_641 = tpu.memref_slice %arg3[%scan3A_371, %dma_start3A_638, %dma_start3A_639, %dma_start3A_640] : memref<2x16x80x128xi32, #tpu.memory_space<hbm>> -> memref<1x16x80x128xi32, #tpu.memory_space<hbm>>
        %dma_start3A_642 = tpu.memref_squeeze %dma_start3A_641 : memref<1x16x80x128xi32, #tpu.memory_space<hbm>> -> memref<16x80x128xi32, #tpu.memory_space<hbm>>
        %dma_start3A_643 = arith.constant 0 : i32
        %dma_start3A_644 = arith.constant 0 : i32
        %dma_start3A_645 = tpu.memref_slice %dma_start3A_642[%arg1, %dma_start3A_643, %dma_start3A_644] : memref<16x80x128xi32, #tpu.memory_space<hbm>> -> memref<1x80x128xi32, #tpu.memory_space<hbm>>
        %dma_start3A_646 = tpu.memref_squeeze %dma_start3A_645 : memref<1x80x128xi32, #tpu.memory_space<hbm>> -> memref<80x128xi32, #tpu.memory_space<hbm>>
        %dma_start3A_647 = arith.constant 0 : i32
        %dma_start3A_648 = tpu.memref_slice %dma_start3A_646[%add3A_587, %dma_start3A_647] : memref<80x128xi32, #tpu.memory_space<hbm>> -> memref<1x128xi32, #tpu.memory_space<hbm>>
        %dma_start3A_649 = tpu.memref_squeeze %dma_start3A_648 : memref<1x128xi32, #tpu.memory_space<hbm>> -> memref<128xi32, #tpu.memory_space<hbm>>
        tpu.enqueue_dma source(%dma_start3A_649 : memref<128xi32, #tpu.memory_space<hbm>>) target(%dma_start3A_637 : memref<128xi32, #tpu.memory_space<vmem>>) target_semaphore(%arg13 : memref<!tpu.dma_semaphore, #tpu.memory_space<semaphore_mem>>)
      } else {
      }
      %mul3A_445 = arith.constant 4 : i32
      %mul3A_446 = arith.muli %mul3A_445, %add3A_401 : i32
      %add3A_447 = arith.constant 1 : i32
      %add3A_448 = arith.addi %mul3A_446, %add3A_447 : i32
      %lt3A_449 = arith.constant 79 : i32
      %lt3A_450 = arith.cmpi slt, %add3A_448, %lt3A_449 : i32
      %convert_element_type3A_451 = arith.extui %lt3A_450 : i1 to i32
      %cond3A_452 = arith.constant 0 : i32
      %cond3A_453 = arith.cmpi ne, %convert_element_type3A_451, %cond3A_452 : i32
      scf.if %cond3A_453 {
        %add3A_586 = arith.constant 1 : i32
        %add3A_587 = arith.addi %add3A_448, %add3A_586 : i32
        %dma_wait3A_588 = arith.constant 4 : i32
        %dma_wait3A_589 = arith.constant 0 : i32
        %dma_wait3A_590 = tpu.memref_slice %arg5[%dma_wait3A_588, %dma_wait3A_589] : memref<8x128xi32, #tpu.memory_space<vmem>> -> memref<1x128xi32, #tpu.memory_space<vmem>>
        %dma_wait3A_591 = tpu.memref_squeeze %dma_wait3A_590 : memref<1x128xi32, #tpu.memory_space<vmem>> -> memref<128xi32, #tpu.memory_space<vmem>>
        %dma_wait3A_592 = arith.constant 0 : i32
        %dma_wait3A_593 = arith.constant 0 : i32
        %dma_wait3A_594 = arith.constant 0 : i32
        %dma_wait3A_595 = tpu.memref_slice %arg3[%scan3A_370, %dma_wait3A_592, %dma_wait3A_593, %dma_wait3A_594] : memref<2x16x80x128xi32, #tpu.memory_space<hbm>> -> memref<1x16x80x128xi32, #tpu.memory_space<hbm>>
        %dma_wait3A_596 = tpu.memref_squeeze %dma_wait3A_595 : memref<1x16x80x128xi32, #tpu.memory_space<hbm>> -> memref<16x80x128xi32, #tpu.memory_space<hbm>>
        %dma_wait3A_597 = arith.constant 0 : i32
        %dma_wait3A_598 = arith.constant 0 : i32
        %dma_wait3A_599 = tpu.memref_slice %dma_wait3A_596[%arg1, %dma_wait3A_597, %dma_wait3A_598] : memref<16x80x128xi32, #tpu.memory_space<hbm>> -> memref<1x80x128xi32, #tpu.memory_space<hbm>>
        %dma_wait3A_600 = tpu.memref_squeeze %dma_wait3A_599 : memref<1x80x128xi32, #tpu.memory_space<hbm>> -> memref<80x128xi32, #tpu.memory_space<hbm>>
        %dma_wait3A_601 = arith.constant 0 : i32
        %dma_wait3A_602 = tpu.memref_slice %dma_wait3A_600[%add3A_587, %dma_wait3A_601] : memref<80x128xi32, #tpu.memory_space<hbm>> -> memref<1x128xi32, #tpu.memory_space<hbm>>
        %dma_wait3A_603 = tpu.memref_squeeze %dma_wait3A_602 : memref<1x128xi32, #tpu.memory_space<hbm>> -> memref<128xi32, #tpu.memory_space<hbm>>
        %dma_wait3A_604 = arith.constant 0 : i32
        %dma_wait3A_605 = tpu.memref_slice %arg5[%dma_wait3A_588, %dma_wait3A_604] : memref<8x128xi32, #tpu.memory_space<vmem>> -> memref<1x128xi32, #tpu.memory_space<vmem>>
        %dma_wait3A_606 = tpu.memref_squeeze %dma_wait3A_605 : memref<1x128xi32, #tpu.memory_space<vmem>> -> memref<128xi32, #tpu.memory_space<vmem>>
        %dma_wait3A_607 = arith.constant 0 : i32
        %dma_wait3A_608 = arith.constant 0 : i32
        %dma_wait3A_609 = arith.constant 0 : i32
        %dma_wait3A_610 = tpu.memref_slice %arg3[%scan3A_370, %dma_wait3A_607, %dma_wait3A_608, %dma_wait3A_609] : memref<2x16x80x128xi32, #tpu.memory_space<hbm>> -> memref<1x16x80x128xi32, #tpu.memory_space<hbm>>
        %dma_wait3A_611 = tpu.memref_squeeze %dma_wait3A_610 : memref<1x16x80x128xi32, #tpu.memory_space<hbm>> -> memref<16x80x128xi32, #tpu.memory_space<hbm>>
        %dma_wait3A_612 = arith.constant 0 : i32
        %dma_wait3A_613 = arith.constant 0 : i32
        %dma_wait3A_614 = tpu.memref_slice %dma_wait3A_611[%arg1, %dma_wait3A_612, %dma_wait3A_613] : memref<16x80x128xi32, #tpu.memory_space<hbm>> -> memref<1x80x128xi32, #tpu.memory_space<hbm>>
        %dma_wait3A_615 = tpu.memref_squeeze %dma_wait3A_614 : memref<1x80x128xi32, #tpu.memory_space<hbm>> -> memref<80x128xi32, #tpu.memory_space<hbm>>
        %dma_wait3A_616 = arith.constant 0 : i32
        %dma_wait3A_617 = tpu.memref_slice %dma_wait3A_615[%add3A_587, %dma_wait3A_616] : memref<80x128xi32, #tpu.memory_space<hbm>> -> memref<1x128xi32, #tpu.memory_space<hbm>>
        %dma_wait3A_618 = tpu.memref_squeeze %dma_wait3A_617 : memref<1x128xi32, #tpu.memory_space<hbm>> -> memref<128xi32, #tpu.memory_space<hbm>>
        tpu.wait_dma2 semaphore(%arg13 : memref<!tpu.dma_semaphore, #tpu.memory_space<semaphore_mem>>) src(%dma_wait3A_618 : memref<128xi32, #tpu.memory_space<hbm>>) dst(%dma_wait3A_606 : memref<128xi32, #tpu.memory_space<vmem>>)
        %dma_wait3A_619 = arith.constant 5 : i32
        %dma_wait3A_620 = arith.constant 0 : i32
        %dma_wait3A_621 = tpu.memref_slice %arg5[%dma_wait3A_619, %dma_wait3A_620] : memref<8x128xi32, #tpu.memory_space<vmem>> -> memref<1x128xi32, #tpu.memory_space<vmem>>
        %dma_wait3A_622 = tpu.memref_squeeze %dma_wait3A_621 : memref<1x128xi32, #tpu.memory_space<vmem>> -> memref<128xi32, #tpu.memory_space<vmem>>
        %dma_wait3A_623 = arith.constant 0 : i32
        %dma_wait3A_624 = arith.constant 0 : i32
        %dma_wait3A_625 = arith.constant 0 : i32
        %dma_wait3A_626 = tpu.memref_slice %arg3[%scan3A_371, %dma_wait3A_623, %dma_wait3A_624, %dma_wait3A_625] : memref<2x16x80x128xi32, #tpu.memory_space<hbm>> -> memref<1x16x80x128xi32, #tpu.memory_space<hbm>>
        %dma_wait3A_627 = tpu.memref_squeeze %dma_wait3A_626 : memref<1x16x80x128xi32, #tpu.memory_space<hbm>> -> memref<16x80x128xi32, #tpu.memory_space<hbm>>
        %dma_wait3A_628 = arith.constant 0 : i32
        %dma_wait3A_629 = arith.constant 0 : i32
        %dma_wait3A_630 = tpu.memref_slice %dma_wait3A_627[%arg1, %dma_wait3A_628, %dma_wait3A_629] : memref<16x80x128xi32, #tpu.memory_space<hbm>> -> memref<1x80x128xi32, #tpu.memory_space<hbm>>
        %dma_wait3A_631 = tpu.memref_squeeze %dma_wait3A_630 : memref<1x80x128xi32, #tpu.memory_space<hbm>> -> memref<80x128xi32, #tpu.memory_space<hbm>>
        %dma_wait3A_632 = arith.constant 0 : i32
        %dma_wait3A_633 = tpu.memref_slice %dma_wait3A_631[%add3A_587, %dma_wait3A_632] : memref<80x128xi32, #tpu.memory_space<hbm>> -> memref<1x128xi32, #tpu.memory_space<hbm>>
        %dma_wait3A_634 = tpu.memref_squeeze %dma_wait3A_633 : memref<1x128xi32, #tpu.memory_space<hbm>> -> memref<128xi32, #tpu.memory_space<hbm>>
        %dma_wait3A_635 = arith.constant 0 : i32
        %dma_wait3A_636 = tpu.memref_slice %arg5[%dma_wait3A_619, %dma_wait3A_635] : memref<8x128xi32, #tpu.memory_space<vmem>> -> memref<1x128xi32, #tpu.memory_space<vmem>>
        %dma_wait3A_637 = tpu.memref_squeeze %dma_wait3A_636 : memref<1x128xi32, #tpu.memory_space<vmem>> -> memref<128xi32, #tpu.memory_space<vmem>>
        %dma_wait3A_638 = arith.constant 0 : i32
        %dma_wait3A_639 = arith.constant 0 : i32
        %dma_wait3A_640 = arith.constant 0 : i32
        %dma_wait3A_641 = tpu.memref_slice %arg3[%scan3A_371, %dma_wait3A_638, %dma_wait3A_639, %dma_wait3A_640] : memref<2x16x80x128xi32, #tpu.memory_space<hbm>> -> memref<1x16x80x128xi32, #tpu.memory_space<hbm>>
        %dma_wait3A_642 = tpu.memref_squeeze %dma_wait3A_641 : memref<1x16x80x128xi32, #tpu.memory_space<hbm>> -> memref<16x80x128xi32, #tpu.memory_space<hbm>>
        %dma_wait3A_643 = arith.constant 0 : i32
        %dma_wait3A_644 = arith.constant 0 : i32
        %dma_wait3A_645 = tpu.memref_slice %dma_wait3A_642[%arg1, %dma_wait3A_643, %dma_wait3A_644] : memref<16x80x128xi32, #tpu.memory_space<hbm>> -> memref<1x80x128xi32, #tpu.memory_space<hbm>>
        %dma_wait3A_646 = tpu.memref_squeeze %dma_wait3A_645 : memref<1x80x128xi32, #tpu.memory_space<hbm>> -> memref<80x128xi32, #tpu.memory_space<hbm>>
        %dma_wait3A_647 = arith.constant 0 : i32
        %dma_wait3A_648 = tpu.memref_slice %dma_wait3A_646[%add3A_587, %dma_wait3A_647] : memref<80x128xi32, #tpu.memory_space<hbm>> -> memref<1x128xi32, #tpu.memory_space<hbm>>
        %dma_wait3A_649 = tpu.memref_squeeze %dma_wait3A_648 : memref<1x128xi32, #tpu.memory_space<hbm>> -> memref<128xi32, #tpu.memory_space<hbm>>
        tpu.wait_dma2 semaphore(%arg13 : memref<!tpu.dma_semaphore, #tpu.memory_space<semaphore_mem>>) src(%dma_wait3A_649 : memref<128xi32, #tpu.memory_space<hbm>>) dst(%dma_wait3A_637 : memref<128xi32, #tpu.memory_space<vmem>>)
        %get3A_650 = arith.constant 4 : index
        %get3A_651 = arith.constant 0 : index
        %get3A_652 = tpu.vector_load %arg5[%get3A_650, %get3A_651] {strides = array<i32>} : memref<8x128xi32, #tpu.memory_space<vmem>>, vector<1x16xi32>,
        %get3A_653 = vector.shape_cast %get3A_652 : vector<1x16xi32> to vector<1x16xi32>
        %reshape3A_654 = vector.shape_cast %add3A_2 : vector<16xi32> to vector<1x16xi32>
        %add3A_655 = arith.addi %get3A_653, %reshape3A_654 : vector<1x16xi32>
        %swap3A_656 = arith.constant 4 : index
        %swap3A_657 = arith.constant 0 : index
        %swap3A_658 = tpu.vector_load %arg5[%swap3A_656, %swap3A_657] {strides = array<i32>} : memref<8x128xi32, #tpu.memory_space<vmem>>, vector<1x16xi32>,
        %swap3A_659 = vector.shape_cast %swap3A_658 : vector<1x16xi32> to vector<1x16xi32>
        %swap3A_660 = vector.shape_cast %add3A_655 : vector<1x16xi32> to vector<1x16xi32>
        tpu.vector_store %arg5[%swap3A_656, %swap3A_657], %swap3A_660 {strides = array<i32>} : memref<8x128xi32, #tpu.memory_space<vmem>>, vector<1x16xi32>,
        %get3A_661 = arith.constant 4 : index
        %get3A_662 = arith.constant 16 : index
        %get3A_663 = tpu.vector_load %arg5[%get3A_661, %get3A_662] {strides = array<i32>} : memref<8x128xi32, #tpu.memory_space<vmem>>, vector<1x16xi32>,
        %get3A_664 = vector.shape_cast %get3A_663 : vector<1x16xi32> to vector<1x16xi32>
        %reshape3A_665 = vector.shape_cast %add3A_2 : vector<16xi32> to vector<1x16xi32>
        %add3A_666 = arith.addi %get3A_664, %reshape3A_665 : vector<1x16xi32>
        %swap3A_667 = arith.constant 4 : index
        %swap3A_668 = arith.constant 16 : index
        %swap3A_669 = tpu.vector_load %arg5[%swap3A_667, %swap3A_668] {strides = array<i32>} : memref<8x128xi32, #tpu.memory_space<vmem>>, vector<1x16xi32>,
        %swap3A_670 = vector.shape_cast %swap3A_669 : vector<1x16xi32> to vector<1x16xi32>
        %swap3A_671 = vector.shape_cast %add3A_666 : vector<1x16xi32> to vector<1x16xi32>
        tpu.vector_store %arg5[%swap3A_667, %swap3A_668], %swap3A_671 {strides = array<i32>} : memref<8x128xi32, #tpu.memory_space<vmem>>, vector<1x16xi32>,
        %get3A_672 = arith.constant 4 : index
        %get3A_673 = arith.constant 32 : index
        %get3A_674 = tpu.vector_load %arg5[%get3A_672, %get3A_673] {strides = array<i32>} : memref<8x128xi32, #tpu.memory_space<vmem>>, vector<1x16xi32>,
        %get3A_675 = vector.shape_cast %get3A_674 : vector<1x16xi32> to vector<1x16xi32>
        %reshape3A_676 = vector.shape_cast %add3A_2 : vector<16xi32> to vector<1x16xi32>
        %add3A_677 = arith.addi %get3A_675, %reshape3A_676 : vector<1x16xi32>
        %swap3A_678 = arith.constant 4 : index
        %swap3A_679 = arith.constant 32 : index
        %swap3A_680 = tpu.vector_load %arg5[%swap3A_678, %swap3A_679] {strides = array<i32>} : memref<8x128xi32, #tpu.memory_space<vmem>>, vector<1x16xi32>,
        %swap3A_681 = vector.shape_cast %swap3A_680 : vector<1x16xi32> to vector<1x16xi32>
        %swap3A_682 = vector.shape_cast %add3A_677 : vector<1x16xi32> to vector<1x16xi32>
        tpu.vector_store %arg5[%swap3A_678, %swap3A_679], %swap3A_682 {strides = array<i32>} : memref<8x128xi32, #tpu.memory_space<vmem>>, vector<1x16xi32>,
        %get3A_683 = arith.constant 4 : index
        %get3A_684 = arith.constant 48 : index
        %get3A_685 = tpu.vector_load %arg5[%get3A_683, %get3A_684] {strides = array<i32>} : memref<8x128xi32, #tpu.memory_space<vmem>>, vector<1x16xi32>,
        %get3A_686 = vector.shape_cast %get3A_685 : vector<1x16xi32> to vector<1x16xi32>
        %reshape3A_687 = vector.shape_cast %add3A_2 : vector<16xi32> to vector<1x16xi32>
        %add3A_688 = arith.addi %get3A_686, %reshape3A_687 : vector<1x16xi32>
        %swap3A_689 = arith.constant 4 : index
        %swap3A_690 = arith.constant 48 : index
        %swap3A_691 = tpu.vector_load %arg5[%swap3A_689, %swap3A_690] {strides = array<i32>} : memref<8x128xi32, #tpu.memory_space<vmem>>, vector<1x16xi32>,
        %swap3A_692 = vector.shape_cast %swap3A_691 : vector<1x16xi32> to vector<1x16xi32>
        %swap3A_693 = vector.shape_cast %add3A_688 : vector<1x16xi32> to vector<1x16xi32>
        tpu.vector_store %arg5[%swap3A_689, %swap3A_690], %swap3A_693 {strides = array<i32>} : memref<8x128xi32, #tpu.memory_space<vmem>>, vector<1x16xi32>,
        %get3A_694 = arith.constant 4 : index
        %get3A_695 = arith.constant 64 : index
        %get3A_696 = tpu.vector_load %arg5[%get3A_694, %get3A_695] {strides = array<i32>} : memref<8x128xi32, #tpu.memory_space<vmem>>, vector<1x16xi32>,
        %get3A_697 = vector.shape_cast %get3A_696 : vector<1x16xi32> to vector<1x16xi32>
        %reshape3A_698 = vector.shape_cast %add3A_2 : vector<16xi32> to vector<1x16xi32>
        %add3A_699 = arith.addi %get3A_697, %reshape3A_698 : vector<1x16xi32>
        %swap3A_700 = arith.constant 4 : index
        %swap3A_701 = arith.constant 64 : index
        %swap3A_702 = tpu.vector_load %arg5[%swap3A_700, %swap3A_701] {strides = array<i32>} : memref<8x128xi32, #tpu.memory_space<vmem>>, vector<1x16xi32>,
        %swap3A_703 = vector.shape_cast %swap3A_702 : vector<1x16xi32> to vector<1x16xi32>
        %swap3A_704 = vector.shape_cast %add3A_699 : vector<1x16xi32> to vector<1x16xi32>
        tpu.vector_store %arg5[%swap3A_700, %swap3A_701], %swap3A_704 {strides = array<i32>} : memref<8x128xi32, #tpu.memory_space<vmem>>, vector<1x16xi32>,
        %get3A_705 = arith.constant 4 : index
        %get3A_706 = arith.constant 80 : index
        %get3A_707 = tpu.vector_load %arg5[%get3A_705, %get3A_706] {strides = array<i32>} : memref<8x128xi32, #tpu.memory_space<vmem>>, vector<1x16xi32>,
        %get3A_708 = vector.shape_cast %get3A_707 : vector<1x16xi32> to vector<1x16xi32>
        %reshape3A_709 = vector.shape_cast %add3A_2 : vector<16xi32> to vector<1x16xi32>
        %add3A_710 = arith.addi %get3A_708, %reshape3A_709 : vector<1x16xi32>
        %swap3A_711 = arith.constant 4 : index
        %swap3A_712 = arith.constant 80 : index
        %swap3A_713 = tpu.vector_load %arg5[%swap3A_711, %swap3A_712] {strides = array<i32>} : memref<8x128xi32, #tpu.memory_space<vmem>>, vector<1x16xi32>,
        %swap3A_714 = vector.shape_cast %swap3A_713 : vector<1x16xi32> to vector<1x16xi32>
        %swap3A_715 = vector.shape_cast %add3A_710 : vector<1x16xi32> to vector<1x16xi32>
        tpu.vector_store %arg5[%swap3A_711, %swap3A_712], %swap3A_715 {strides = array<i32>} : memref<8x128xi32, #tpu.memory_space<vmem>>, vector<1x16xi32>,
        %get3A_716 = arith.constant 4 : index
        %get3A_717 = arith.constant 96 : index
        %get3A_718 = tpu.vector_load %arg5[%get3A_716, %get3A_717] {strides = array<i32>} : memref<8x128xi32, #tpu.memory_space<vmem>>, vector<1x16xi32>,
        %get3A_719 = vector.shape_cast %get3A_718 : vector<1x16xi32> to vector<1x16xi32>
        %reshape3A_720 = vector.shape_cast %add3A_2 : vector<16xi32> to vector<1x16xi32>
        %add3A_721 = arith.addi %get3A_719, %reshape3A_720 : vector<1x16xi32>
        %swap3A_722 = arith.constant 4 : index
        %swap3A_723 = arith.constant 96 : index
        %swap3A_724 = tpu.vector_load %arg5[%swap3A_722, %swap3A_723] {strides = array<i32>} : memref<8x128xi32, #tpu.memory_space<vmem>>, vector<1x16xi32>,
        %swap3A_725 = vector.shape_cast %swap3A_724 : vector<1x16xi32> to vector<1x16xi32>
        %swap3A_726 = vector.shape_cast %add3A_721 : vector<1x16xi32> to vector<1x16xi32>
        tpu.vector_store %arg5[%swap3A_722, %swap3A_723], %swap3A_726 {strides = array<i32>} : memref<8x128xi32, #tpu.memory_space<vmem>>, vector<1x16xi32>,
        %get3A_727 = arith.constant 4 : index
        %get3A_728 = arith.constant 112 : index
        %get3A_729 = tpu.vector_load %arg5[%get3A_727, %get3A_728] {strides = array<i32>} : memref<8x128xi32, #tpu.memory_space<vmem>>, vector<1x16xi32>,
        %get3A_730 = vector.shape_cast %get3A_729 : vector<1x16xi32> to vector<1x16xi32>
        %reshape3A_731 = vector.shape_cast %add3A_2 : vector<16xi32> to vector<1x16xi32>
        %add3A_732 = arith.addi %get3A_730, %reshape3A_731 : vector<1x16xi32>
        %swap3A_733 = arith.constant 4 : index
        %swap3A_734 = arith.constant 112 : index
        %swap3A_735 = tpu.vector_load %arg5[%swap3A_733, %swap3A_734] {strides = array<i32>} : memref<8x128xi32, #tpu.memory_space<vmem>>, vector<1x16xi32>,
        %swap3A_736 = vector.shape_cast %swap3A_735 : vector<1x16xi32> to vector<1x16xi32>
        %swap3A_737 = vector.shape_cast %add3A_732 : vector<1x16xi32> to vector<1x16xi32>
        tpu.vector_store %arg5[%swap3A_733, %swap3A_734], %swap3A_737 {strides = array<i32>} : memref<8x128xi32, #tpu.memory_space<vmem>>, vector<1x16xi32>,
      } else {
      }
      %dma_wait3A_454 = arith.constant 2 : i32
      %dma_wait3A_455 = arith.constant 0 : i32
      %dma_wait3A_456 = tpu.memref_slice %arg5[%dma_wait3A_454, %dma_wait3A_455] : memref<8x128xi32, #tpu.memory_space<vmem>> -> memref<1x128xi32, #tpu.memory_space<vmem>>
      %dma_wait3A_457 = tpu.memref_squeeze %dma_wait3A_456 : memref<1x128xi32, #tpu.memory_space<vmem>> -> memref<128xi32, #tpu.memory_space<vmem>>
      %dma_wait3A_458 = arith.constant 0 : i32
      %dma_wait3A_459 = arith.constant 0 : i32
      %dma_wait3A_460 = tpu.memref_slice %arg2[%dma_wait3A_458, %dma_wait3A_459] : memref<20000x128xf32, #tpu.memory_space<hbm>> -> memref<20000x128xf32, #tpu.memory_space<hbm>>
      tpu.wait_indirect_dma semaphore(%arg12 : memref<!tpu.dma_semaphore, #tpu.memory_space<semaphore_mem>>) src(%dma_wait3A_460 : memref<20000x128xf32, #tpu.memory_space<hbm>>) dst(%arg7 : memref<128x128xf32, #tpu.memory_space<vmem>>)
      %gt3A_461 = arith.constant 0 : i32
      %gt3A_462 = arith.cmpi sgt, %add3A_448, %gt3A_461 : i32
      %convert_element_type3A_463 = arith.extui %gt3A_462 : i1 to i32
      %cond3A_464 = arith.constant 0 : i32
      %cond3A_465 = arith.cmpi ne, %convert_element_type3A_463, %cond3A_464 : i32
      scf.if %cond3A_465 {
        %dma_wait3A_586 = arith.constant 1 : i32
        %dma_wait3A_587 = arith.constant 0 : i32
        %dma_wait3A_588 = tpu.memref_slice %arg5[%dma_wait3A_586, %dma_wait3A_587] : memref<8x128xi32, #tpu.memory_space<vmem>> -> memref<1x128xi32, #tpu.memory_space<vmem>>
        %dma_wait3A_589 = tpu.memref_squeeze %dma_wait3A_588 : memref<1x128xi32, #tpu.memory_space<vmem>> -> memref<128xi32, #tpu.memory_space<vmem>>
        %dma_wait3A_590 = arith.constant 0 : i32
        %dma_wait3A_591 = arith.constant 0 : i32
        %dma_wait3A_592 = tpu.memref_slice %arg10[%dma_wait3A_590, %dma_wait3A_591] : memref<10256x128xf32, #tpu.memory_space<vmem_shared>> -> memref<10256x128xf32, #tpu.memory_space<vmem_shared>>
        tpu.wait_indirect_dma semaphore(%arg14 : memref<!tpu.dma_semaphore, #tpu.memory_space<semaphore_mem>>) src(%arg6 : memref<128x128xf32, #tpu.memory_space<vmem>>) dst(%dma_wait3A_592 : memref<10256x128xf32, #tpu.memory_space<vmem_shared>>)
        %dma_wait3A_593 = arith.constant 1 : i32
        %dma_wait3A_594 = arith.constant 0 : i32
        %dma_wait3A_595 = tpu.memref_slice %arg5[%dma_wait3A_593, %dma_wait3A_594] : memref<8x128xi32, #tpu.memory_space<vmem>> -> memref<1x128xi32, #tpu.memory_space<vmem>>
        %dma_wait3A_596 = tpu.memref_squeeze %dma_wait3A_595 : memref<1x128xi32, #tpu.memory_space<vmem>> -> memref<128xi32, #tpu.memory_space<vmem>>
        %dma_wait3A_597 = arith.constant 0 : i32
        %dma_wait3A_598 = arith.constant 0 : i32
        %dma_wait3A_599 = tpu.memref_slice %arg11[%dma_wait3A_597, %dma_wait3A_598] : memref<10256x16xf32, #tpu.memory_space<vmem_shared>> -> memref<10256x16xf32, #tpu.memory_space<vmem_shared>>
        tpu.wait_indirect_dma semaphore(%arg14 : memref<!tpu.dma_semaphore, #tpu.memory_space<semaphore_mem>>) src(%arg8 : memref<128x16xf32, #tpu.memory_space<vmem>>) dst(%dma_wait3A_599 : memref<10256x16xf32, #tpu.memory_space<vmem_shared>>)
      } else {
      }
      %lt3A_466 = arith.constant 79 : i32
      %lt3A_467 = arith.cmpi slt, %add3A_448, %lt3A_466 : i32
      %convert_element_type3A_468 = arith.extui %lt3A_467 : i1 to i32
      %cond3A_469 = arith.constant 0 : i32
      %cond3A_470 = arith.cmpi ne, %convert_element_type3A_468, %cond3A_469 : i32
      scf.if %cond3A_470 {
        %dma_start3A_586 = arith.constant 4 : i32
        %dma_start3A_587 = arith.constant 0 : i32
        %dma_start3A_588 = tpu.memref_slice %arg5[%dma_start3A_586, %dma_start3A_587] : memref<8x128xi32, #tpu.memory_space<vmem>> -> memref<1x128xi32, #tpu.memory_space<vmem>>
        %dma_start3A_589 = tpu.memref_squeeze %dma_start3A_588 : memref<1x128xi32, #tpu.memory_space<vmem>> -> memref<128xi32, #tpu.memory_space<vmem>>
        %dma_start3A_590 = arith.constant 0 : i32
        %dma_start3A_591 = arith.constant 0 : i32
        %dma_start3A_592 = tpu.memref_slice %arg2[%dma_start3A_590, %dma_start3A_591] : memref<20000x128xf32, #tpu.memory_space<hbm>> -> memref<20000x128xf32, #tpu.memory_space<hbm>>
        tpu.enqueue_indirect_dma source(%dma_start3A_592 : memref<20000x128xf32, #tpu.memory_space<hbm>>) target(%arg6 : memref<128x128xf32, #tpu.memory_space<vmem>>) offsets(%dma_start3A_589 : memref<128xi32, #tpu.memory_space<vmem>>) semaphore(%arg12 : memref<!tpu.dma_semaphore, #tpu.memory_space<semaphore_mem>>)
      } else {
      }
      %dma_start3A_471 = arith.constant 3 : i32
      %dma_start3A_472 = arith.constant 0 : i32
      %dma_start3A_473 = tpu.memref_slice %arg5[%dma_start3A_471, %dma_start3A_472] : memref<8x128xi32, #tpu.memory_space<vmem>> -> memref<1x128xi32, #tpu.memory_space<vmem>>
      %dma_start3A_474 = tpu.memref_squeeze %dma_start3A_473 : memref<1x128xi32, #tpu.memory_space<vmem>> -> memref<128xi32, #tpu.memory_space<vmem>>
      %dma_start3A_475 = arith.constant 0 : i32
      %dma_start3A_476 = arith.constant 0 : i32
      %dma_start3A_477 = tpu.memref_slice %arg10[%dma_start3A_475, %dma_start3A_476] : memref<10256x128xf32, #tpu.memory_space<vmem_shared>> -> memref<10256x128xf32, #tpu.memory_space<vmem_shared>>
      tpu.enqueue_indirect_dma source(%arg7 : memref<128x128xf32, #tpu.memory_space<vmem>>) target(%dma_start3A_477 : memref<10256x128xf32, #tpu.memory_space<vmem_shared>>) offsets(%dma_start3A_474 : memref<128xi32, #tpu.memory_space<vmem>>) semaphore(%arg14 : memref<!tpu.dma_semaphore, #tpu.memory_space<semaphore_mem>>) {add = true}
      %dma_start3A_478 = arith.constant 3 : i32
      %dma_start3A_479 = arith.constant 0 : i32
      %dma_start3A_480 = tpu.memref_slice %arg5[%dma_start3A_478, %dma_start3A_479] : memref<8x128xi32, #tpu.memory_space<vmem>> -> memref<1x128xi32, #tpu.memory_space<vmem>>
      %dma_start3A_481 = tpu.memref_squeeze %dma_start3A_480 : memref<1x128xi32, #tpu.memory_space<vmem>> -> memref<128xi32, #tpu.memory_space<vmem>>
      %dma_start3A_482 = arith.constant 0 : i32
      %dma_start3A_483 = arith.constant 0 : i32
      %dma_start3A_484 = tpu.memref_slice %arg11[%dma_start3A_482, %dma_start3A_483] : memref<10256x16xf32, #tpu.memory_space<vmem_shared>> -> memref<10256x16xf32, #tpu.memory_space<vmem_shared>>
      tpu.enqueue_indirect_dma source(%arg8 : memref<128x16xf32, #tpu.memory_space<vmem>>) target(%dma_start3A_484 : memref<10256x16xf32, #tpu.memory_space<vmem_shared>>) offsets(%dma_start3A_481 : memref<128xi32, #tpu.memory_space<vmem>>) semaphore(%arg14 : memref<!tpu.dma_semaphore, #tpu.memory_space<semaphore_mem>>) {add = true}
      %add3A_485 = arith.constant 3 : i32
      %add3A_486 = arith.addi %add3A_448, %add3A_485 : i32
      %lt3A_487 = arith.constant 80 : i32
      %lt3A_488 = arith.cmpi slt, %add3A_486, %lt3A_487 : i32
      %convert_element_type3A_489 = arith.extui %lt3A_488 : i1 to i32
      %cond3A_490 = arith.constant 0 : i32
      %cond3A_491 = arith.cmpi ne, %convert_element_type3A_489, %cond3A_490 : i32
      scf.if %cond3A_491 {
        %add3A_586 = arith.constant 3 : i32
        %add3A_587 = arith.addi %add3A_448, %add3A_586 : i32
        %dma_start3A_588 = arith.constant 0 : i32
        %dma_start3A_589 = arith.constant 0 : i32
        %dma_start3A_590 = tpu.memref_slice %arg5[%dma_start3A_588, %dma_start3A_589] : memref<8x128xi32, #tpu.memory_space<vmem>> -> memref<1x128xi32, #tpu.memory_space<vmem>>
        %dma_start3A_591 = tpu.memref_squeeze %dma_start3A_590 : memref<1x128xi32, #tpu.memory_space<vmem>> -> memref<128xi32, #tpu.memory_space<vmem>>
        %dma_start3A_592 = arith.constant 0 : i32
        %dma_start3A_593 = arith.constant 0 : i32
        %dma_start3A_594 = arith.constant 0 : i32
        %dma_start3A_595 = tpu.memref_slice %arg3[%scan3A_370, %dma_start3A_592, %dma_start3A_593, %dma_start3A_594] : memref<2x16x80x128xi32, #tpu.memory_space<hbm>> -> memref<1x16x80x128xi32, #tpu.memory_space<hbm>>
        %dma_start3A_596 = tpu.memref_squeeze %dma_start3A_595 : memref<1x16x80x128xi32, #tpu.memory_space<hbm>> -> memref<16x80x128xi32, #tpu.memory_space<hbm>>
        %dma_start3A_597 = arith.constant 0 : i32
        %dma_start3A_598 = arith.constant 0 : i32
        %dma_start3A_599 = tpu.memref_slice %dma_start3A_596[%arg1, %dma_start3A_597, %dma_start3A_598] : memref<16x80x128xi32, #tpu.memory_space<hbm>> -> memref<1x80x128xi32, #tpu.memory_space<hbm>>
        %dma_start3A_600 = tpu.memref_squeeze %dma_start3A_599 : memref<1x80x128xi32, #tpu.memory_space<hbm>> -> memref<80x128xi32, #tpu.memory_space<hbm>>
        %dma_start3A_601 = arith.constant 0 : i32
        %dma_start3A_602 = tpu.memref_slice %dma_start3A_600[%add3A_587, %dma_start3A_601] : memref<80x128xi32, #tpu.memory_space<hbm>> -> memref<1x128xi32, #tpu.memory_space<hbm>>
        %dma_start3A_603 = tpu.memref_squeeze %dma_start3A_602 : memref<1x128xi32, #tpu.memory_space<hbm>> -> memref<128xi32, #tpu.memory_space<hbm>>
        %dma_start3A_604 = arith.constant 0 : i32
        %dma_start3A_605 = tpu.memref_slice %arg5[%dma_start3A_588, %dma_start3A_604] : memref<8x128xi32, #tpu.memory_space<vmem>> -> memref<1x128xi32, #tpu.memory_space<vmem>>
        %dma_start3A_606 = tpu.memref_squeeze %dma_start3A_605 : memref<1x128xi32, #tpu.memory_space<vmem>> -> memref<128xi32, #tpu.memory_space<vmem>>
        %dma_start3A_607 = arith.constant 0 : i32
        %dma_start3A_608 = arith.constant 0 : i32
        %dma_start3A_609 = arith.constant 0 : i32
        %dma_start3A_610 = tpu.memref_slice %arg3[%scan3A_370, %dma_start3A_607, %dma_start3A_608, %dma_start3A_609] : memref<2x16x80x128xi32, #tpu.memory_space<hbm>> -> memref<1x16x80x128xi32, #tpu.memory_space<hbm>>
        %dma_start3A_611 = tpu.memref_squeeze %dma_start3A_610 : memref<1x16x80x128xi32, #tpu.memory_space<hbm>> -> memref<16x80x128xi32, #tpu.memory_space<hbm>>
        %dma_start3A_612 = arith.constant 0 : i32
        %dma_start3A_613 = arith.constant 0 : i32
        %dma_start3A_614 = tpu.memref_slice %dma_start3A_611[%arg1, %dma_start3A_612, %dma_start3A_613] : memref<16x80x128xi32, #tpu.memory_space<hbm>> -> memref<1x80x128xi32, #tpu.memory_space<hbm>>
        %dma_start3A_615 = tpu.memref_squeeze %dma_start3A_614 : memref<1x80x128xi32, #tpu.memory_space<hbm>> -> memref<80x128xi32, #tpu.memory_space<hbm>>
        %dma_start3A_616 = arith.constant 0 : i32
        %dma_start3A_617 = tpu.memref_slice %dma_start3A_615[%add3A_587, %dma_start3A_616] : memref<80x128xi32, #tpu.memory_space<hbm>> -> memref<1x128xi32, #tpu.memory_space<hbm>>
        %dma_start3A_618 = tpu.memref_squeeze %dma_start3A_617 : memref<1x128xi32, #tpu.memory_space<hbm>> -> memref<128xi32, #tpu.memory_space<hbm>>
        tpu.enqueue_dma source(%dma_start3A_618 : memref<128xi32, #tpu.memory_space<hbm>>) target(%dma_start3A_606 : memref<128xi32, #tpu.memory_space<vmem>>) target_semaphore(%arg13 : memref<!tpu.dma_semaphore, #tpu.memory_space<semaphore_mem>>)
        %dma_start3A_619 = arith.constant 1 : i32
        %dma_start3A_620 = arith.constant 0 : i32
        %dma_start3A_621 = tpu.memref_slice %arg5[%dma_start3A_619, %dma_start3A_620] : memref<8x128xi32, #tpu.memory_space<vmem>> -> memref<1x128xi32, #tpu.memory_space<vmem>>
        %dma_start3A_622 = tpu.memref_squeeze %dma_start3A_621 : memref<1x128xi32, #tpu.memory_space<vmem>> -> memref<128xi32, #tpu.memory_space<vmem>>
        %dma_start3A_623 = arith.constant 0 : i32
        %dma_start3A_624 = arith.constant 0 : i32
        %dma_start3A_625 = arith.constant 0 : i32
        %dma_start3A_626 = tpu.memref_slice %arg3[%scan3A_371, %dma_start3A_623, %dma_start3A_624, %dma_start3A_625] : memref<2x16x80x128xi32, #tpu.memory_space<hbm>> -> memref<1x16x80x128xi32, #tpu.memory_space<hbm>>
        %dma_start3A_627 = tpu.memref_squeeze %dma_start3A_626 : memref<1x16x80x128xi32, #tpu.memory_space<hbm>> -> memref<16x80x128xi32, #tpu.memory_space<hbm>>
        %dma_start3A_628 = arith.constant 0 : i32
        %dma_start3A_629 = arith.constant 0 : i32
        %dma_start3A_630 = tpu.memref_slice %dma_start3A_627[%arg1, %dma_start3A_628, %dma_start3A_629] : memref<16x80x128xi32, #tpu.memory_space<hbm>> -> memref<1x80x128xi32, #tpu.memory_space<hbm>>
        %dma_start3A_631 = tpu.memref_squeeze %dma_start3A_630 : memref<1x80x128xi32, #tpu.memory_space<hbm>> -> memref<80x128xi32, #tpu.memory_space<hbm>>
        %dma_start3A_632 = arith.constant 0 : i32
        %dma_start3A_633 = tpu.memref_slice %dma_start3A_631[%add3A_587, %dma_start3A_632] : memref<80x128xi32, #tpu.memory_space<hbm>> -> memref<1x128xi32, #tpu.memory_space<hbm>>
        %dma_start3A_634 = tpu.memref_squeeze %dma_start3A_633 : memref<1x128xi32, #tpu.memory_space<hbm>> -> memref<128xi32, #tpu.memory_space<hbm>>
        %dma_start3A_635 = arith.constant 0 : i32
        %dma_start3A_636 = tpu.memref_slice %arg5[%dma_start3A_619, %dma_start3A_635] : memref<8x128xi32, #tpu.memory_space<vmem>> -> memref<1x128xi32, #tpu.memory_space<vmem>>
        %dma_start3A_637 = tpu.memref_squeeze %dma_start3A_636 : memref<1x128xi32, #tpu.memory_space<vmem>> -> memref<128xi32, #tpu.memory_space<vmem>>
        %dma_start3A_638 = arith.constant 0 : i32
        %dma_start3A_639 = arith.constant 0 : i32
        %dma_start3A_640 = arith.constant 0 : i32
        %dma_start3A_641 = tpu.memref_slice %arg3[%scan3A_371, %dma_start3A_638, %dma_start3A_639, %dma_start3A_640] : memref<2x16x80x128xi32, #tpu.memory_space<hbm>> -> memref<1x16x80x128xi32, #tpu.memory_space<hbm>>
        %dma_start3A_642 = tpu.memref_squeeze %dma_start3A_641 : memref<1x16x80x128xi32, #tpu.memory_space<hbm>> -> memref<16x80x128xi32, #tpu.memory_space<hbm>>
        %dma_start3A_643 = arith.constant 0 : i32
        %dma_start3A_644 = arith.constant 0 : i32
        %dma_start3A_645 = tpu.memref_slice %dma_start3A_642[%arg1, %dma_start3A_643, %dma_start3A_644] : memref<16x80x128xi32, #tpu.memory_space<hbm>> -> memref<1x80x128xi32, #tpu.memory_space<hbm>>
        %dma_start3A_646 = tpu.memref_squeeze %dma_start3A_645 : memref<1x80x128xi32, #tpu.memory_space<hbm>> -> memref<80x128xi32, #tpu.memory_space<hbm>>
        %dma_start3A_647 = arith.constant 0 : i32
        %dma_start3A_648 = tpu.memref_slice %dma_start3A_646[%add3A_587, %dma_start3A_647] : memref<80x128xi32, #tpu.memory_space<hbm>> -> memref<1x128xi32, #tpu.memory_space<hbm>>
        %dma_start3A_649 = tpu.memref_squeeze %dma_start3A_648 : memref<1x128xi32, #tpu.memory_space<hbm>> -> memref<128xi32, #tpu.memory_space<hbm>>
        tpu.enqueue_dma source(%dma_start3A_649 : memref<128xi32, #tpu.memory_space<hbm>>) target(%dma_start3A_637 : memref<128xi32, #tpu.memory_space<vmem>>) target_semaphore(%arg13 : memref<!tpu.dma_semaphore, #tpu.memory_space<semaphore_mem>>)
      } else {
      }
      %mul3A_492 = arith.constant 4 : i32
      %mul3A_493 = arith.muli %mul3A_492, %add3A_401 : i32
      %add3A_494 = arith.constant 2 : i32
      %add3A_495 = arith.addi %mul3A_493, %add3A_494 : i32
      %lt3A_496 = arith.constant 79 : i32
      %lt3A_497 = arith.cmpi slt, %add3A_495, %lt3A_496 : i32
      %convert_element_type3A_498 = arith.extui %lt3A_497 : i1 to i32
      %cond3A_499 = arith.constant 0 : i32
      %cond3A_500 = arith.cmpi ne, %convert_element_type3A_498, %cond3A_499 : i32
      scf.if %cond3A_500 {
        %add3A_586 = arith.constant 1 : i32
        %add3A_587 = arith.addi %add3A_495, %add3A_586 : i32
        %dma_wait3A_588 = arith.constant 6 : i32
        %dma_wait3A_589 = arith.constant 0 : i32
        %dma_wait3A_590 = tpu.memref_slice %arg5[%dma_wait3A_588, %dma_wait3A_589] : memref<8x128xi32, #tpu.memory_space<vmem>> -> memref<1x128xi32, #tpu.memory_space<vmem>>
        %dma_wait3A_591 = tpu.memref_squeeze %dma_wait3A_590 : memref<1x128xi32, #tpu.memory_space<vmem>> -> memref<128xi32, #tpu.memory_space<vmem>>
        %dma_wait3A_592 = arith.constant 0 : i32
        %dma_wait3A_593 = arith.constant 0 : i32
        %dma_wait3A_594 = arith.constant 0 : i32
        %dma_wait3A_595 = tpu.memref_slice %arg3[%scan3A_370, %dma_wait3A_592, %dma_wait3A_593, %dma_wait3A_594] : memref<2x16x80x128xi32, #tpu.memory_space<hbm>> -> memref<1x16x80x128xi32, #tpu.memory_space<hbm>>
        %dma_wait3A_596 = tpu.memref_squeeze %dma_wait3A_595 : memref<1x16x80x128xi32, #tpu.memory_space<hbm>> -> memref<16x80x128xi32, #tpu.memory_space<hbm>>
        %dma_wait3A_597 = arith.constant 0 : i32
        %dma_wait3A_598 = arith.constant 0 : i32
        %dma_wait3A_599 = tpu.memref_slice %dma_wait3A_596[%arg1, %dma_wait3A_597, %dma_wait3A_598] : memref<16x80x128xi32, #tpu.memory_space<hbm>> -> memref<1x80x128xi32, #tpu.memory_space<hbm>>
        %dma_wait3A_600 = tpu.memref_squeeze %dma_wait3A_599 : memref<1x80x128xi32, #tpu.memory_space<hbm>> -> memref<80x128xi32, #tpu.memory_space<hbm>>
        %dma_wait3A_601 = arith.constant 0 : i32
        %dma_wait3A_602 = tpu.memref_slice %dma_wait3A_600[%add3A_587, %dma_wait3A_601] : memref<80x128xi32, #tpu.memory_space<hbm>> -> memref<1x128xi32, #tpu.memory_space<hbm>>
        %dma_wait3A_603 = tpu.memref_squeeze %dma_wait3A_602 : memref<1x128xi32, #tpu.memory_space<hbm>> -> memref<128xi32, #tpu.memory_space<hbm>>
        %dma_wait3A_604 = arith.constant 0 : i32
        %dma_wait3A_605 = tpu.memref_slice %arg5[%dma_wait3A_588, %dma_wait3A_604] : memref<8x128xi32, #tpu.memory_space<vmem>> -> memref<1x128xi32, #tpu.memory_space<vmem>>
        %dma_wait3A_606 = tpu.memref_squeeze %dma_wait3A_605 : memref<1x128xi32, #tpu.memory_space<vmem>> -> memref<128xi32, #tpu.memory_space<vmem>>
        %dma_wait3A_607 = arith.constant 0 : i32
        %dma_wait3A_608 = arith.constant 0 : i32
        %dma_wait3A_609 = arith.constant 0 : i32
        %dma_wait3A_610 = tpu.memref_slice %arg3[%scan3A_370, %dma_wait3A_607, %dma_wait3A_608, %dma_wait3A_609] : memref<2x16x80x128xi32, #tpu.memory_space<hbm>> -> memref<1x16x80x128xi32, #tpu.memory_space<hbm>>
        %dma_wait3A_611 = tpu.memref_squeeze %dma_wait3A_610 : memref<1x16x80x128xi32, #tpu.memory_space<hbm>> -> memref<16x80x128xi32, #tpu.memory_space<hbm>>
        %dma_wait3A_612 = arith.constant 0 : i32
        %dma_wait3A_613 = arith.constant 0 : i32
        %dma_wait3A_614 = tpu.memref_slice %dma_wait3A_611[%arg1, %dma_wait3A_612, %dma_wait3A_613] : memref<16x80x128xi32, #tpu.memory_space<hbm>> -> memref<1x80x128xi32, #tpu.memory_space<hbm>>
        %dma_wait3A_615 = tpu.memref_squeeze %dma_wait3A_614 : memref<1x80x128xi32, #tpu.memory_space<hbm>> -> memref<80x128xi32, #tpu.memory_space<hbm>>
        %dma_wait3A_616 = arith.constant 0 : i32
        %dma_wait3A_617 = tpu.memref_slice %dma_wait3A_615[%add3A_587, %dma_wait3A_616] : memref<80x128xi32, #tpu.memory_space<hbm>> -> memref<1x128xi32, #tpu.memory_space<hbm>>
        %dma_wait3A_618 = tpu.memref_squeeze %dma_wait3A_617 : memref<1x128xi32, #tpu.memory_space<hbm>> -> memref<128xi32, #tpu.memory_space<hbm>>
        tpu.wait_dma2 semaphore(%arg13 : memref<!tpu.dma_semaphore, #tpu.memory_space<semaphore_mem>>) src(%dma_wait3A_618 : memref<128xi32, #tpu.memory_space<hbm>>) dst(%dma_wait3A_606 : memref<128xi32, #tpu.memory_space<vmem>>)
        %dma_wait3A_619 = arith.constant 7 : i32
        %dma_wait3A_620 = arith.constant 0 : i32
        %dma_wait3A_621 = tpu.memref_slice %arg5[%dma_wait3A_619, %dma_wait3A_620] : memref<8x128xi32, #tpu.memory_space<vmem>> -> memref<1x128xi32, #tpu.memory_space<vmem>>
        %dma_wait3A_622 = tpu.memref_squeeze %dma_wait3A_621 : memref<1x128xi32, #tpu.memory_space<vmem>> -> memref<128xi32, #tpu.memory_space<vmem>>
        %dma_wait3A_623 = arith.constant 0 : i32
        %dma_wait3A_624 = arith.constant 0 : i32
        %dma_wait3A_625 = arith.constant 0 : i32
        %dma_wait3A_626 = tpu.memref_slice %arg3[%scan3A_371, %dma_wait3A_623, %dma_wait3A_624, %dma_wait3A_625] : memref<2x16x80x128xi32, #tpu.memory_space<hbm>> -> memref<1x16x80x128xi32, #tpu.memory_space<hbm>>
        %dma_wait3A_627 = tpu.memref_squeeze %dma_wait3A_626 : memref<1x16x80x128xi32, #tpu.memory_space<hbm>> -> memref<16x80x128xi32, #tpu.memory_space<hbm>>
        %dma_wait3A_628 = arith.constant 0 : i32
        %dma_wait3A_629 = arith.constant 0 : i32
        %dma_wait3A_630 = tpu.memref_slice %dma_wait3A_627[%arg1, %dma_wait3A_628, %dma_wait3A_629] : memref<16x80x128xi32, #tpu.memory_space<hbm>> -> memref<1x80x128xi32, #tpu.memory_space<hbm>>
        %dma_wait3A_631 = tpu.memref_squeeze %dma_wait3A_630 : memref<1x80x128xi32, #tpu.memory_space<hbm>> -> memref<80x128xi32, #tpu.memory_space<hbm>>
        %dma_wait3A_632 = arith.constant 0 : i32
        %dma_wait3A_633 = tpu.memref_slice %dma_wait3A_631[%add3A_587, %dma_wait3A_632] : memref<80x128xi32, #tpu.memory_space<hbm>> -> memref<1x128xi32, #tpu.memory_space<hbm>>
        %dma_wait3A_634 = tpu.memref_squeeze %dma_wait3A_633 : memref<1x128xi32, #tpu.memory_space<hbm>> -> memref<128xi32, #tpu.memory_space<hbm>>
        %dma_wait3A_635 = arith.constant 0 : i32
        %dma_wait3A_636 = tpu.memref_slice %arg5[%dma_wait3A_619, %dma_wait3A_635] : memref<8x128xi32, #tpu.memory_space<vmem>> -> memref<1x128xi32, #tpu.memory_space<vmem>>
        %dma_wait3A_637 = tpu.memref_squeeze %dma_wait3A_636 : memref<1x128xi32, #tpu.memory_space<vmem>> -> memref<128xi32, #tpu.memory_space<vmem>>
        %dma_wait3A_638 = arith.constant 0 : i32
        %dma_wait3A_639 = arith.constant 0 : i32
        %dma_wait3A_640 = arith.constant 0 : i32
        %dma_wait3A_641 = tpu.memref_slice %arg3[%scan3A_371, %dma_wait3A_638, %dma_wait3A_639, %dma_wait3A_640] : memref<2x16x80x128xi32, #tpu.memory_space<hbm>> -> memref<1x16x80x128xi32, #tpu.memory_space<hbm>>
        %dma_wait3A_642 = tpu.memref_squeeze %dma_wait3A_641 : memref<1x16x80x128xi32, #tpu.memory_space<hbm>> -> memref<16x80x128xi32, #tpu.memory_space<hbm>>
        %dma_wait3A_643 = arith.constant 0 : i32
        %dma_wait3A_644 = arith.constant 0 : i32
        %dma_wait3A_645 = tpu.memref_slice %dma_wait3A_642[%arg1, %dma_wait3A_643, %dma_wait3A_644] : memref<16x80x128xi32, #tpu.memory_space<hbm>> -> memref<1x80x128xi32, #tpu.memory_space<hbm>>
        %dma_wait3A_646 = tpu.memref_squeeze %dma_wait3A_645 : memref<1x80x128xi32, #tpu.memory_space<hbm>> -> memref<80x128xi32, #tpu.memory_space<hbm>>
        %dma_wait3A_647 = arith.constant 0 : i32
        %dma_wait3A_648 = tpu.memref_slice %dma_wait3A_646[%add3A_587, %dma_wait3A_647] : memref<80x128xi32, #tpu.memory_space<hbm>> -> memref<1x128xi32, #tpu.memory_space<hbm>>
        %dma_wait3A_649 = tpu.memref_squeeze %dma_wait3A_648 : memref<1x128xi32, #tpu.memory_space<hbm>> -> memref<128xi32, #tpu.memory_space<hbm>>
        tpu.wait_dma2 semaphore(%arg13 : memref<!tpu.dma_semaphore, #tpu.memory_space<semaphore_mem>>) src(%dma_wait3A_649 : memref<128xi32, #tpu.memory_space<hbm>>) dst(%dma_wait3A_637 : memref<128xi32, #tpu.memory_space<vmem>>)
        %get3A_650 = arith.constant 6 : index
        %get3A_651 = arith.constant 0 : index
        %get3A_652 = tpu.vector_load %arg5[%get3A_650, %get3A_651] {strides = array<i32>} : memref<8x128xi32, #tpu.memory_space<vmem>>, vector<1x16xi32>,
        %get3A_653 = vector.shape_cast %get3A_652 : vector<1x16xi32> to vector<1x16xi32>
        %reshape3A_654 = vector.shape_cast %add3A_2 : vector<16xi32> to vector<1x16xi32>
        %add3A_655 = arith.addi %get3A_653, %reshape3A_654 : vector<1x16xi32>
        %swap3A_656 = arith.constant 6 : index
        %swap3A_657 = arith.constant 0 : index
        %swap3A_658 = tpu.vector_load %arg5[%swap3A_656, %swap3A_657] {strides = array<i32>} : memref<8x128xi32, #tpu.memory_space<vmem>>, vector<1x16xi32>,
        %swap3A_659 = vector.shape_cast %swap3A_658 : vector<1x16xi32> to vector<1x16xi32>
        %swap3A_660 = vector.shape_cast %add3A_655 : vector<1x16xi32> to vector<1x16xi32>
        tpu.vector_store %arg5[%swap3A_656, %swap3A_657], %swap3A_660 {strides = array<i32>} : memref<8x128xi32, #tpu.memory_space<vmem>>, vector<1x16xi32>,
        %get3A_661 = arith.constant 6 : index
        %get3A_662 = arith.constant 16 : index
        %get3A_663 = tpu.vector_load %arg5[%get3A_661, %get3A_662] {strides = array<i32>} : memref<8x128xi32, #tpu.memory_space<vmem>>, vector<1x16xi32>,
        %get3A_664 = vector.shape_cast %get3A_663 : vector<1x16xi32> to vector<1x16xi32>
        %reshape3A_665 = vector.shape_cast %add3A_2 : vector<16xi32> to vector<1x16xi32>
        %add3A_666 = arith.addi %get3A_664, %reshape3A_665 : vector<1x16xi32>
        %swap3A_667 = arith.constant 6 : index
        %swap3A_668 = arith.constant 16 : index
        %swap3A_669 = tpu.vector_load %arg5[%swap3A_667, %swap3A_668] {strides = array<i32>} : memref<8x128xi32, #tpu.memory_space<vmem>>, vector<1x16xi32>,
        %swap3A_670 = vector.shape_cast %swap3A_669 : vector<1x16xi32> to vector<1x16xi32>
        %swap3A_671 = vector.shape_cast %add3A_666 : vector<1x16xi32> to vector<1x16xi32>
        tpu.vector_store %arg5[%swap3A_667, %swap3A_668], %swap3A_671 {strides = array<i32>} : memref<8x128xi32, #tpu.memory_space<vmem>>, vector<1x16xi32>,
        %get3A_672 = arith.constant 6 : index
        %get3A_673 = arith.constant 32 : index
        %get3A_674 = tpu.vector_load %arg5[%get3A_672, %get3A_673] {strides = array<i32>} : memref<8x128xi32, #tpu.memory_space<vmem>>, vector<1x16xi32>,
        %get3A_675 = vector.shape_cast %get3A_674 : vector<1x16xi32> to vector<1x16xi32>
        %reshape3A_676 = vector.shape_cast %add3A_2 : vector<16xi32> to vector<1x16xi32>
        %add3A_677 = arith.addi %get3A_675, %reshape3A_676 : vector<1x16xi32>
        %swap3A_678 = arith.constant 6 : index
        %swap3A_679 = arith.constant 32 : index
        %swap3A_680 = tpu.vector_load %arg5[%swap3A_678, %swap3A_679] {strides = array<i32>} : memref<8x128xi32, #tpu.memory_space<vmem>>, vector<1x16xi32>,
        %swap3A_681 = vector.shape_cast %swap3A_680 : vector<1x16xi32> to vector<1x16xi32>
        %swap3A_682 = vector.shape_cast %add3A_677 : vector<1x16xi32> to vector<1x16xi32>
        tpu.vector_store %arg5[%swap3A_678, %swap3A_679], %swap3A_682 {strides = array<i32>} : memref<8x128xi32, #tpu.memory_space<vmem>>, vector<1x16xi32>,
        %get3A_683 = arith.constant 6 : index
        %get3A_684 = arith.constant 48 : index
        %get3A_685 = tpu.vector_load %arg5[%get3A_683, %get3A_684] {strides = array<i32>} : memref<8x128xi32, #tpu.memory_space<vmem>>, vector<1x16xi32>,
        %get3A_686 = vector.shape_cast %get3A_685 : vector<1x16xi32> to vector<1x16xi32>
        %reshape3A_687 = vector.shape_cast %add3A_2 : vector<16xi32> to vector<1x16xi32>
        %add3A_688 = arith.addi %get3A_686, %reshape3A_687 : vector<1x16xi32>
        %swap3A_689 = arith.constant 6 : index
        %swap3A_690 = arith.constant 48 : index
        %swap3A_691 = tpu.vector_load %arg5[%swap3A_689, %swap3A_690] {strides = array<i32>} : memref<8x128xi32, #tpu.memory_space<vmem>>, vector<1x16xi32>,
        %swap3A_692 = vector.shape_cast %swap3A_691 : vector<1x16xi32> to vector<1x16xi32>
        %swap3A_693 = vector.shape_cast %add3A_688 : vector<1x16xi32> to vector<1x16xi32>
        tpu.vector_store %arg5[%swap3A_689, %swap3A_690], %swap3A_693 {strides = array<i32>} : memref<8x128xi32, #tpu.memory_space<vmem>>, vector<1x16xi32>,
        %get3A_694 = arith.constant 6 : index
        %get3A_695 = arith.constant 64 : index
        %get3A_696 = tpu.vector_load %arg5[%get3A_694, %get3A_695] {strides = array<i32>} : memref<8x128xi32, #tpu.memory_space<vmem>>, vector<1x16xi32>,
        %get3A_697 = vector.shape_cast %get3A_696 : vector<1x16xi32> to vector<1x16xi32>
        %reshape3A_698 = vector.shape_cast %add3A_2 : vector<16xi32> to vector<1x16xi32>
        %add3A_699 = arith.addi %get3A_697, %reshape3A_698 : vector<1x16xi32>
        %swap3A_700 = arith.constant 6 : index
        %swap3A_701 = arith.constant 64 : index
        %swap3A_702 = tpu.vector_load %arg5[%swap3A_700, %swap3A_701] {strides = array<i32>} : memref<8x128xi32, #tpu.memory_space<vmem>>, vector<1x16xi32>,
        %swap3A_703 = vector.shape_cast %swap3A_702 : vector<1x16xi32> to vector<1x16xi32>
        %swap3A_704 = vector.shape_cast %add3A_699 : vector<1x16xi32> to vector<1x16xi32>
        tpu.vector_store %arg5[%swap3A_700, %swap3A_701], %swap3A_704 {strides = array<i32>} : memref<8x128xi32, #tpu.memory_space<vmem>>, vector<1x16xi32>,
        %get3A_705 = arith.constant 6 : index
        %get3A_706 = arith.constant 80 : index
        %get3A_707 = tpu.vector_load %arg5[%get3A_705, %get3A_706] {strides = array<i32>} : memref<8x128xi32, #tpu.memory_space<vmem>>, vector<1x16xi32>,
        %get3A_708 = vector.shape_cast %get3A_707 : vector<1x16xi32> to vector<1x16xi32>
        %reshape3A_709 = vector.shape_cast %add3A_2 : vector<16xi32> to vector<1x16xi32>
        %add3A_710 = arith.addi %get3A_708, %reshape3A_709 : vector<1x16xi32>
        %swap3A_711 = arith.constant 6 : index
        %swap3A_712 = arith.constant 80 : index
        %swap3A_713 = tpu.vector_load %arg5[%swap3A_711, %swap3A_712] {strides = array<i32>} : memref<8x128xi32, #tpu.memory_space<vmem>>, vector<1x16xi32>,
        %swap3A_714 = vector.shape_cast %swap3A_713 : vector<1x16xi32> to vector<1x16xi32>
        %swap3A_715 = vector.shape_cast %add3A_710 : vector<1x16xi32> to vector<1x16xi32>
        tpu.vector_store %arg5[%swap3A_711, %swap3A_712], %swap3A_715 {strides = array<i32>} : memref<8x128xi32, #tpu.memory_space<vmem>>, vector<1x16xi32>,
        %get3A_716 = arith.constant 6 : index
        %get3A_717 = arith.constant 96 : index
        %get3A_718 = tpu.vector_load %arg5[%get3A_716, %get3A_717] {strides = array<i32>} : memref<8x128xi32, #tpu.memory_space<vmem>>, vector<1x16xi32>,
        %get3A_719 = vector.shape_cast %get3A_718 : vector<1x16xi32> to vector<1x16xi32>
        %reshape3A_720 = vector.shape_cast %add3A_2 : vector<16xi32> to vector<1x16xi32>
        %add3A_721 = arith.addi %get3A_719, %reshape3A_720 : vector<1x16xi32>
        %swap3A_722 = arith.constant 6 : index
        %swap3A_723 = arith.constant 96 : index
        %swap3A_724 = tpu.vector_load %arg5[%swap3A_722, %swap3A_723] {strides = array<i32>} : memref<8x128xi32, #tpu.memory_space<vmem>>, vector<1x16xi32>,
        %swap3A_725 = vector.shape_cast %swap3A_724 : vector<1x16xi32> to vector<1x16xi32>
        %swap3A_726 = vector.shape_cast %add3A_721 : vector<1x16xi32> to vector<1x16xi32>
        tpu.vector_store %arg5[%swap3A_722, %swap3A_723], %swap3A_726 {strides = array<i32>} : memref<8x128xi32, #tpu.memory_space<vmem>>, vector<1x16xi32>,
        %get3A_727 = arith.constant 6 : index
        %get3A_728 = arith.constant 112 : index
        %get3A_729 = tpu.vector_load %arg5[%get3A_727, %get3A_728] {strides = array<i32>} : memref<8x128xi32, #tpu.memory_space<vmem>>, vector<1x16xi32>,
        %get3A_730 = vector.shape_cast %get3A_729 : vector<1x16xi32> to vector<1x16xi32>
        %reshape3A_731 = vector.shape_cast %add3A_2 : vector<16xi32> to vector<1x16xi32>
        %add3A_732 = arith.addi %get3A_730, %reshape3A_731 : vector<1x16xi32>
        %swap3A_733 = arith.constant 6 : index
        %swap3A_734 = arith.constant 112 : index
        %swap3A_735 = tpu.vector_load %arg5[%swap3A_733, %swap3A_734] {strides = array<i32>} : memref<8x128xi32, #tpu.memory_space<vmem>>, vector<1x16xi32>,
        %swap3A_736 = vector.shape_cast %swap3A_735 : vector<1x16xi32> to vector<1x16xi32>
        %swap3A_737 = vector.shape_cast %add3A_732 : vector<1x16xi32> to vector<1x16xi32>
        tpu.vector_store %arg5[%swap3A_733, %swap3A_734], %swap3A_737 {strides = array<i32>} : memref<8x128xi32, #tpu.memory_space<vmem>>, vector<1x16xi32>,
      } else {
      }
      %dma_wait3A_501 = arith.constant 4 : i32
      %dma_wait3A_502 = arith.constant 0 : i32
      %dma_wait3A_503 = tpu.memref_slice %arg5[%dma_wait3A_501, %dma_wait3A_502] : memref<8x128xi32, #tpu.memory_space<vmem>> -> memref<1x128xi32, #tpu.memory_space<vmem>>
      %dma_wait3A_504 = tpu.memref_squeeze %dma_wait3A_503 : memref<1x128xi32, #tpu.memory_space<vmem>> -> memref<128xi32, #tpu.memory_space<vmem>>
      %dma_wait3A_505 = arith.constant 0 : i32
      %dma_wait3A_506 = arith.constant 0 : i32
      %dma_wait3A_507 = tpu.memref_slice %arg2[%dma_wait3A_505, %dma_wait3A_506] : memref<20000x128xf32, #tpu.memory_space<hbm>> -> memref<20000x128xf32, #tpu.memory_space<hbm>>
      tpu.wait_indirect_dma semaphore(%arg12 : memref<!tpu.dma_semaphore, #tpu.memory_space<semaphore_mem>>) src(%dma_wait3A_507 : memref<20000x128xf32, #tpu.memory_space<hbm>>) dst(%arg6 : memref<128x128xf32, #tpu.memory_space<vmem>>)
      %gt3A_508 = arith.constant 0 : i32
      %gt3A_509 = arith.cmpi sgt, %add3A_495, %gt3A_508 : i32
      %convert_element_type3A_510 = arith.extui %gt3A_509 : i1 to i32
      %cond3A_511 = arith.constant 0 : i32
      %cond3A_512 = arith.cmpi ne, %convert_element_type3A_510, %cond3A_511 : i32
      scf.if %cond3A_512 {
        %dma_wait3A_586 = arith.constant 3 : i32
        %dma_wait3A_587 = arith.constant 0 : i32
        %dma_wait3A_588 = tpu.memref_slice %arg5[%dma_wait3A_586, %dma_wait3A_587] : memref<8x128xi32, #tpu.memory_space<vmem>> -> memref<1x128xi32, #tpu.memory_space<vmem>>
        %dma_wait3A_589 = tpu.memref_squeeze %dma_wait3A_588 : memref<1x128xi32, #tpu.memory_space<vmem>> -> memref<128xi32, #tpu.memory_space<vmem>>
        %dma_wait3A_590 = arith.constant 0 : i32
        %dma_wait3A_591 = arith.constant 0 : i32
        %dma_wait3A_592 = tpu.memref_slice %arg10[%dma_wait3A_590, %dma_wait3A_591] : memref<10256x128xf32, #tpu.memory_space<vmem_shared>> -> memref<10256x128xf32, #tpu.memory_space<vmem_shared>>
        tpu.wait_indirect_dma semaphore(%arg14 : memref<!tpu.dma_semaphore, #tpu.memory_space<semaphore_mem>>) src(%arg7 : memref<128x128xf32, #tpu.memory_space<vmem>>) dst(%dma_wait3A_592 : memref<10256x128xf32, #tpu.memory_space<vmem_shared>>)
        %dma_wait3A_593 = arith.constant 3 : i32
        %dma_wait3A_594 = arith.constant 0 : i32
        %dma_wait3A_595 = tpu.memref_slice %arg5[%dma_wait3A_593, %dma_wait3A_594] : memref<8x128xi32, #tpu.memory_space<vmem>> -> memref<1x128xi32, #tpu.memory_space<vmem>>
        %dma_wait3A_596 = tpu.memref_squeeze %dma_wait3A_595 : memref<1x128xi32, #tpu.memory_space<vmem>> -> memref<128xi32, #tpu.memory_space<vmem>>
        %dma_wait3A_597 = arith.constant 0 : i32
        %dma_wait3A_598 = arith.constant 0 : i32
        %dma_wait3A_599 = tpu.memref_slice %arg11[%dma_wait3A_597, %dma_wait3A_598] : memref<10256x16xf32, #tpu.memory_space<vmem_shared>> -> memref<10256x16xf32, #tpu.memory_space<vmem_shared>>
        tpu.wait_indirect_dma semaphore(%arg14 : memref<!tpu.dma_semaphore, #tpu.memory_space<semaphore_mem>>) src(%arg8 : memref<128x16xf32, #tpu.memory_space<vmem>>) dst(%dma_wait3A_599 : memref<10256x16xf32, #tpu.memory_space<vmem_shared>>)
      } else {
      }
      %lt3A_513 = arith.constant 79 : i32
      %lt3A_514 = arith.cmpi slt, %add3A_495, %lt3A_513 : i32
      %convert_element_type3A_515 = arith.extui %lt3A_514 : i1 to i32
      %cond3A_516 = arith.constant 0 : i32
      %cond3A_517 = arith.cmpi ne, %convert_element_type3A_515, %cond3A_516 : i32
      scf.if %cond3A_517 {
        %dma_start3A_586 = arith.constant 6 : i32
        %dma_start3A_587 = arith.constant 0 : i32
        %dma_start3A_588 = tpu.memref_slice %arg5[%dma_start3A_586, %dma_start3A_587] : memref<8x128xi32, #tpu.memory_space<vmem>> -> memref<1x128xi32, #tpu.memory_space<vmem>>
        %dma_start3A_589 = tpu.memref_squeeze %dma_start3A_588 : memref<1x128xi32, #tpu.memory_space<vmem>> -> memref<128xi32, #tpu.memory_space<vmem>>
        %dma_start3A_590 = arith.constant 0 : i32
        %dma_start3A_591 = arith.constant 0 : i32
        %dma_start3A_592 = tpu.memref_slice %arg2[%dma_start3A_590, %dma_start3A_591] : memref<20000x128xf32, #tpu.memory_space<hbm>> -> memref<20000x128xf32, #tpu.memory_space<hbm>>
        tpu.enqueue_indirect_dma source(%dma_start3A_592 : memref<20000x128xf32, #tpu.memory_space<hbm>>) target(%arg7 : memref<128x128xf32, #tpu.memory_space<vmem>>) offsets(%dma_start3A_589 : memref<128xi32, #tpu.memory_space<vmem>>) semaphore(%arg12 : memref<!tpu.dma_semaphore, #tpu.memory_space<semaphore_mem>>)
      } else {
      }
      %dma_start3A_518 = arith.constant 5 : i32
      %dma_start3A_519 = arith.constant 0 : i32
      %dma_start3A_520 = tpu.memref_slice %arg5[%dma_start3A_518, %dma_start3A_519] : memref<8x128xi32, #tpu.memory_space<vmem>> -> memref<1x128xi32, #tpu.memory_space<vmem>>
      %dma_start3A_521 = tpu.memref_squeeze %dma_start3A_520 : memref<1x128xi32, #tpu.memory_space<vmem>> -> memref<128xi32, #tpu.memory_space<vmem>>
      %dma_start3A_522 = arith.constant 0 : i32
      %dma_start3A_523 = arith.constant 0 : i32
      %dma_start3A_524 = tpu.memref_slice %arg10[%dma_start3A_522, %dma_start3A_523] : memref<10256x128xf32, #tpu.memory_space<vmem_shared>> -> memref<10256x128xf32, #tpu.memory_space<vmem_shared>>
      tpu.enqueue_indirect_dma source(%arg6 : memref<128x128xf32, #tpu.memory_space<vmem>>) target(%dma_start3A_524 : memref<10256x128xf32, #tpu.memory_space<vmem_shared>>) offsets(%dma_start3A_521 : memref<128xi32, #tpu.memory_space<vmem>>) semaphore(%arg14 : memref<!tpu.dma_semaphore, #tpu.memory_space<semaphore_mem>>) {add = true}
      %dma_start3A_525 = arith.constant 5 : i32
      %dma_start3A_526 = arith.constant 0 : i32
      %dma_start3A_527 = tpu.memref_slice %arg5[%dma_start3A_525, %dma_start3A_526] : memref<8x128xi32, #tpu.memory_space<vmem>> -> memref<1x128xi32, #tpu.memory_space<vmem>>
      %dma_start3A_528 = tpu.memref_squeeze %dma_start3A_527 : memref<1x128xi32, #tpu.memory_space<vmem>> -> memref<128xi32, #tpu.memory_space<vmem>>
      %dma_start3A_529 = arith.constant 0 : i32
      %dma_start3A_530 = arith.constant 0 : i32
      %dma_start3A_531 = tpu.memref_slice %arg11[%dma_start3A_529, %dma_start3A_530] : memref<10256x16xf32, #tpu.memory_space<vmem_shared>> -> memref<10256x16xf32, #tpu.memory_space<vmem_shared>>
      tpu.enqueue_indirect_dma source(%arg8 : memref<128x16xf32, #tpu.memory_space<vmem>>) target(%dma_start3A_531 : memref<10256x16xf32, #tpu.memory_space<vmem_shared>>) offsets(%dma_start3A_528 : memref<128xi32, #tpu.memory_space<vmem>>) semaphore(%arg14 : memref<!tpu.dma_semaphore, #tpu.memory_space<semaphore_mem>>) {add = true}
      %add3A_532 = arith.constant 3 : i32
      %add3A_533 = arith.addi %add3A_495, %add3A_532 : i32
      %lt3A_534 = arith.constant 80 : i32
      %lt3A_535 = arith.cmpi slt, %add3A_533, %lt3A_534 : i32
      %convert_element_type3A_536 = arith.extui %lt3A_535 : i1 to i32
      %cond3A_537 = arith.constant 0 : i32
      %cond3A_538 = arith.cmpi ne, %convert_element_type3A_536, %cond3A_537 : i32
      scf.if %cond3A_538 {
        %add3A_586 = arith.constant 3 : i32
        %add3A_587 = arith.addi %add3A_495, %add3A_586 : i32
        %dma_start3A_588 = arith.constant 2 : i32
        %dma_start3A_589 = arith.constant 0 : i32
        %dma_start3A_590 = tpu.memref_slice %arg5[%dma_start3A_588, %dma_start3A_589] : memref<8x128xi32, #tpu.memory_space<vmem>> -> memref<1x128xi32, #tpu.memory_space<vmem>>
        %dma_start3A_591 = tpu.memref_squeeze %dma_start3A_590 : memref<1x128xi32, #tpu.memory_space<vmem>> -> memref<128xi32, #tpu.memory_space<vmem>>
        %dma_start3A_592 = arith.constant 0 : i32
        %dma_start3A_593 = arith.constant 0 : i32
        %dma_start3A_594 = arith.constant 0 : i32
        %dma_start3A_595 = tpu.memref_slice %arg3[%scan3A_370, %dma_start3A_592, %dma_start3A_593, %dma_start3A_594] : memref<2x16x80x128xi32, #tpu.memory_space<hbm>> -> memref<1x16x80x128xi32, #tpu.memory_space<hbm>>
        %dma_start3A_596 = tpu.memref_squeeze %dma_start3A_595 : memref<1x16x80x128xi32, #tpu.memory_space<hbm>> -> memref<16x80x128xi32, #tpu.memory_space<hbm>>
        %dma_start3A_597 = arith.constant 0 : i32
        %dma_start3A_598 = arith.constant 0 : i32
        %dma_start3A_599 = tpu.memref_slice %dma_start3A_596[%arg1, %dma_start3A_597, %dma_start3A_598] : memref<16x80x128xi32, #tpu.memory_space<hbm>> -> memref<1x80x128xi32, #tpu.memory_space<hbm>>
        %dma_start3A_600 = tpu.memref_squeeze %dma_start3A_599 : memref<1x80x128xi32, #tpu.memory_space<hbm>> -> memref<80x128xi32, #tpu.memory_space<hbm>>
        %dma_start3A_601 = arith.constant 0 : i32
        %dma_start3A_602 = tpu.memref_slice %dma_start3A_600[%add3A_587, %dma_start3A_601] : memref<80x128xi32, #tpu.memory_space<hbm>> -> memref<1x128xi32, #tpu.memory_space<hbm>>
        %dma_start3A_603 = tpu.memref_squeeze %dma_start3A_602 : memref<1x128xi32, #tpu.memory_space<hbm>> -> memref<128xi32, #tpu.memory_space<hbm>>
        %dma_start3A_604 = arith.constant 0 : i32
        %dma_start3A_605 = tpu.memref_slice %arg5[%dma_start3A_588, %dma_start3A_604] : memref<8x128xi32, #tpu.memory_space<vmem>> -> memref<1x128xi32, #tpu.memory_space<vmem>>
        %dma_start3A_606 = tpu.memref_squeeze %dma_start3A_605 : memref<1x128xi32, #tpu.memory_space<vmem>> -> memref<128xi32, #tpu.memory_space<vmem>>
        %dma_start3A_607 = arith.constant 0 : i32
        %dma_start3A_608 = arith.constant 0 : i32
        %dma_start3A_609 = arith.constant 0 : i32
        %dma_start3A_610 = tpu.memref_slice %arg3[%scan3A_370, %dma_start3A_607, %dma_start3A_608, %dma_start3A_609] : memref<2x16x80x128xi32, #tpu.memory_space<hbm>> -> memref<1x16x80x128xi32, #tpu.memory_space<hbm>>
        %dma_start3A_611 = tpu.memref_squeeze %dma_start3A_610 : memref<1x16x80x128xi32, #tpu.memory_space<hbm>> -> memref<16x80x128xi32, #tpu.memory_space<hbm>>
        %dma_start3A_612 = arith.constant 0 : i32
        %dma_start3A_613 = arith.constant 0 : i32
        %dma_start3A_614 = tpu.memref_slice %dma_start3A_611[%arg1, %dma_start3A_612, %dma_start3A_613] : memref<16x80x128xi32, #tpu.memory_space<hbm>> -> memref<1x80x128xi32, #tpu.memory_space<hbm>>
        %dma_start3A_615 = tpu.memref_squeeze %dma_start3A_614 : memref<1x80x128xi32, #tpu.memory_space<hbm>> -> memref<80x128xi32, #tpu.memory_space<hbm>>
        %dma_start3A_616 = arith.constant 0 : i32
        %dma_start3A_617 = tpu.memref_slice %dma_start3A_615[%add3A_587, %dma_start3A_616] : memref<80x128xi32, #tpu.memory_space<hbm>> -> memref<1x128xi32, #tpu.memory_space<hbm>>
        %dma_start3A_618 = tpu.memref_squeeze %dma_start3A_617 : memref<1x128xi32, #tpu.memory_space<hbm>> -> memref<128xi32, #tpu.memory_space<hbm>>
        tpu.enqueue_dma source(%dma_start3A_618 : memref<128xi32, #tpu.memory_space<hbm>>) target(%dma_start3A_606 : memref<128xi32, #tpu.memory_space<vmem>>) target_semaphore(%arg13 : memref<!tpu.dma_semaphore, #tpu.memory_space<semaphore_mem>>)
        %dma_start3A_619 = arith.constant 3 : i32
        %dma_start3A_620 = arith.constant 0 : i32
        %dma_start3A_621 = tpu.memref_slice %arg5[%dma_start3A_619, %dma_start3A_620] : memref<8x128xi32, #tpu.memory_space<vmem>> -> memref<1x128xi32, #tpu.memory_space<vmem>>
        %dma_start3A_622 = tpu.memref_squeeze %dma_start3A_621 : memref<1x128xi32, #tpu.memory_space<vmem>> -> memref<128xi32, #tpu.memory_space<vmem>>
        %dma_start3A_623 = arith.constant 0 : i32
        %dma_start3A_624 = arith.constant 0 : i32
        %dma_start3A_625 = arith.constant 0 : i32
        %dma_start3A_626 = tpu.memref_slice %arg3[%scan3A_371, %dma_start3A_623, %dma_start3A_624, %dma_start3A_625] : memref<2x16x80x128xi32, #tpu.memory_space<hbm>> -> memref<1x16x80x128xi32, #tpu.memory_space<hbm>>
        %dma_start3A_627 = tpu.memref_squeeze %dma_start3A_626 : memref<1x16x80x128xi32, #tpu.memory_space<hbm>> -> memref<16x80x128xi32, #tpu.memory_space<hbm>>
        %dma_start3A_628 = arith.constant 0 : i32
        %dma_start3A_629 = arith.constant 0 : i32
        %dma_start3A_630 = tpu.memref_slice %dma_start3A_627[%arg1, %dma_start3A_628, %dma_start3A_629] : memref<16x80x128xi32, #tpu.memory_space<hbm>> -> memref<1x80x128xi32, #tpu.memory_space<hbm>>
        %dma_start3A_631 = tpu.memref_squeeze %dma_start3A_630 : memref<1x80x128xi32, #tpu.memory_space<hbm>> -> memref<80x128xi32, #tpu.memory_space<hbm>>
        %dma_start3A_632 = arith.constant 0 : i32
        %dma_start3A_633 = tpu.memref_slice %dma_start3A_631[%add3A_587, %dma_start3A_632] : memref<80x128xi32, #tpu.memory_space<hbm>> -> memref<1x128xi32, #tpu.memory_space<hbm>>
        %dma_start3A_634 = tpu.memref_squeeze %dma_start3A_633 : memref<1x128xi32, #tpu.memory_space<hbm>> -> memref<128xi32, #tpu.memory_space<hbm>>
        %dma_start3A_635 = arith.constant 0 : i32
        %dma_start3A_636 = tpu.memref_slice %arg5[%dma_start3A_619, %dma_start3A_635] : memref<8x128xi32, #tpu.memory_space<vmem>> -> memref<1x128xi32, #tpu.memory_space<vmem>>
        %dma_start3A_637 = tpu.memref_squeeze %dma_start3A_636 : memref<1x128xi32, #tpu.memory_space<vmem>> -> memref<128xi32, #tpu.memory_space<vmem>>
        %dma_start3A_638 = arith.constant 0 : i32
        %dma_start3A_639 = arith.constant 0 : i32
        %dma_start3A_640 = arith.constant 0 : i32
        %dma_start3A_641 = tpu.memref_slice %arg3[%scan3A_371, %dma_start3A_638, %dma_start3A_639, %dma_start3A_640] : memref<2x16x80x128xi32, #tpu.memory_space<hbm>> -> memref<1x16x80x128xi32, #tpu.memory_space<hbm>>
        %dma_start3A_642 = tpu.memref_squeeze %dma_start3A_641 : memref<1x16x80x128xi32, #tpu.memory_space<hbm>> -> memref<16x80x128xi32, #tpu.memory_space<hbm>>
        %dma_start3A_643 = arith.constant 0 : i32
        %dma_start3A_644 = arith.constant 0 : i32
        %dma_start3A_645 = tpu.memref_slice %dma_start3A_642[%arg1, %dma_start3A_643, %dma_start3A_644] : memref<16x80x128xi32, #tpu.memory_space<hbm>> -> memref<1x80x128xi32, #tpu.memory_space<hbm>>
        %dma_start3A_646 = tpu.memref_squeeze %dma_start3A_645 : memref<1x80x128xi32, #tpu.memory_space<hbm>> -> memref<80x128xi32, #tpu.memory_space<hbm>>
        %dma_start3A_647 = arith.constant 0 : i32
        %dma_start3A_648 = tpu.memref_slice %dma_start3A_646[%add3A_587, %dma_start3A_647] : memref<80x128xi32, #tpu.memory_space<hbm>> -> memref<1x128xi32, #tpu.memory_space<hbm>>
        %dma_start3A_649 = tpu.memref_squeeze %dma_start3A_648 : memref<1x128xi32, #tpu.memory_space<hbm>> -> memref<128xi32, #tpu.memory_space<hbm>>
        tpu.enqueue_dma source(%dma_start3A_649 : memref<128xi32, #tpu.memory_space<hbm>>) target(%dma_start3A_637 : memref<128xi32, #tpu.memory_space<vmem>>) target_semaphore(%arg13 : memref<!tpu.dma_semaphore, #tpu.memory_space<semaphore_mem>>)
      } else {
      }
      %mul3A_539 = arith.constant 4 : i32
      %mul3A_540 = arith.muli %mul3A_539, %add3A_401 : i32
      %add3A_541 = arith.constant 3 : i32
      %add3A_542 = arith.addi %mul3A_540, %add3A_541 : i32
      %lt3A_543 = arith.constant 79 : i32
      %lt3A_544 = arith.cmpi slt, %add3A_542, %lt3A_543 : i32
      %convert_element_type3A_545 = arith.extui %lt3A_544 : i1 to i32
      %cond3A_546 = arith.constant 0 : i32
      %cond3A_547 = arith.cmpi ne, %convert_element_type3A_545, %cond3A_546 : i32
      scf.if %cond3A_547 {
        %add3A_586 = arith.constant 1 : i32
        %add3A_587 = arith.addi %add3A_542, %add3A_586 : i32
        %dma_wait3A_588 = arith.constant 0 : i32
        %dma_wait3A_589 = arith.constant 0 : i32
        %dma_wait3A_590 = tpu.memref_slice %arg5[%dma_wait3A_588, %dma_wait3A_589] : memref<8x128xi32, #tpu.memory_space<vmem>> -> memref<1x128xi32, #tpu.memory_space<vmem>>
        %dma_wait3A_591 = tpu.memref_squeeze %dma_wait3A_590 : memref<1x128xi32, #tpu.memory_space<vmem>> -> memref<128xi32, #tpu.memory_space<vmem>>
        %dma_wait3A_592 = arith.constant 0 : i32
        %dma_wait3A_593 = arith.constant 0 : i32
        %dma_wait3A_594 = arith.constant 0 : i32
        %dma_wait3A_595 = tpu.memref_slice %arg3[%scan3A_370, %dma_wait3A_592, %dma_wait3A_593, %dma_wait3A_594] : memref<2x16x80x128xi32, #tpu.memory_space<hbm>> -> memref<1x16x80x128xi32, #tpu.memory_space<hbm>>
        %dma_wait3A_596 = tpu.memref_squeeze %dma_wait3A_595 : memref<1x16x80x128xi32, #tpu.memory_space<hbm>> -> memref<16x80x128xi32, #tpu.memory_space<hbm>>
        %dma_wait3A_597 = arith.constant 0 : i32
        %dma_wait3A_598 = arith.constant 0 : i32
        %dma_wait3A_599 = tpu.memref_slice %dma_wait3A_596[%arg1, %dma_wait3A_597, %dma_wait3A_598] : memref<16x80x128xi32, #tpu.memory_space<hbm>> -> memref<1x80x128xi32, #tpu.memory_space<hbm>>
        %dma_wait3A_600 = tpu.memref_squeeze %dma_wait3A_599 : memref<1x80x128xi32, #tpu.memory_space<hbm>> -> memref<80x128xi32, #tpu.memory_space<hbm>>
        %dma_wait3A_601 = arith.constant 0 : i32
        %dma_wait3A_602 = tpu.memref_slice %dma_wait3A_600[%add3A_587, %dma_wait3A_601] : memref<80x128xi32, #tpu.memory_space<hbm>> -> memref<1x128xi32, #tpu.memory_space<hbm>>
        %dma_wait3A_603 = tpu.memref_squeeze %dma_wait3A_602 : memref<1x128xi32, #tpu.memory_space<hbm>> -> memref<128xi32, #tpu.memory_space<hbm>>
        %dma_wait3A_604 = arith.constant 0 : i32
        %dma_wait3A_605 = tpu.memref_slice %arg5[%dma_wait3A_588, %dma_wait3A_604] : memref<8x128xi32, #tpu.memory_space<vmem>> -> memref<1x128xi32, #tpu.memory_space<vmem>>
        %dma_wait3A_606 = tpu.memref_squeeze %dma_wait3A_605 : memref<1x128xi32, #tpu.memory_space<vmem>> -> memref<128xi32, #tpu.memory_space<vmem>>
        %dma_wait3A_607 = arith.constant 0 : i32
        %dma_wait3A_608 = arith.constant 0 : i32
        %dma_wait3A_609 = arith.constant 0 : i32
        %dma_wait3A_610 = tpu.memref_slice %arg3[%scan3A_370, %dma_wait3A_607, %dma_wait3A_608, %dma_wait3A_609] : memref<2x16x80x128xi32, #tpu.memory_space<hbm>> -> memref<1x16x80x128xi32, #tpu.memory_space<hbm>>
        %dma_wait3A_611 = tpu.memref_squeeze %dma_wait3A_610 : memref<1x16x80x128xi32, #tpu.memory_space<hbm>> -> memref<16x80x128xi32, #tpu.memory_space<hbm>>
        %dma_wait3A_612 = arith.constant 0 : i32
        %dma_wait3A_613 = arith.constant 0 : i32
        %dma_wait3A_614 = tpu.memref_slice %dma_wait3A_611[%arg1, %dma_wait3A_612, %dma_wait3A_613] : memref<16x80x128xi32, #tpu.memory_space<hbm>> -> memref<1x80x128xi32, #tpu.memory_space<hbm>>
        %dma_wait3A_615 = tpu.memref_squeeze %dma_wait3A_614 : memref<1x80x128xi32, #tpu.memory_space<hbm>> -> memref<80x128xi32, #tpu.memory_space<hbm>>
        %dma_wait3A_616 = arith.constant 0 : i32
        %dma_wait3A_617 = tpu.memref_slice %dma_wait3A_615[%add3A_587, %dma_wait3A_616] : memref<80x128xi32, #tpu.memory_space<hbm>> -> memref<1x128xi32, #tpu.memory_space<hbm>>
        %dma_wait3A_618 = tpu.memref_squeeze %dma_wait3A_617 : memref<1x128xi32, #tpu.memory_space<hbm>> -> memref<128xi32, #tpu.memory_space<hbm>>
        tpu.wait_dma2 semaphore(%arg13 : memref<!tpu.dma_semaphore, #tpu.memory_space<semaphore_mem>>) src(%dma_wait3A_618 : memref<128xi32, #tpu.memory_space<hbm>>) dst(%dma_wait3A_606 : memref<128xi32, #tpu.memory_space<vmem>>)
        %dma_wait3A_619 = arith.constant 1 : i32
        %dma_wait3A_620 = arith.constant 0 : i32
        %dma_wait3A_621 = tpu.memref_slice %arg5[%dma_wait3A_619, %dma_wait3A_620] : memref<8x128xi32, #tpu.memory_space<vmem>> -> memref<1x128xi32, #tpu.memory_space<vmem>>
        %dma_wait3A_622 = tpu.memref_squeeze %dma_wait3A_621 : memref<1x128xi32, #tpu.memory_space<vmem>> -> memref<128xi32, #tpu.memory_space<vmem>>
        %dma_wait3A_623 = arith.constant 0 : i32
        %dma_wait3A_624 = arith.constant 0 : i32
        %dma_wait3A_625 = arith.constant 0 : i32
        %dma_wait3A_626 = tpu.memref_slice %arg3[%scan3A_371, %dma_wait3A_623, %dma_wait3A_624, %dma_wait3A_625] : memref<2x16x80x128xi32, #tpu.memory_space<hbm>> -> memref<1x16x80x128xi32, #tpu.memory_space<hbm>>
        %dma_wait3A_627 = tpu.memref_squeeze %dma_wait3A_626 : memref<1x16x80x128xi32, #tpu.memory_space<hbm>> -> memref<16x80x128xi32, #tpu.memory_space<hbm>>
        %dma_wait3A_628 = arith.constant 0 : i32
        %dma_wait3A_629 = arith.constant 0 : i32
        %dma_wait3A_630 = tpu.memref_slice %dma_wait3A_627[%arg1, %dma_wait3A_628, %dma_wait3A_629] : memref<16x80x128xi32, #tpu.memory_space<hbm>> -> memref<1x80x128xi32, #tpu.memory_space<hbm>>
        %dma_wait3A_631 = tpu.memref_squeeze %dma_wait3A_630 : memref<1x80x128xi32, #tpu.memory_space<hbm>> -> memref<80x128xi32, #tpu.memory_space<hbm>>
        %dma_wait3A_632 = arith.constant 0 : i32
        %dma_wait3A_633 = tpu.memref_slice %dma_wait3A_631[%add3A_587, %dma_wait3A_632] : memref<80x128xi32, #tpu.memory_space<hbm>> -> memref<1x128xi32, #tpu.memory_space<hbm>>
        %dma_wait3A_634 = tpu.memref_squeeze %dma_wait3A_633 : memref<1x128xi32, #tpu.memory_space<hbm>> -> memref<128xi32, #tpu.memory_space<hbm>>
        %dma_wait3A_635 = arith.constant 0 : i32
        %dma_wait3A_636 = tpu.memref_slice %arg5[%dma_wait3A_619, %dma_wait3A_635] : memref<8x128xi32, #tpu.memory_space<vmem>> -> memref<1x128xi32, #tpu.memory_space<vmem>>
        %dma_wait3A_637 = tpu.memref_squeeze %dma_wait3A_636 : memref<1x128xi32, #tpu.memory_space<vmem>> -> memref<128xi32, #tpu.memory_space<vmem>>
        %dma_wait3A_638 = arith.constant 0 : i32
        %dma_wait3A_639 = arith.constant 0 : i32
        %dma_wait3A_640 = arith.constant 0 : i32
        %dma_wait3A_641 = tpu.memref_slice %arg3[%scan3A_371, %dma_wait3A_638, %dma_wait3A_639, %dma_wait3A_640] : memref<2x16x80x128xi32, #tpu.memory_space<hbm>> -> memref<1x16x80x128xi32, #tpu.memory_space<hbm>>
        %dma_wait3A_642 = tpu.memref_squeeze %dma_wait3A_641 : memref<1x16x80x128xi32, #tpu.memory_space<hbm>> -> memref<16x80x128xi32, #tpu.memory_space<hbm>>
        %dma_wait3A_643 = arith.constant 0 : i32
        %dma_wait3A_644 = arith.constant 0 : i32
        %dma_wait3A_645 = tpu.memref_slice %dma_wait3A_642[%arg1, %dma_wait3A_643, %dma_wait3A_644] : memref<16x80x128xi32, #tpu.memory_space<hbm>> -> memref<1x80x128xi32, #tpu.memory_space<hbm>>
        %dma_wait3A_646 = tpu.memref_squeeze %dma_wait3A_645 : memref<1x80x128xi32, #tpu.memory_space<hbm>> -> memref<80x128xi32, #tpu.memory_space<hbm>>
        %dma_wait3A_647 = arith.constant 0 : i32
        %dma_wait3A_648 = tpu.memref_slice %dma_wait3A_646[%add3A_587, %dma_wait3A_647] : memref<80x128xi32, #tpu.memory_space<hbm>> -> memref<1x128xi32, #tpu.memory_space<hbm>>
        %dma_wait3A_649 = tpu.memref_squeeze %dma_wait3A_648 : memref<1x128xi32, #tpu.memory_space<hbm>> -> memref<128xi32, #tpu.memory_space<hbm>>
        tpu.wait_dma2 semaphore(%arg13 : memref<!tpu.dma_semaphore, #tpu.memory_space<semaphore_mem>>) src(%dma_wait3A_649 : memref<128xi32, #tpu.memory_space<hbm>>) dst(%dma_wait3A_637 : memref<128xi32, #tpu.memory_space<vmem>>)
        %get3A_650 = arith.constant 0 : index
        %get3A_651 = arith.constant 0 : index
        %get3A_652 = tpu.vector_load %arg5[%get3A_650, %get3A_651] {strides = array<i32>} : memref<8x128xi32, #tpu.memory_space<vmem>>, vector<1x16xi32>,
        %get3A_653 = vector.shape_cast %get3A_652 : vector<1x16xi32> to vector<1x16xi32>
        %reshape3A_654 = vector.shape_cast %add3A_2 : vector<16xi32> to vector<1x16xi32>
        %add3A_655 = arith.addi %get3A_653, %reshape3A_654 : vector<1x16xi32>
        %swap3A_656 = arith.constant 0 : index
        %swap3A_657 = arith.constant 0 : index
        %swap3A_658 = tpu.vector_load %arg5[%swap3A_656, %swap3A_657] {strides = array<i32>} : memref<8x128xi32, #tpu.memory_space<vmem>>, vector<1x16xi32>,
        %swap3A_659 = vector.shape_cast %swap3A_658 : vector<1x16xi32> to vector<1x16xi32>
        %swap3A_660 = vector.shape_cast %add3A_655 : vector<1x16xi32> to vector<1x16xi32>
        tpu.vector_store %arg5[%swap3A_656, %swap3A_657], %swap3A_660 {strides = array<i32>} : memref<8x128xi32, #tpu.memory_space<vmem>>, vector<1x16xi32>,
        %get3A_661 = arith.constant 0 : index
        %get3A_662 = arith.constant 16 : index
        %get3A_663 = tpu.vector_load %arg5[%get3A_661, %get3A_662] {strides = array<i32>} : memref<8x128xi32, #tpu.memory_space<vmem>>, vector<1x16xi32>,
        %get3A_664 = vector.shape_cast %get3A_663 : vector<1x16xi32> to vector<1x16xi32>
        %reshape3A_665 = vector.shape_cast %add3A_2 : vector<16xi32> to vector<1x16xi32>
        %add3A_666 = arith.addi %get3A_664, %reshape3A_665 : vector<1x16xi32>
        %swap3A_667 = arith.constant 0 : index
        %swap3A_668 = arith.constant 16 : index
        %swap3A_669 = tpu.vector_load %arg5[%swap3A_667, %swap3A_668] {strides = array<i32>} : memref<8x128xi32, #tpu.memory_space<vmem>>, vector<1x16xi32>,
        %swap3A_670 = vector.shape_cast %swap3A_669 : vector<1x16xi32> to vector<1x16xi32>
        %swap3A_671 = vector.shape_cast %add3A_666 : vector<1x16xi32> to vector<1x16xi32>
        tpu.vector_store %arg5[%swap3A_667, %swap3A_668], %swap3A_671 {strides = array<i32>} : memref<8x128xi32, #tpu.memory_space<vmem>>, vector<1x16xi32>,
        %get3A_672 = arith.constant 0 : index
        %get3A_673 = arith.constant 32 : index
        %get3A_674 = tpu.vector_load %arg5[%get3A_672, %get3A_673] {strides = array<i32>} : memref<8x128xi32, #tpu.memory_space<vmem>>, vector<1x16xi32>,
        %get3A_675 = vector.shape_cast %get3A_674 : vector<1x16xi32> to vector<1x16xi32>
        %reshape3A_676 = vector.shape_cast %add3A_2 : vector<16xi32> to vector<1x16xi32>
        %add3A_677 = arith.addi %get3A_675, %reshape3A_676 : vector<1x16xi32>
        %swap3A_678 = arith.constant 0 : index
        %swap3A_679 = arith.constant 32 : index
        %swap3A_680 = tpu.vector_load %arg5[%swap3A_678, %swap3A_679] {strides = array<i32>} : memref<8x128xi32, #tpu.memory_space<vmem>>, vector<1x16xi32>,
        %swap3A_681 = vector.shape_cast %swap3A_680 : vector<1x16xi32> to vector<1x16xi32>
        %swap3A_682 = vector.shape_cast %add3A_677 : vector<1x16xi32> to vector<1x16xi32>
        tpu.vector_store %arg5[%swap3A_678, %swap3A_679], %swap3A_682 {strides = array<i32>} : memref<8x128xi32, #tpu.memory_space<vmem>>, vector<1x16xi32>,
        %get3A_683 = arith.constant 0 : index
        %get3A_684 = arith.constant 48 : index
        %get3A_685 = tpu.vector_load %arg5[%get3A_683, %get3A_684] {strides = array<i32>} : memref<8x128xi32, #tpu.memory_space<vmem>>, vector<1x16xi32>,
        %get3A_686 = vector.shape_cast %get3A_685 : vector<1x16xi32> to vector<1x16xi32>
        %reshape3A_687 = vector.shape_cast %add3A_2 : vector<16xi32> to vector<1x16xi32>
        %add3A_688 = arith.addi %get3A_686, %reshape3A_687 : vector<1x16xi32>
        %swap3A_689 = arith.constant 0 : index
        %swap3A_690 = arith.constant 48 : index
        %swap3A_691 = tpu.vector_load %arg5[%swap3A_689, %swap3A_690] {strides = array<i32>} : memref<8x128xi32, #tpu.memory_space<vmem>>, vector<1x16xi32>,
        %swap3A_692 = vector.shape_cast %swap3A_691 : vector<1x16xi32> to vector<1x16xi32>
        %swap3A_693 = vector.shape_cast %add3A_688 : vector<1x16xi32> to vector<1x16xi32>
        tpu.vector_store %arg5[%swap3A_689, %swap3A_690], %swap3A_693 {strides = array<i32>} : memref<8x128xi32, #tpu.memory_space<vmem>>, vector<1x16xi32>,
        %get3A_694 = arith.constant 0 : index
        %get3A_695 = arith.constant 64 : index
        %get3A_696 = tpu.vector_load %arg5[%get3A_694, %get3A_695] {strides = array<i32>} : memref<8x128xi32, #tpu.memory_space<vmem>>, vector<1x16xi32>,
        %get3A_697 = vector.shape_cast %get3A_696 : vector<1x16xi32> to vector<1x16xi32>
        %reshape3A_698 = vector.shape_cast %add3A_2 : vector<16xi32> to vector<1x16xi32>
        %add3A_699 = arith.addi %get3A_697, %reshape3A_698 : vector<1x16xi32>
        %swap3A_700 = arith.constant 0 : index
        %swap3A_701 = arith.constant 64 : index
        %swap3A_702 = tpu.vector_load %arg5[%swap3A_700, %swap3A_701] {strides = array<i32>} : memref<8x128xi32, #tpu.memory_space<vmem>>, vector<1x16xi32>,
        %swap3A_703 = vector.shape_cast %swap3A_702 : vector<1x16xi32> to vector<1x16xi32>
        %swap3A_704 = vector.shape_cast %add3A_699 : vector<1x16xi32> to vector<1x16xi32>
        tpu.vector_store %arg5[%swap3A_700, %swap3A_701], %swap3A_704 {strides = array<i32>} : memref<8x128xi32, #tpu.memory_space<vmem>>, vector<1x16xi32>,
        %get3A_705 = arith.constant 0 : index
        %get3A_706 = arith.constant 80 : index
        %get3A_707 = tpu.vector_load %arg5[%get3A_705, %get3A_706] {strides = array<i32>} : memref<8x128xi32, #tpu.memory_space<vmem>>, vector<1x16xi32>,
        %get3A_708 = vector.shape_cast %get3A_707 : vector<1x16xi32> to vector<1x16xi32>
        %reshape3A_709 = vector.shape_cast %add3A_2 : vector<16xi32> to vector<1x16xi32>
        %add3A_710 = arith.addi %get3A_708, %reshape3A_709 : vector<1x16xi32>
        %swap3A_711 = arith.constant 0 : index
        %swap3A_712 = arith.constant 80 : index
        %swap3A_713 = tpu.vector_load %arg5[%swap3A_711, %swap3A_712] {strides = array<i32>} : memref<8x128xi32, #tpu.memory_space<vmem>>, vector<1x16xi32>,
        %swap3A_714 = vector.shape_cast %swap3A_713 : vector<1x16xi32> to vector<1x16xi32>
        %swap3A_715 = vector.shape_cast %add3A_710 : vector<1x16xi32> to vector<1x16xi32>
        tpu.vector_store %arg5[%swap3A_711, %swap3A_712], %swap3A_715 {strides = array<i32>} : memref<8x128xi32, #tpu.memory_space<vmem>>, vector<1x16xi32>,
        %get3A_716 = arith.constant 0 : index
        %get3A_717 = arith.constant 96 : index
        %get3A_718 = tpu.vector_load %arg5[%get3A_716, %get3A_717] {strides = array<i32>} : memref<8x128xi32, #tpu.memory_space<vmem>>, vector<1x16xi32>,
        %get3A_719 = vector.shape_cast %get3A_718 : vector<1x16xi32> to vector<1x16xi32>
        %reshape3A_720 = vector.shape_cast %add3A_2 : vector<16xi32> to vector<1x16xi32>
        %add3A_721 = arith.addi %get3A_719, %reshape3A_720 : vector<1x16xi32>
        %swap3A_722 = arith.constant 0 : index
        %swap3A_723 = arith.constant 96 : index
        %swap3A_724 = tpu.vector_load %arg5[%swap3A_722, %swap3A_723] {strides = array<i32>} : memref<8x128xi32, #tpu.memory_space<vmem>>, vector<1x16xi32>,
        %swap3A_725 = vector.shape_cast %swap3A_724 : vector<1x16xi32> to vector<1x16xi32>
        %swap3A_726 = vector.shape_cast %add3A_721 : vector<1x16xi32> to vector<1x16xi32>
        tpu.vector_store %arg5[%swap3A_722, %swap3A_723], %swap3A_726 {strides = array<i32>} : memref<8x128xi32, #tpu.memory_space<vmem>>, vector<1x16xi32>,
        %get3A_727 = arith.constant 0 : index
        %get3A_728 = arith.constant 112 : index
        %get3A_729 = tpu.vector_load %arg5[%get3A_727, %get3A_728] {strides = array<i32>} : memref<8x128xi32, #tpu.memory_space<vmem>>, vector<1x16xi32>,
        %get3A_730 = vector.shape_cast %get3A_729 : vector<1x16xi32> to vector<1x16xi32>
        %reshape3A_731 = vector.shape_cast %add3A_2 : vector<16xi32> to vector<1x16xi32>
        %add3A_732 = arith.addi %get3A_730, %reshape3A_731 : vector<1x16xi32>
        %swap3A_733 = arith.constant 0 : index
        %swap3A_734 = arith.constant 112 : index
        %swap3A_735 = tpu.vector_load %arg5[%swap3A_733, %swap3A_734] {strides = array<i32>} : memref<8x128xi32, #tpu.memory_space<vmem>>, vector<1x16xi32>,
        %swap3A_736 = vector.shape_cast %swap3A_735 : vector<1x16xi32> to vector<1x16xi32>
        %swap3A_737 = vector.shape_cast %add3A_732 : vector<1x16xi32> to vector<1x16xi32>
        tpu.vector_store %arg5[%swap3A_733, %swap3A_734], %swap3A_737 {strides = array<i32>} : memref<8x128xi32, #tpu.memory_space<vmem>>, vector<1x16xi32>,
      } else {
      }
      %dma_wait3A_548 = arith.constant 6 : i32
      %dma_wait3A_549 = arith.constant 0 : i32
      %dma_wait3A_550 = tpu.memref_slice %arg5[%dma_wait3A_548, %dma_wait3A_549] : memref<8x128xi32, #tpu.memory_space<vmem>> -> memref<1x128xi32, #tpu.memory_space<vmem>>
      %dma_wait3A_551 = tpu.memref_squeeze %dma_wait3A_550 : memref<1x128xi32, #tpu.memory_space<vmem>> -> memref<128xi32, #tpu.memory_space<vmem>>
      %dma_wait3A_552 = arith.constant 0 : i32
      %dma_wait3A_553 = arith.constant 0 : i32
      %dma_wait3A_554 = tpu.memref_slice %arg2[%dma_wait3A_552, %dma_wait3A_553] : memref<20000x128xf32, #tpu.memory_space<hbm>> -> memref<20000x128xf32, #tpu.memory_space<hbm>>
      tpu.wait_indirect_dma semaphore(%arg12 : memref<!tpu.dma_semaphore, #tpu.memory_space<semaphore_mem>>) src(%dma_wait3A_554 : memref<20000x128xf32, #tpu.memory_space<hbm>>) dst(%arg7 : memref<128x128xf32, #tpu.memory_space<vmem>>)
      %gt3A_555 = arith.constant 0 : i32
      %gt3A_556 = arith.cmpi sgt, %add3A_542, %gt3A_555 : i32
      %convert_element_type3A_557 = arith.extui %gt3A_556 : i1 to i32
      %cond3A_558 = arith.constant 0 : i32
      %cond3A_559 = arith.cmpi ne, %convert_element_type3A_557, %cond3A_558 : i32
      scf.if %cond3A_559 {
        %dma_wait3A_586 = arith.constant 5 : i32
        %dma_wait3A_587 = arith.constant 0 : i32
        %dma_wait3A_588 = tpu.memref_slice %arg5[%dma_wait3A_586, %dma_wait3A_587] : memref<8x128xi32, #tpu.memory_space<vmem>> -> memref<1x128xi32, #tpu.memory_space<vmem>>
        %dma_wait3A_589 = tpu.memref_squeeze %dma_wait3A_588 : memref<1x128xi32, #tpu.memory_space<vmem>> -> memref<128xi32, #tpu.memory_space<vmem>>
        %dma_wait3A_590 = arith.constant 0 : i32
        %dma_wait3A_591 = arith.constant 0 : i32
        %dma_wait3A_592 = tpu.memref_slice %arg10[%dma_wait3A_590, %dma_wait3A_591] : memref<10256x128xf32, #tpu.memory_space<vmem_shared>> -> memref<10256x128xf32, #tpu.memory_space<vmem_shared>>
        tpu.wait_indirect_dma semaphore(%arg14 : memref<!tpu.dma_semaphore, #tpu.memory_space<semaphore_mem>>) src(%arg6 : memref<128x128xf32, #tpu.memory_space<vmem>>) dst(%dma_wait3A_592 : memref<10256x128xf32, #tpu.memory_space<vmem_shared>>)
        %dma_wait3A_593 = arith.constant 5 : i32
        %dma_wait3A_594 = arith.constant 0 : i32
        %dma_wait3A_595 = tpu.memref_slice %arg5[%dma_wait3A_593, %dma_wait3A_594] : memref<8x128xi32, #tpu.memory_space<vmem>> -> memref<1x128xi32, #tpu.memory_space<vmem>>
        %dma_wait3A_596 = tpu.memref_squeeze %dma_wait3A_595 : memref<1x128xi32, #tpu.memory_space<vmem>> -> memref<128xi32, #tpu.memory_space<vmem>>
        %dma_wait3A_597 = arith.constant 0 : i32
        %dma_wait3A_598 = arith.constant 0 : i32
        %dma_wait3A_599 = tpu.memref_slice %arg11[%dma_wait3A_597, %dma_wait3A_598] : memref<10256x16xf32, #tpu.memory_space<vmem_shared>> -> memref<10256x16xf32, #tpu.memory_space<vmem_shared>>
        tpu.wait_indirect_dma semaphore(%arg14 : memref<!tpu.dma_semaphore, #tpu.memory_space<semaphore_mem>>) src(%arg8 : memref<128x16xf32, #tpu.memory_space<vmem>>) dst(%dma_wait3A_599 : memref<10256x16xf32, #tpu.memory_space<vmem_shared>>)
      } else {
      }
      %lt3A_560 = arith.constant 79 : i32
      %lt3A_561 = arith.cmpi slt, %add3A_542, %lt3A_560 : i32
      %convert_element_type3A_562 = arith.extui %lt3A_561 : i1 to i32
      %cond3A_563 = arith.constant 0 : i32
      %cond3A_564 = arith.cmpi ne, %convert_element_type3A_562, %cond3A_563 : i32
      scf.if %cond3A_564 {
        %dma_start3A_586 = arith.constant 0 : i32
        %dma_start3A_587 = arith.constant 0 : i32
        %dma_start3A_588 = tpu.memref_slice %arg5[%dma_start3A_586, %dma_start3A_587] : memref<8x128xi32, #tpu.memory_space<vmem>> -> memref<1x128xi32, #tpu.memory_space<vmem>>
        %dma_start3A_589 = tpu.memref_squeeze %dma_start3A_588 : memref<1x128xi32, #tpu.memory_space<vmem>> -> memref<128xi32, #tpu.memory_space<vmem>>
        %dma_start3A_590 = arith.constant 0 : i32
        %dma_start3A_591 = arith.constant 0 : i32
        %dma_start3A_592 = tpu.memref_slice %arg2[%dma_start3A_590, %dma_start3A_591] : memref<20000x128xf32, #tpu.memory_space<hbm>> -> memref<20000x128xf32, #tpu.memory_space<hbm>>
        tpu.enqueue_indirect_dma source(%dma_start3A_592 : memref<20000x128xf32, #tpu.memory_space<hbm>>) target(%arg6 : memref<128x128xf32, #tpu.memory_space<vmem>>) offsets(%dma_start3A_589 : memref<128xi32, #tpu.memory_space<vmem>>) semaphore(%arg12 : memref<!tpu.dma_semaphore, #tpu.memory_space<semaphore_mem>>)
      } else {
      }
      %dma_start3A_565 = arith.constant 7 : i32
      %dma_start3A_566 = arith.constant 0 : i32
      %dma_start3A_567 = tpu.memref_slice %arg5[%dma_start3A_565, %dma_start3A_566] : memref<8x128xi32, #tpu.memory_space<vmem>> -> memref<1x128xi32, #tpu.memory_space<vmem>>
      %dma_start3A_568 = tpu.memref_squeeze %dma_start3A_567 : memref<1x128xi32, #tpu.memory_space<vmem>> -> memref<128xi32, #tpu.memory_space<vmem>>
      %dma_start3A_569 = arith.constant 0 : i32
      %dma_start3A_570 = arith.constant 0 : i32
      %dma_start3A_571 = tpu.memref_slice %arg10[%dma_start3A_569, %dma_start3A_570] : memref<10256x128xf32, #tpu.memory_space<vmem_shared>> -> memref<10256x128xf32, #tpu.memory_space<vmem_shared>>
      tpu.enqueue_indirect_dma source(%arg7 : memref<128x128xf32, #tpu.memory_space<vmem>>) target(%dma_start3A_571 : memref<10256x128xf32, #tpu.memory_space<vmem_shared>>) offsets(%dma_start3A_568 : memref<128xi32, #tpu.memory_space<vmem>>) semaphore(%arg14 : memref<!tpu.dma_semaphore, #tpu.memory_space<semaphore_mem>>) {add = true}
      %dma_start3A_572 = arith.constant 7 : i32
      %dma_start3A_573 = arith.constant 0 : i32
      %dma_start3A_574 = tpu.memref_slice %arg5[%dma_start3A_572, %dma_start3A_573] : memref<8x128xi32, #tpu.memory_space<vmem>> -> memref<1x128xi32, #tpu.memory_space<vmem>>
      %dma_start3A_575 = tpu.memref_squeeze %dma_start3A_574 : memref<1x128xi32, #tpu.memory_space<vmem>> -> memref<128xi32, #tpu.memory_space<vmem>>
      %dma_start3A_576 = arith.constant 0 : i32
      %dma_start3A_577 = arith.constant 0 : i32
      %dma_start3A_578 = tpu.memref_slice %arg11[%dma_start3A_576, %dma_start3A_577] : memref<10256x16xf32, #tpu.memory_space<vmem_shared>> -> memref<10256x16xf32, #tpu.memory_space<vmem_shared>>
      tpu.enqueue_indirect_dma source(%arg8 : memref<128x16xf32, #tpu.memory_space<vmem>>) target(%dma_start3A_578 : memref<10256x16xf32, #tpu.memory_space<vmem_shared>>) offsets(%dma_start3A_575 : memref<128xi32, #tpu.memory_space<vmem>>) semaphore(%arg14 : memref<!tpu.dma_semaphore, #tpu.memory_space<semaphore_mem>>) {add = true}
      %add3A_579 = arith.constant 3 : i32
      %add3A_580 = arith.addi %add3A_542, %add3A_579 : i32
      %lt3A_581 = arith.constant 80 : i32
      %lt3A_582 = arith.cmpi slt, %add3A_580, %lt3A_581 : i32
      %convert_element_type3A_583 = arith.extui %lt3A_582 : i1 to i32
      %cond3A_584 = arith.constant 0 : i32
      %cond3A_585 = arith.cmpi ne, %convert_element_type3A_583, %cond3A_584 : i32
      scf.if %cond3A_585 {
        %add3A_586 = arith.constant 3 : i32
        %add3A_587 = arith.addi %add3A_542, %add3A_586 : i32
        %dma_start3A_588 = arith.constant 4 : i32
        %dma_start3A_589 = arith.constant 0 : i32
        %dma_start3A_590 = tpu.memref_slice %arg5[%dma_start3A_588, %dma_start3A_589] : memref<8x128xi32, #tpu.memory_space<vmem>> -> memref<1x128xi32, #tpu.memory_space<vmem>>
        %dma_start3A_591 = tpu.memref_squeeze %dma_start3A_590 : memref<1x128xi32, #tpu.memory_space<vmem>> -> memref<128xi32, #tpu.memory_space<vmem>>
        %dma_start3A_592 = arith.constant 0 : i32
        %dma_start3A_593 = arith.constant 0 : i32
        %dma_start3A_594 = arith.constant 0 : i32
        %dma_start3A_595 = tpu.memref_slice %arg3[%scan3A_370, %dma_start3A_592, %dma_start3A_593, %dma_start3A_594] : memref<2x16x80x128xi32, #tpu.memory_space<hbm>> -> memref<1x16x80x128xi32, #tpu.memory_space<hbm>>
        %dma_start3A_596 = tpu.memref_squeeze %dma_start3A_595 : memref<1x16x80x128xi32, #tpu.memory_space<hbm>> -> memref<16x80x128xi32, #tpu.memory_space<hbm>>
        %dma_start3A_597 = arith.constant 0 : i32
        %dma_start3A_598 = arith.constant 0 : i32
        %dma_start3A_599 = tpu.memref_slice %dma_start3A_596[%arg1, %dma_start3A_597, %dma_start3A_598] : memref<16x80x128xi32, #tpu.memory_space<hbm>> -> memref<1x80x128xi32, #tpu.memory_space<hbm>>
        %dma_start3A_600 = tpu.memref_squeeze %dma_start3A_599 : memref<1x80x128xi32, #tpu.memory_space<hbm>> -> memref<80x128xi32, #tpu.memory_space<hbm>>
        %dma_start3A_601 = arith.constant 0 : i32
        %dma_start3A_602 = tpu.memref_slice %dma_start3A_600[%add3A_587, %dma_start3A_601] : memref<80x128xi32, #tpu.memory_space<hbm>> -> memref<1x128xi32, #tpu.memory_space<hbm>>
        %dma_start3A_603 = tpu.memref_squeeze %dma_start3A_602 : memref<1x128xi32, #tpu.memory_space<hbm>> -> memref<128xi32, #tpu.memory_space<hbm>>
        %dma_start3A_604 = arith.constant 0 : i32
        %dma_start3A_605 = tpu.memref_slice %arg5[%dma_start3A_588, %dma_start3A_604] : memref<8x128xi32, #tpu.memory_space<vmem>> -> memref<1x128xi32, #tpu.memory_space<vmem>>
        %dma_start3A_606 = tpu.memref_squeeze %dma_start3A_605 : memref<1x128xi32, #tpu.memory_space<vmem>> -> memref<128xi32, #tpu.memory_space<vmem>>
        %dma_start3A_607 = arith.constant 0 : i32
        %dma_start3A_608 = arith.constant 0 : i32
        %dma_start3A_609 = arith.constant 0 : i32
        %dma_start3A_610 = tpu.memref_slice %arg3[%scan3A_370, %dma_start3A_607, %dma_start3A_608, %dma_start3A_609] : memref<2x16x80x128xi32, #tpu.memory_space<hbm>> -> memref<1x16x80x128xi32, #tpu.memory_space<hbm>>
        %dma_start3A_611 = tpu.memref_squeeze %dma_start3A_610 : memref<1x16x80x128xi32, #tpu.memory_space<hbm>> -> memref<16x80x128xi32, #tpu.memory_space<hbm>>
        %dma_start3A_612 = arith.constant 0 : i32
        %dma_start3A_613 = arith.constant 0 : i32
        %dma_start3A_614 = tpu.memref_slice %dma_start3A_611[%arg1, %dma_start3A_612, %dma_start3A_613] : memref<16x80x128xi32, #tpu.memory_space<hbm>> -> memref<1x80x128xi32, #tpu.memory_space<hbm>>
        %dma_start3A_615 = tpu.memref_squeeze %dma_start3A_614 : memref<1x80x128xi32, #tpu.memory_space<hbm>> -> memref<80x128xi32, #tpu.memory_space<hbm>>
        %dma_start3A_616 = arith.constant 0 : i32
        %dma_start3A_617 = tpu.memref_slice %dma_start3A_615[%add3A_587, %dma_start3A_616] : memref<80x128xi32, #tpu.memory_space<hbm>> -> memref<1x128xi32, #tpu.memory_space<hbm>>
        %dma_start3A_618 = tpu.memref_squeeze %dma_start3A_617 : memref<1x128xi32, #tpu.memory_space<hbm>> -> memref<128xi32, #tpu.memory_space<hbm>>
        tpu.enqueue_dma source(%dma_start3A_618 : memref<128xi32, #tpu.memory_space<hbm>>) target(%dma_start3A_606 : memref<128xi32, #tpu.memory_space<vmem>>) target_semaphore(%arg13 : memref<!tpu.dma_semaphore, #tpu.memory_space<semaphore_mem>>)
        %dma_start3A_619 = arith.constant 5 : i32
        %dma_start3A_620 = arith.constant 0 : i32
        %dma_start3A_621 = tpu.memref_slice %arg5[%dma_start3A_619, %dma_start3A_620] : memref<8x128xi32, #tpu.memory_space<vmem>> -> memref<1x128xi32, #tpu.memory_space<vmem>>
        %dma_start3A_622 = tpu.memref_squeeze %dma_start3A_621 : memref<1x128xi32, #tpu.memory_space<vmem>> -> memref<128xi32, #tpu.memory_space<vmem>>
        %dma_start3A_623 = arith.constant 0 : i32
        %dma_start3A_624 = arith.constant 0 : i32
        %dma_start3A_625 = arith.constant 0 : i32
        %dma_start3A_626 = tpu.memref_slice %arg3[%scan3A_371, %dma_start3A_623, %dma_start3A_624, %dma_start3A_625] : memref<2x16x80x128xi32, #tpu.memory_space<hbm>> -> memref<1x16x80x128xi32, #tpu.memory_space<hbm>>
        %dma_start3A_627 = tpu.memref_squeeze %dma_start3A_626 : memref<1x16x80x128xi32, #tpu.memory_space<hbm>> -> memref<16x80x128xi32, #tpu.memory_space<hbm>>
        %dma_start3A_628 = arith.constant 0 : i32
        %dma_start3A_629 = arith.constant 0 : i32
        %dma_start3A_630 = tpu.memref_slice %dma_start3A_627[%arg1, %dma_start3A_628, %dma_start3A_629] : memref<16x80x128xi32, #tpu.memory_space<hbm>> -> memref<1x80x128xi32, #tpu.memory_space<hbm>>
        %dma_start3A_631 = tpu.memref_squeeze %dma_start3A_630 : memref<1x80x128xi32, #tpu.memory_space<hbm>> -> memref<80x128xi32, #tpu.memory_space<hbm>>
        %dma_start3A_632 = arith.constant 0 : i32
        %dma_start3A_633 = tpu.memref_slice %dma_start3A_631[%add3A_587, %dma_start3A_632] : memref<80x128xi32, #tpu.memory_space<hbm>> -> memref<1x128xi32, #tpu.memory_space<hbm>>
        %dma_start3A_634 = tpu.memref_squeeze %dma_start3A_633 : memref<1x128xi32, #tpu.memory_space<hbm>> -> memref<128xi32, #tpu.memory_space<hbm>>
        %dma_start3A_635 = arith.constant 0 : i32
        %dma_start3A_636 = tpu.memref_slice %arg5[%dma_start3A_619, %dma_start3A_635] : memref<8x128xi32, #tpu.memory_space<vmem>> -> memref<1x128xi32, #tpu.memory_space<vmem>>
        %dma_start3A_637 = tpu.memref_squeeze %dma_start3A_636 : memref<1x128xi32, #tpu.memory_space<vmem>> -> memref<128xi32, #tpu.memory_space<vmem>>
        %dma_start3A_638 = arith.constant 0 : i32
        %dma_start3A_639 = arith.constant 0 : i32
        %dma_start3A_640 = arith.constant 0 : i32
        %dma_start3A_641 = tpu.memref_slice %arg3[%scan3A_371, %dma_start3A_638, %dma_start3A_639, %dma_start3A_640] : memref<2x16x80x128xi32, #tpu.memory_space<hbm>> -> memref<1x16x80x128xi32, #tpu.memory_space<hbm>>
        %dma_start3A_642 = tpu.memref_squeeze %dma_start3A_641 : memref<1x16x80x128xi32, #tpu.memory_space<hbm>> -> memref<16x80x128xi32, #tpu.memory_space<hbm>>
        %dma_start3A_643 = arith.constant 0 : i32
        %dma_start3A_644 = arith.constant 0 : i32
        %dma_start3A_645 = tpu.memref_slice %dma_start3A_642[%arg1, %dma_start3A_643, %dma_start3A_644] : memref<16x80x128xi32, #tpu.memory_space<hbm>> -> memref<1x80x128xi32, #tpu.memory_space<hbm>>
        %dma_start3A_646 = tpu.memref_squeeze %dma_start3A_645 : memref<1x80x128xi32, #tpu.memory_space<hbm>> -> memref<80x128xi32, #tpu.memory_space<hbm>>
        %dma_start3A_647 = arith.constant 0 : i32
        %dma_start3A_648 = tpu.memref_slice %dma_start3A_646[%add3A_587, %dma_start3A_647] : memref<80x128xi32, #tpu.memory_space<hbm>> -> memref<1x128xi32, #tpu.memory_space<hbm>>
        %dma_start3A_649 = tpu.memref_squeeze %dma_start3A_648 : memref<1x128xi32, #tpu.memory_space<hbm>> -> memref<128xi32, #tpu.memory_space<hbm>>
        tpu.enqueue_dma source(%dma_start3A_649 : memref<128xi32, #tpu.memory_space<hbm>>) target(%dma_start3A_637 : memref<128xi32, #tpu.memory_space<vmem>>) target_semaphore(%arg13 : memref<!tpu.dma_semaphore, #tpu.memory_space<semaphore_mem>>)
      } else {
      }
    }
    %scan3A_376 = arith.constant 20 : i32
    %dma_wait3A_377 = arith.constant 7 : i32
    %dma_wait3A_378 = arith.constant 0 : i32
    %dma_wait3A_379 = tpu.memref_slice %arg5[%dma_wait3A_377, %dma_wait3A_378] : memref<8x128xi32, #tpu.memory_space<vmem>> -> memref<1x128xi32, #tpu.memory_space<vmem>>
    %dma_wait3A_380 = tpu.memref_squeeze %dma_wait3A_379 : memref<1x128xi32, #tpu.memory_space<vmem>> -> memref<128xi32, #tpu.memory_space<vmem>>
    %dma_wait3A_381 = arith.constant 0 : i32
    %dma_wait3A_382 = arith.constant 0 : i32
    %dma_wait3A_383 = tpu.memref_slice %arg10[%dma_wait3A_381, %dma_wait3A_382] : memref<10256x128xf32, #tpu.memory_space<vmem_shared>> -> memref<10256x128xf32, #tpu.memory_space<vmem_shared>>
    tpu.wait_indirect_dma semaphore(%arg14 : memref<!tpu.dma_semaphore, #tpu.memory_space<semaphore_mem>>) src(%arg7 : memref<128x128xf32, #tpu.memory_space<vmem>>) dst(%dma_wait3A_383 : memref<10256x128xf32, #tpu.memory_space<vmem_shared>>)
    %dma_wait3A_384 = arith.constant 7 : i32
    %dma_wait3A_385 = arith.constant 0 : i32
    %dma_wait3A_386 = tpu.memref_slice %arg5[%dma_wait3A_384, %dma_wait3A_385] : memref<8x128xi32, #tpu.memory_space<vmem>> -> memref<1x128xi32, #tpu.memory_space<vmem>>
    %dma_wait3A_387 = tpu.memref_squeeze %dma_wait3A_386 : memref<1x128xi32, #tpu.memory_space<vmem>> -> memref<128xi32, #tpu.memory_space<vmem>>
    %dma_wait3A_388 = arith.constant 0 : i32
    %dma_wait3A_389 = arith.constant 0 : i32
    %dma_wait3A_390 = tpu.memref_slice %arg11[%dma_wait3A_388, %dma_wait3A_389] : memref<10256x16xf32, #tpu.memory_space<vmem_shared>> -> memref<10256x16xf32, #tpu.memory_space<vmem_shared>>
    tpu.wait_indirect_dma semaphore(%arg14 : memref<!tpu.dma_semaphore, #tpu.memory_space<semaphore_mem>>) src(%arg8 : memref<128x16xf32, #tpu.memory_space<vmem>>) dst(%dma_wait3A_390 : memref<10256x16xf32, #tpu.memory_space<vmem_shared>>)
    %barrier3A_391 = arith.constant 0 : index
    tpu.barrier barrier_id(%barrier3A_391)
    %scan3A_392 = arith.constant 0 : i32
    %scan3A_393 = arith.constant 5 : i32
    %scan3A_394 = arith.addi %scan3A_392, %scan3A_393 : i32
    %scan3A_395 = arith.constant 1 : i32
    scf.for %scan3A_397 = %scan3A_392 to %scan3A_394 step %scan3A_395  : i32 {
      %mul3A_398 = arith.constant 1 : i32
      %mul3A_399 = arith.muli %scan3A_397, %mul3A_398 : i32
      %add3A_400 = arith.constant 0 : i32
      %add3A_401 = arith.addi %add3A_400, %mul3A_399 : i32
      %mul3A_402 = arith.constant 625 : i32
      %mul3A_403 = arith.muli %arg1, %mul3A_402 : i32
      %mul3A_404 = arith.constant 125 : i32
      %mul3A_405 = arith.muli %add3A_401, %mul3A_404 : i32
      %add3A_406 = arith.addi %mul3A_403, %mul3A_405 : i32
      "tpu.region"() ({
        %run_scoped3A = tpu.sem_alloc : memref<!tpu.dma_semaphore, #tpu.memory_space<semaphore_mem>>
        %dma_start3A_412 = arith.constant 0 : i32
        %dma_start3A_413 = arith.constant 0 : i32
        %dma_start3A_414 = tpu.memref_slice %arg6[%dma_start3A_412, %dma_start3A_413] : memref<128x128xf32, #tpu.memory_space<vmem>> -> memref<125x128xf32, #tpu.memory_space<vmem>>
        %dma_start3A_415 = arith.constant 0 : i32
        %dma_start3A_416 = tpu.memref_slice %arg10[%add3A_406, %dma_start3A_415] : memref<10256x128xf32, #tpu.memory_space<vmem_shared>> -> memref<125x128xf32, #tpu.memory_space<vmem_shared>>
        %dma_start3A_417 = arith.constant 0 : i32
        %dma_start3A_418 = arith.constant 0 : i32
        %dma_start3A_419 = tpu.memref_slice %arg6[%dma_start3A_417, %dma_start3A_418] : memref<128x128xf32, #tpu.memory_space<vmem>> -> memref<125x128xf32, #tpu.memory_space<vmem>>
        %dma_start3A_420 = arith.constant 0 : i32
        %dma_start3A_421 = tpu.memref_slice %arg10[%add3A_406, %dma_start3A_420] : memref<10256x128xf32, #tpu.memory_space<vmem_shared>> -> memref<125x128xf32, #tpu.memory_space<vmem_shared>>
        tpu.enqueue_dma source(%dma_start3A_421 : memref<125x128xf32, #tpu.memory_space<vmem_shared>>) target(%dma_start3A_419 : memref<125x128xf32, #tpu.memory_space<vmem>>) target_semaphore(%run_scoped3A : memref<!tpu.dma_semaphore, #tpu.memory_space<semaphore_mem>>)
        %dma_wait3A_422 = arith.constant 0 : i32
        %dma_wait3A_423 = arith.constant 0 : i32
        %dma_wait3A_424 = tpu.memref_slice %arg6[%dma_wait3A_422, %dma_wait3A_423] : memref<128x128xf32, #tpu.memory_space<vmem>> -> memref<125x128xf32, #tpu.memory_space<vmem>>
        %dma_wait3A_425 = arith.constant 0 : i32
        %dma_wait3A_426 = tpu.memref_slice %arg10[%add3A_406, %dma_wait3A_425] : memref<10256x128xf32, #tpu.memory_space<vmem_shared>> -> memref<125x128xf32, #tpu.memory_space<vmem_shared>>
        %dma_wait3A_427 = arith.constant 0 : i32
        %dma_wait3A_428 = arith.constant 0 : i32
        %dma_wait3A_429 = tpu.memref_slice %arg6[%dma_wait3A_427, %dma_wait3A_428] : memref<128x128xf32, #tpu.memory_space<vmem>> -> memref<125x128xf32, #tpu.memory_space<vmem>>
        %dma_wait3A_430 = arith.constant 0 : i32
        %dma_wait3A_431 = tpu.memref_slice %arg10[%add3A_406, %dma_wait3A_430] : memref<10256x128xf32, #tpu.memory_space<vmem_shared>> -> memref<125x128xf32, #tpu.memory_space<vmem_shared>>
        tpu.wait_dma2 semaphore(%run_scoped3A : memref<!tpu.dma_semaphore, #tpu.memory_space<semaphore_mem>>) src(%dma_wait3A_431 : memref<125x128xf32, #tpu.memory_space<vmem_shared>>) dst(%dma_wait3A_429 : memref<125x128xf32, #tpu.memory_space<vmem>>)
        tpu.yield
      }) : () -> ()
      "tpu.region"() ({
        %run_scoped3A = tpu.sem_alloc : memref<!tpu.dma_semaphore, #tpu.memory_space<semaphore_mem>>
        %dma_start3A_412 = arith.constant 0 : i32
        %dma_start3A_413 = arith.constant 0 : i32
        %dma_start3A_414 = tpu.memref_slice %arg9[%dma_start3A_412, %dma_start3A_413] : memref<128x16xf32, #tpu.memory_space<vmem>> -> memref<125x16xf32, #tpu.memory_space<vmem>>
        %dma_start3A_415 = arith.constant 0 : i32
        %dma_start3A_416 = tpu.memref_slice %arg11[%add3A_406, %dma_start3A_415] : memref<10256x16xf32, #tpu.memory_space<vmem_shared>> -> memref<125x16xf32, #tpu.memory_space<vmem_shared>>
        %dma_start3A_417 = arith.constant 0 : i32
        %dma_start3A_418 = arith.constant 0 : i32
        %dma_start3A_419 = tpu.memref_slice %arg9[%dma_start3A_417, %dma_start3A_418] : memref<128x16xf32, #tpu.memory_space<vmem>> -> memref<125x16xf32, #tpu.memory_space<vmem>>
        %dma_start3A_420 = arith.constant 0 : i32
        %dma_start3A_421 = tpu.memref_slice %arg11[%add3A_406, %dma_start3A_420] : memref<10256x16xf32, #tpu.memory_space<vmem_shared>> -> memref<125x16xf32, #tpu.memory_space<vmem_shared>>
        tpu.enqueue_dma source(%dma_start3A_421 : memref<125x16xf32, #tpu.memory_space<vmem_shared>>) target(%dma_start3A_419 : memref<125x16xf32, #tpu.memory_space<vmem>>) target_semaphore(%run_scoped3A : memref<!tpu.dma_semaphore, #tpu.memory_space<semaphore_mem>>)
        %dma_wait3A_422 = arith.constant 0 : i32
        %dma_wait3A_423 = arith.constant 0 : i32
        %dma_wait3A_424 = tpu.memref_slice %arg9[%dma_wait3A_422, %dma_wait3A_423] : memref<128x16xf32, #tpu.memory_space<vmem>> -> memref<125x16xf32, #tpu.memory_space<vmem>>
        %dma_wait3A_425 = arith.constant 0 : i32
        %dma_wait3A_426 = tpu.memref_slice %arg11[%add3A_406, %dma_wait3A_425] : memref<10256x16xf32, #tpu.memory_space<vmem_shared>> -> memref<125x16xf32, #tpu.memory_space<vmem_shared>>
        %dma_wait3A_427 = arith.constant 0 : i32
        %dma_wait3A_428 = arith.constant 0 : i32
        %dma_wait3A_429 = tpu.memref_slice %arg9[%dma_wait3A_427, %dma_wait3A_428] : memref<128x16xf32, #tpu.memory_space<vmem>> -> memref<125x16xf32, #tpu.memory_space<vmem>>
        %dma_wait3A_430 = arith.constant 0 : i32
        %dma_wait3A_431 = tpu.memref_slice %arg11[%add3A_406, %dma_wait3A_430] : memref<10256x16xf32, #tpu.memory_space<vmem_shared>> -> memref<125x16xf32, #tpu.memory_space<vmem_shared>>
        tpu.wait_dma2 semaphore(%run_scoped3A : memref<!tpu.dma_semaphore, #tpu.memory_space<semaphore_mem>>) src(%dma_wait3A_431 : memref<125x16xf32, #tpu.memory_space<vmem_shared>>) dst(%dma_wait3A_429 : memref<125x16xf32, #tpu.memory_space<vmem>>)
        tpu.yield
      }) : () -> ()
      %scan3A_407 = arith.constant 0 : i32
      %scan3A_408 = arith.constant 125 : i32
      %scan3A_409 = arith.addi %scan3A_407, %scan3A_408 : i32
      %scan3A_410 = arith.constant 1 : i32
      scf.for %scan3A_412 = %scan3A_407 to %scan3A_409 step %scan3A_410  : i32 {
        %mul3A_413 = arith.constant 1 : i32
        %mul3A_414 = arith.muli %scan3A_412, %mul3A_413 : i32
        %add3A_415 = arith.constant 0 : i32
        %add3A_416 = arith.addi %add3A_415, %mul3A_414 : i32
        %get3A_417 = arith.index_cast %add3A_416 : i32 to index
        %get3A_418 = arith.constant 0 : index
        %get3A_419 = tpu.vector_load %arg9[%get3A_417, %get3A_418] {strides = array<i32>} : memref<128x16xf32, #tpu.memory_space<vmem>>, vector<1x16xf32>,
        %get3A_420 = vector.shape_cast %get3A_419 : vector<1x16xf32> to vector<1x16xf32>
        %max3A = arith.constant 1.000000e+00 : f32
        %max3A_421 = vector.broadcast %max3A : f32 to vector<1x16xf32>
        %max3A_422 = arith.maximumf %get3A_420, %max3A_421 : vector<1x16xf32>
        %div3A = arith.constant 1.000000e+00 : f32
        %div3A_423 = vector.broadcast %div3A : f32 to vector<1x16xf32>
        %div3A_424 = arith.divf %div3A_423, %max3A_422 : vector<1x16xf32>
        %get3A_425 = arith.index_cast %add3A_416 : i32 to index
        %get3A_426 = arith.constant 0 : index
        %get3A_427 = tpu.vector_load %arg6[%get3A_425, %get3A_426] {strides = array<i32>} : memref<128x128xf32, #tpu.memory_space<vmem>>, vector<1x16xf32>,
        %get3A_428 = vector.shape_cast %get3A_427 : vector<1x16xf32> to vector<1x16xf32>
        %mul3A_429 = arith.mulf %get3A_428, %div3A_424 : vector<1x16xf32>
        %swap3A_430 = arith.index_cast %add3A_416 : i32 to index
        %swap3A_431 = arith.constant 0 : index
        %swap3A_432 = tpu.vector_load %arg6[%swap3A_430, %swap3A_431] {strides = array<i32>} : memref<128x128xf32, #tpu.memory_space<vmem>>, vector<1x16xf32>,
        %swap3A_433 = vector.shape_cast %swap3A_432 : vector<1x16xf32> to vector<1x16xf32>
        %swap3A_434 = vector.shape_cast %mul3A_429 : vector<1x16xf32> to vector<1x16xf32>
        tpu.vector_store %arg6[%swap3A_430, %swap3A_431], %swap3A_434 {strides = array<i32>} : memref<128x128xf32, #tpu.memory_space<vmem>>, vector<1x16xf32>,
        %get3A_435 = arith.index_cast %add3A_416 : i32 to index
        %get3A_436 = arith.constant 16 : index
        %get3A_437 = tpu.vector_load %arg6[%get3A_435, %get3A_436] {strides = array<i32>} : memref<128x128xf32, #tpu.memory_space<vmem>>, vector<1x16xf32>,
        %get3A_438 = vector.shape_cast %get3A_437 : vector<1x16xf32> to vector<1x16xf32>
        %mul3A_439 = arith.mulf %get3A_438, %div3A_424 : vector<1x16xf32>
        %swap3A_440 = arith.index_cast %add3A_416 : i32 to index
        %swap3A_441 = arith.constant 16 : index
        %swap3A_442 = tpu.vector_load %arg6[%swap3A_440, %swap3A_441] {strides = array<i32>} : memref<128x128xf32, #tpu.memory_space<vmem>>, vector<1x16xf32>,
        %swap3A_443 = vector.shape_cast %swap3A_442 : vector<1x16xf32> to vector<1x16xf32>
        %swap3A_444 = vector.shape_cast %mul3A_439 : vector<1x16xf32> to vector<1x16xf32>
        tpu.vector_store %arg6[%swap3A_440, %swap3A_441], %swap3A_444 {strides = array<i32>} : memref<128x128xf32, #tpu.memory_space<vmem>>, vector<1x16xf32>,
        %get3A_445 = arith.index_cast %add3A_416 : i32 to index
        %get3A_446 = arith.constant 32 : index
        %get3A_447 = tpu.vector_load %arg6[%get3A_445, %get3A_446] {strides = array<i32>} : memref<128x128xf32, #tpu.memory_space<vmem>>, vector<1x16xf32>,
        %get3A_448 = vector.shape_cast %get3A_447 : vector<1x16xf32> to vector<1x16xf32>
        %mul3A_449 = arith.mulf %get3A_448, %div3A_424 : vector<1x16xf32>
        %swap3A_450 = arith.index_cast %add3A_416 : i32 to index
        %swap3A_451 = arith.constant 32 : index
        %swap3A_452 = tpu.vector_load %arg6[%swap3A_450, %swap3A_451] {strides = array<i32>} : memref<128x128xf32, #tpu.memory_space<vmem>>, vector<1x16xf32>,
        %swap3A_453 = vector.shape_cast %swap3A_452 : vector<1x16xf32> to vector<1x16xf32>
        %swap3A_454 = vector.shape_cast %mul3A_449 : vector<1x16xf32> to vector<1x16xf32>
        tpu.vector_store %arg6[%swap3A_450, %swap3A_451], %swap3A_454 {strides = array<i32>} : memref<128x128xf32, #tpu.memory_space<vmem>>, vector<1x16xf32>,
        %get3A_455 = arith.index_cast %add3A_416 : i32 to index
        %get3A_456 = arith.constant 48 : index
        %get3A_457 = tpu.vector_load %arg6[%get3A_455, %get3A_456] {strides = array<i32>} : memref<128x128xf32, #tpu.memory_space<vmem>>, vector<1x16xf32>,
        %get3A_458 = vector.shape_cast %get3A_457 : vector<1x16xf32> to vector<1x16xf32>
        %mul3A_459 = arith.mulf %get3A_458, %div3A_424 : vector<1x16xf32>
        %swap3A_460 = arith.index_cast %add3A_416 : i32 to index
        %swap3A_461 = arith.constant 48 : index
        %swap3A_462 = tpu.vector_load %arg6[%swap3A_460, %swap3A_461] {strides = array<i32>} : memref<128x128xf32, #tpu.memory_space<vmem>>, vector<1x16xf32>,
        %swap3A_463 = vector.shape_cast %swap3A_462 : vector<1x16xf32> to vector<1x16xf32>
        %swap3A_464 = vector.shape_cast %mul3A_459 : vector<1x16xf32> to vector<1x16xf32>
        tpu.vector_store %arg6[%swap3A_460, %swap3A_461], %swap3A_464 {strides = array<i32>} : memref<128x128xf32, #tpu.memory_space<vmem>>, vector<1x16xf32>,
        %get3A_465 = arith.index_cast %add3A_416 : i32 to index
        %get3A_466 = arith.constant 64 : index
        %get3A_467 = tpu.vector_load %arg6[%get3A_465, %get3A_466] {strides = array<i32>} : memref<128x128xf32, #tpu.memory_space<vmem>>, vector<1x16xf32>,
        %get3A_468 = vector.shape_cast %get3A_467 : vector<1x16xf32> to vector<1x16xf32>
        %mul3A_469 = arith.mulf %get3A_468, %div3A_424 : vector<1x16xf32>
        %swap3A_470 = arith.index_cast %add3A_416 : i32 to index
        %swap3A_471 = arith.constant 64 : index
        %swap3A_472 = tpu.vector_load %arg6[%swap3A_470, %swap3A_471] {strides = array<i32>} : memref<128x128xf32, #tpu.memory_space<vmem>>, vector<1x16xf32>,
        %swap3A_473 = vector.shape_cast %swap3A_472 : vector<1x16xf32> to vector<1x16xf32>
        %swap3A_474 = vector.shape_cast %mul3A_469 : vector<1x16xf32> to vector<1x16xf32>
        tpu.vector_store %arg6[%swap3A_470, %swap3A_471], %swap3A_474 {strides = array<i32>} : memref<128x128xf32, #tpu.memory_space<vmem>>, vector<1x16xf32>,
        %get3A_475 = arith.index_cast %add3A_416 : i32 to index
        %get3A_476 = arith.constant 80 : index
        %get3A_477 = tpu.vector_load %arg6[%get3A_475, %get3A_476] {strides = array<i32>} : memref<128x128xf32, #tpu.memory_space<vmem>>, vector<1x16xf32>,
        %get3A_478 = vector.shape_cast %get3A_477 : vector<1x16xf32> to vector<1x16xf32>
        %mul3A_479 = arith.mulf %get3A_478, %div3A_424 : vector<1x16xf32>
        %swap3A_480 = arith.index_cast %add3A_416 : i32 to index
        %swap3A_481 = arith.constant 80 : index
        %swap3A_482 = tpu.vector_load %arg6[%swap3A_480, %swap3A_481] {strides = array<i32>} : memref<128x128xf32, #tpu.memory_space<vmem>>, vector<1x16xf32>,
        %swap3A_483 = vector.shape_cast %swap3A_482 : vector<1x16xf32> to vector<1x16xf32>
        %swap3A_484 = vector.shape_cast %mul3A_479 : vector<1x16xf32> to vector<1x16xf32>
        tpu.vector_store %arg6[%swap3A_480, %swap3A_481], %swap3A_484 {strides = array<i32>} : memref<128x128xf32, #tpu.memory_space<vmem>>, vector<1x16xf32>,
        %get3A_485 = arith.index_cast %add3A_416 : i32 to index
        %get3A_486 = arith.constant 96 : index
        %get3A_487 = tpu.vector_load %arg6[%get3A_485, %get3A_486] {strides = array<i32>} : memref<128x128xf32, #tpu.memory_space<vmem>>, vector<1x16xf32>,
        %get3A_488 = vector.shape_cast %get3A_487 : vector<1x16xf32> to vector<1x16xf32>
        %mul3A_489 = arith.mulf %get3A_488, %div3A_424 : vector<1x16xf32>
        %swap3A_490 = arith.index_cast %add3A_416 : i32 to index
        %swap3A_491 = arith.constant 96 : index
        %swap3A_492 = tpu.vector_load %arg6[%swap3A_490, %swap3A_491] {strides = array<i32>} : memref<128x128xf32, #tpu.memory_space<vmem>>, vector<1x16xf32>,
        %swap3A_493 = vector.shape_cast %swap3A_492 : vector<1x16xf32> to vector<1x16xf32>
        %swap3A_494 = vector.shape_cast %mul3A_489 : vector<1x16xf32> to vector<1x16xf32>
        tpu.vector_store %arg6[%swap3A_490, %swap3A_491], %swap3A_494 {strides = array<i32>} : memref<128x128xf32, #tpu.memory_space<vmem>>, vector<1x16xf32>,
        %get3A_495 = arith.index_cast %add3A_416 : i32 to index
        %get3A_496 = arith.constant 112 : index
        %get3A_497 = tpu.vector_load %arg6[%get3A_495, %get3A_496] {strides = array<i32>} : memref<128x128xf32, #tpu.memory_space<vmem>>, vector<1x16xf32>,
        %get3A_498 = vector.shape_cast %get3A_497 : vector<1x16xf32> to vector<1x16xf32>
        %mul3A_499 = arith.mulf %get3A_498, %div3A_424 : vector<1x16xf32>
        %swap3A_500 = arith.index_cast %add3A_416 : i32 to index
        %swap3A_501 = arith.constant 112 : index
        %swap3A_502 = tpu.vector_load %arg6[%swap3A_500, %swap3A_501] {strides = array<i32>} : memref<128x128xf32, #tpu.memory_space<vmem>>, vector<1x16xf32>,
        %swap3A_503 = vector.shape_cast %swap3A_502 : vector<1x16xf32> to vector<1x16xf32>
        %swap3A_504 = vector.shape_cast %mul3A_499 : vector<1x16xf32> to vector<1x16xf32>
        tpu.vector_store %arg6[%swap3A_500, %swap3A_501], %swap3A_504 {strides = array<i32>} : memref<128x128xf32, #tpu.memory_space<vmem>>, vector<1x16xf32>,
      }
      %scan3A_411 = arith.constant 125 : i32
      "tpu.region"() ({
        %run_scoped3A = tpu.sem_alloc : memref<!tpu.dma_semaphore, #tpu.memory_space<semaphore_mem>>
        %dma_start3A_412 = arith.constant 0 : i32
        %dma_start3A_413 = arith.constant 0 : i32
        %dma_start3A_414 = tpu.memref_slice %arg6[%dma_start3A_412, %dma_start3A_413] : memref<128x128xf32, #tpu.memory_space<vmem>> -> memref<125x128xf32, #tpu.memory_space<vmem>>
        %dma_start3A_415 = arith.constant 0 : i32
        %dma_start3A_416 = arith.constant 0 : i32
        %dma_start3A_417 = tpu.memref_slice %arg4[%arg0, %dma_start3A_415, %dma_start3A_416] : memref<2x10000x128xf32, #tpu.memory_space<hbm>> -> memref<1x10000x128xf32, #tpu.memory_space<hbm>>
        %dma_start3A_418 = tpu.memref_squeeze %dma_start3A_417 : memref<1x10000x128xf32, #tpu.memory_space<hbm>> -> memref<10000x128xf32, #tpu.memory_space<hbm>>
        %dma_start3A_419 = arith.constant 0 : i32
        %dma_start3A_420 = tpu.memref_slice %dma_start3A_418[%add3A_406, %dma_start3A_419] : memref<10000x128xf32, #tpu.memory_space<hbm>> -> memref<125x128xf32, #tpu.memory_space<hbm>>
        %dma_start3A_421 = arith.constant 0 : i32
        %dma_start3A_422 = arith.constant 0 : i32
        %dma_start3A_423 = tpu.memref_slice %arg4[%arg0, %dma_start3A_421, %dma_start3A_422] : memref<2x10000x128xf32, #tpu.memory_space<hbm>> -> memref<1x10000x128xf32, #tpu.memory_space<hbm>>
        %dma_start3A_424 = tpu.memref_squeeze %dma_start3A_423 : memref<1x10000x128xf32, #tpu.memory_space<hbm>> -> memref<10000x128xf32, #tpu.memory_space<hbm>>
        %dma_start3A_425 = arith.constant 0 : i32
        %dma_start3A_426 = tpu.memref_slice %dma_start3A_424[%add3A_406, %dma_start3A_425] : memref<10000x128xf32, #tpu.memory_space<hbm>> -> memref<125x128xf32, #tpu.memory_space<hbm>>
        %dma_start3A_427 = arith.constant 0 : i32
        %dma_start3A_428 = arith.constant 0 : i32
        %dma_start3A_429 = tpu.memref_slice %arg6[%dma_start3A_427, %dma_start3A_428] : memref<128x128xf32, #tpu.memory_space<vmem>> -> memref<125x128xf32, #tpu.memory_space<vmem>>
        tpu.enqueue_dma source(%dma_start3A_429 : memref<125x128xf32, #tpu.memory_space<vmem>>) target(%dma_start3A_426 : memref<125x128xf32, #tpu.memory_space<hbm>>) target_semaphore(%run_scoped3A : memref<!tpu.dma_semaphore, #tpu.memory_space<semaphore_mem>>)
        %dma_wait3A_430 = arith.constant 0 : i32
        %dma_wait3A_431 = arith.constant 0 : i32
        %dma_wait3A_432 = tpu.memref_slice %arg6[%dma_wait3A_430, %dma_wait3A_431] : memref<128x128xf32, #tpu.memory_space<vmem>> -> memref<125x128xf32, #tpu.memory_space<vmem>>
        %dma_wait3A_433 = arith.constant 0 : i32
        %dma_wait3A_434 = arith.constant 0 : i32
        %dma_wait3A_435 = tpu.memref_slice %arg4[%arg0, %dma_wait3A_433, %dma_wait3A_434] : memref<2x10000x128xf32, #tpu.memory_space<hbm>> -> memref<1x10000x128xf32, #tpu.memory_space<hbm>>
        %dma_wait3A_436 = tpu.memref_squeeze %dma_wait3A_435 : memref<1x10000x128xf32, #tpu.memory_space<hbm>> -> memref<10000x128xf32, #tpu.memory_space<hbm>>
        %dma_wait3A_437 = arith.constant 0 : i32
        %dma_wait3A_438 = tpu.memref_slice %dma_wait3A_436[%add3A_406, %dma_wait3A_437] : memref<10000x128xf32, #tpu.memory_space<hbm>> -> memref<125x128xf32, #tpu.memory_space<hbm>>
        %dma_wait3A_439 = arith.constant 0 : i32
        %dma_wait3A_440 = arith.constant 0 : i32
        %dma_wait3A_441 = tpu.memref_slice %arg4[%arg0, %dma_wait3A_439, %dma_wait3A_440] : memref<2x10000x128xf32, #tpu.memory_space<hbm>> -> memref<1x10000x128xf32, #tpu.memory_space<hbm>>
        %dma_wait3A_442 = tpu.memref_squeeze %dma_wait3A_441 : memref<1x10000x128xf32, #tpu.memory_space<hbm>> -> memref<10000x128xf32, #tpu.memory_space<hbm>>
        %dma_wait3A_443 = arith.constant 0 : i32
        %dma_wait3A_444 = tpu.memref_slice %dma_wait3A_442[%add3A_406, %dma_wait3A_443] : memref<10000x128xf32, #tpu.memory_space<hbm>> -> memref<125x128xf32, #tpu.memory_space<hbm>>
        %dma_wait3A_445 = arith.constant 0 : i32
        %dma_wait3A_446 = arith.constant 0 : i32
        %dma_wait3A_447 = tpu.memref_slice %arg6[%dma_wait3A_445, %dma_wait3A_446] : memref<128x128xf32, #tpu.memory_space<vmem>> -> memref<125x128xf32, #tpu.memory_space<vmem>>
        tpu.wait_dma2 semaphore(%run_scoped3A : memref<!tpu.dma_semaphore, #tpu.memory_space<semaphore_mem>>) src(%dma_wait3A_447 : memref<125x128xf32, #tpu.memory_space<vmem>>) dst(%dma_wait3A_444 : memref<125x128xf32, #tpu.memory_space<hbm>>)
        tpu.yield
      }) : () -> ()
    }
    %scan3A_396 = arith.constant 5 : i32
    return
  }
}

module attributes {stable_mosaic.version = 14 : i64} {
  func.func @_xv_body(%arg0: i32, %arg1: i32, %arg2: memref<2000x128xf32, #tpu.memory_space<vmem>>, %arg3: memref<2000x128xf32, #tpu.memory_space<vmem>>) attributes {dimension_semantics = [#tpu.dimension_semantics<arbitrary>, #tpu.dimension_semantics<arbitrary>], iteration_bounds = array<i64: 2, 5>, scalar_prefetch = 0 : i64, scratch_operands = 0 : i64, tpu.core_type = #tpu.core_type<tc>, window_params = [{transform_indices = @transform_0, window_bounds = array<i64: 2000, 128>}, {transform_indices = @transform_1, window_bounds = array<i64: 2000, 128>}]} {
    %get3A = arith.constant 0 : index
    %get3A_0 = arith.constant 0 : index
    %get3A_1 = vector.load %arg2[%get3A, %get3A_0] : memref<2000x128xf32, #tpu.memory_space<vmem>>, vector<2000x128xf32>
    %swap3A = arith.constant 0 : index
    %swap3A_2 = arith.constant 0 : index
    %swap3A_3 = vector.load %arg3[%swap3A, %swap3A_2] : memref<2000x128xf32, #tpu.memory_space<vmem>>, vector<2000x128xf32>
    tpu.vector_store %arg3[%swap3A, %swap3A_2], %get3A_1 {strides = array<i32>} : memref<2000x128xf32, #tpu.memory_space<vmem>>, vector<2000x128xf32>,
    return
  }
  func.func @transform_0(%arg0: i32, %arg1: i32) -> (i32, i32) {
    %c0_i32 = arith.constant 0 : i32
    return %arg1, %arg0 : i32, i32
  }
  func.func @transform_1(%arg0: i32, %arg1: i32) -> (i32, i32) {
    %mul3A = arith.constant 5 : i32
    %mul3A_0 = arith.muli %arg0, %mul3A : i32
    %add3A = arith.addi %mul3A_0, %arg1 : i32
    %c0_i32 = arith.constant 0 : i32
    %c0_i32_1 = arith.constant 0 : i32
    return %add3A, %c0_i32 : i32, i32
  }
}

module attributes {stable_mosaic.version = 14 : i64} {
  func.func @_mm1_body(%arg0: i32, %arg1: memref<2000x256xf32, #tpu.memory_space<vmem>>, %arg2: memref<256x512xf32, #tpu.memory_space<vmem>>, %arg3: memref<2000x512xf32, #tpu.memory_space<vmem>>) attributes {dimension_semantics = [#tpu.dimension_semantics<arbitrary>], iteration_bounds = array<i64: 5>, scalar_prefetch = 0 : i64, scratch_operands = 0 : i64, tpu.core_type = #tpu.core_type<tc>, window_params = [{transform_indices = @transform_0, window_bounds = array<i64: 2000, 256>}, {pipeline_mode = #tpu.pipeline_mode<synchronous>, transform_indices = @transform_1, window_bounds = array<i64: 256, 512>}, {transform_indices = @transform_2, window_bounds = array<i64: 2000, 512>}]} {
    %get3A = arith.constant 0 : index
    %get3A_0 = arith.constant 0 : index
    %get3A_1 = vector.load %arg1[%get3A, %get3A_0] : memref<2000x256xf32, #tpu.memory_space<vmem>>, vector<2000x256xf32>
    %get3A_2 = arith.constant 0 : index
    %get3A_3 = arith.constant 0 : index
    %get3A_4 = vector.load %arg2[%get3A_2, %get3A_3] : memref<256x512xf32, #tpu.memory_space<vmem>>, vector<256x512xf32>
    %dot_general3A = arith.constant dense<0.000000e+00> : vector<2000x512xf32>
    %dot_general3A_5 = tpu.matmul %get3A_1, %get3A_4, %dot_general3A {dimension_numbers = #tpu.dot_dimension_numbers<[1], [0], [0], [1], [0, 0, 1, 1], [], []>, transpose_lhs_hint = false} : vector<2000x256xf32>, vector<256x512xf32>, vector<2000x512xf32> -> vector<2000x512xf32>
    %swap3A = arith.constant 0 : index
    %swap3A_6 = arith.constant 0 : index
    %swap3A_7 = vector.load %arg3[%swap3A, %swap3A_6] : memref<2000x512xf32, #tpu.memory_space<vmem>>, vector<2000x512xf32>
    tpu.vector_store %arg3[%swap3A, %swap3A_6], %dot_general3A_5 {strides = array<i32>} : memref<2000x512xf32, #tpu.memory_space<vmem>>, vector<2000x512xf32>,
    return
  }
  func.func @transform_0(%arg0: i32) -> (i32, i32) {
    %c0_i32 = arith.constant 0 : i32
    %c0_i32_0 = arith.constant 0 : i32
    return %arg0, %c0_i32 : i32, i32
  }
  func.func @transform_1(%arg0: i32) -> (i32, i32) {
    %c0_i32 = arith.constant 0 : i32
    %c0_i32_0 = arith.constant 0 : i32
    %c0_i32_1 = arith.constant 0 : i32
    return %c0_i32, %c0_i32_0 : i32, i32
  }
  func.func @transform_2(%arg0: i32) -> (i32, i32) {
    %c0_i32 = arith.constant 0 : i32
    %c0_i32_0 = arith.constant 0 : i32
    return %arg0, %c0_i32 : i32, i32
  }
}

module attributes {stable_mosaic.version = 14 : i64} {
  func.func @_mlp_body(%arg0: i32, %arg1: memref<2000x512xf32, #tpu.memory_space<vmem>>, %arg2: memref<2x2000x128xf32, #tpu.memory_space<vmem>>, %arg3: memref<256x512xf32, #tpu.memory_space<vmem>>, %arg4: memref<1x512xf32, #tpu.memory_space<vmem>>, %arg5: memref<512x400xf32, #tpu.memory_space<vmem>>, %arg6: memref<1x400xf32, #tpu.memory_space<vmem>>, %arg7: memref<400x400xf32, #tpu.memory_space<vmem>>, %arg8: memref<1x400xf32, #tpu.memory_space<vmem>>, %arg9: memref<400x2xf32, #tpu.memory_space<vmem>>, %arg10: memref<1x2xf32, #tpu.memory_space<vmem>>, %arg11: memref<2000x2xf32, #tpu.memory_space<vmem>>) attributes {dimension_semantics = [#tpu.dimension_semantics<arbitrary>], iteration_bounds = array<i64: 5>, scalar_prefetch = 0 : i64, scratch_operands = 0 : i64, tpu.core_type = #tpu.core_type<tc>, window_params = [{transform_indices = @transform_0, window_bounds = array<i64: 2000, 512>}, {transform_indices = @transform_1, window_bounds = array<i64: 2, 2000, 128>}, {pipeline_mode = #tpu.pipeline_mode<synchronous>, transform_indices = @transform_2, window_bounds = array<i64: 256, 512>}, {pipeline_mode = #tpu.pipeline_mode<synchronous>, transform_indices = @transform_3, window_bounds = array<i64: 1, 512>}, {pipeline_mode = #tpu.pipeline_mode<synchronous>, transform_indices = @transform_4, window_bounds = array<i64: 512, 400>}, {pipeline_mode = #tpu.pipeline_mode<synchronous>, transform_indices = @transform_5, window_bounds = array<i64: 1, 400>}, {pipeline_mode = #tpu.pipeline_mode<synchronous>, transform_indices = @transform_6, window_bounds = array<i64: 400, 400>}, {pipeline_mode = #tpu.pipeline_mode<synchronous>, transform_indices = @transform_7, window_bounds = array<i64: 1, 400>}, {pipeline_mode = #tpu.pipeline_mode<synchronous>, transform_indices = @transform_8, window_bounds = array<i64: 400, 2>}, {pipeline_mode = #tpu.pipeline_mode<synchronous>, transform_indices = @transform_9, window_bounds = array<i64: 1, 2>}, {transform_indices = @transform_10, window_bounds = array<i64: 2000, 2>}]} {
    %get3A = arith.constant 0 : index
    %get3A_0 = arith.constant 0 : index
    %get3A_1 = vector.load %arg1[%get3A, %get3A_0] : memref<2000x512xf32, #tpu.memory_space<vmem>>, vector<2000x512xf32>
    %get3A_2 = arith.constant 0 : index
    %get3A_3 = arith.constant 0 : index
    %get3A_4 = arith.constant 0 : index
    %get3A_5 = vector.load %arg2[%get3A_2, %get3A_3, %get3A_4] : memref<2x2000x128xf32, #tpu.memory_space<vmem>>, vector<1x2000x128xf32>
    %get3A_6 = vector.shape_cast %get3A_5 : vector<1x2000x128xf32> to vector<2000x128xf32>
    %get3A_7 = arith.constant 0 : index
    %get3A_8 = arith.constant 0 : index
    %get3A_9 = vector.load %arg3[%get3A_7, %get3A_8] : memref<256x512xf32, #tpu.memory_space<vmem>>, vector<128x512xf32>
    %dot_general3A = arith.constant dense<0.000000e+00> : vector<2000x512xf32>
    %dot_general3A_10 = tpu.matmul %get3A_6, %get3A_9, %dot_general3A {dimension_numbers = #tpu.dot_dimension_numbers<[1], [0], [0], [1], [0, 0, 1, 1], [], []>, transpose_lhs_hint = false} : vector<2000x128xf32>, vector<128x512xf32>, vector<2000x512xf32> -> vector<2000x512xf32>
    %add3A = arith.addf %get3A_1, %dot_general3A_10 : vector<2000x512xf32>
    %get3A_11 = arith.constant 1 : index
    %get3A_12 = arith.constant 0 : index
    %get3A_13 = arith.constant 0 : index
    %get3A_14 = vector.load %arg2[%get3A_11, %get3A_12, %get3A_13] : memref<2x2000x128xf32, #tpu.memory_space<vmem>>, vector<1x2000x128xf32>
    %get3A_15 = vector.shape_cast %get3A_14 : vector<1x2000x128xf32> to vector<2000x128xf32>
    %get3A_16 = arith.constant 128 : index
    %get3A_17 = arith.constant 0 : index
    %get3A_18 = vector.load %arg3[%get3A_16, %get3A_17] : memref<256x512xf32, #tpu.memory_space<vmem>>, vector<128x512xf32>
    %dot_general3A_19 = arith.constant dense<0.000000e+00> : vector<2000x512xf32>
    %dot_general3A_20 = tpu.matmul %get3A_15, %get3A_18, %dot_general3A_19 {dimension_numbers = #tpu.dot_dimension_numbers<[1], [0], [0], [1], [0, 0, 1, 1], [], []>, transpose_lhs_hint = false} : vector<2000x128xf32>, vector<128x512xf32>, vector<2000x512xf32> -> vector<2000x512xf32>
    %add3A_21 = arith.addf %add3A, %dot_general3A_20 : vector<2000x512xf32>
    %get3A_22 = arith.constant 0 : index
    %get3A_23 = arith.constant 0 : index
    %get3A_24 = vector.load %arg4[%get3A_22, %get3A_23] : memref<1x512xf32, #tpu.memory_space<vmem>>, vector<1x512xf32>
    %add3A_25 = vector.broadcast %get3A_24 : vector<1x512xf32> to vector<2000x512xf32>
    %add3A_26 = arith.addf %add3A_21, %add3A_25 : vector<2000x512xf32>
    %max3A = arith.constant 0.000000e+00 : f32
    %max3A_27 = vector.broadcast %max3A : f32 to vector<2000x512xf32>
    %max3A_28 = arith.maximumf %add3A_26, %max3A_27 : vector<2000x512xf32>
    %get3A_29 = arith.constant 0 : index
    %get3A_30 = arith.constant 0 : index
    %get3A_31 = vector.load %arg5[%get3A_29, %get3A_30] : memref<512x400xf32, #tpu.memory_space<vmem>>, vector<512x400xf32>
    %dot_general3A_32 = arith.constant dense<0.000000e+00> : vector<2000x400xf32>
    %dot_general3A_33 = tpu.matmul %max3A_28, %get3A_31, %dot_general3A_32 {dimension_numbers = #tpu.dot_dimension_numbers<[1], [0], [0], [1], [0, 0, 1, 1], [], []>, transpose_lhs_hint = false} : vector<2000x512xf32>, vector<512x400xf32>, vector<2000x400xf32> -> vector<2000x400xf32>
    %get3A_34 = arith.constant 0 : index
    %get3A_35 = arith.constant 0 : index
    %get3A_36 = vector.load %arg6[%get3A_34, %get3A_35] : memref<1x400xf32, #tpu.memory_space<vmem>>, vector<1x400xf32>
    %add3A_37 = vector.broadcast %get3A_36 : vector<1x400xf32> to vector<2000x400xf32>
    %add3A_38 = arith.addf %dot_general3A_33, %add3A_37 : vector<2000x400xf32>
    %max3A_39 = arith.constant 0.000000e+00 : f32
    %max3A_40 = vector.broadcast %max3A_39 : f32 to vector<2000x400xf32>
    %max3A_41 = arith.maximumf %add3A_38, %max3A_40 : vector<2000x400xf32>
    %get3A_42 = arith.constant 0 : index
    %get3A_43 = arith.constant 0 : index
    %get3A_44 = vector.load %arg7[%get3A_42, %get3A_43] : memref<400x400xf32, #tpu.memory_space<vmem>>, vector<400x400xf32>
    %dot_general3A_45 = arith.constant dense<0.000000e+00> : vector<2000x400xf32>
    %dot_general3A_46 = tpu.matmul %max3A_41, %get3A_44, %dot_general3A_45 {dimension_numbers = #tpu.dot_dimension_numbers<[1], [0], [0], [1], [0, 0, 1, 1], [], []>, transpose_lhs_hint = false} : vector<2000x400xf32>, vector<400x400xf32>, vector<2000x400xf32> -> vector<2000x400xf32>
    %get3A_47 = arith.constant 0 : index
    %get3A_48 = arith.constant 0 : index
    %get3A_49 = vector.load %arg8[%get3A_47, %get3A_48] : memref<1x400xf32, #tpu.memory_space<vmem>>, vector<1x400xf32>
    %add3A_50 = vector.broadcast %get3A_49 : vector<1x400xf32> to vector<2000x400xf32>
    %add3A_51 = arith.addf %dot_general3A_46, %add3A_50 : vector<2000x400xf32>
    %max3A_52 = arith.constant 0.000000e+00 : f32
    %max3A_53 = vector.broadcast %max3A_52 : f32 to vector<2000x400xf32>
    %max3A_54 = arith.maximumf %add3A_51, %max3A_53 : vector<2000x400xf32>
    %get3A_55 = arith.constant 0 : index
    %get3A_56 = arith.constant 0 : index
    %get3A_57 = vector.load %arg9[%get3A_55, %get3A_56] : memref<400x2xf32, #tpu.memory_space<vmem>>, vector<400x2xf32>
    %dot_general3A_58 = arith.constant dense<0.000000e+00> : vector<2000x2xf32>
    %dot_general3A_59 = tpu.matmul %max3A_54, %get3A_57, %dot_general3A_58 {dimension_numbers = #tpu.dot_dimension_numbers<[1], [0], [0], [1], [0, 0, 1, 1], [], []>, transpose_lhs_hint = false} : vector<2000x400xf32>, vector<400x2xf32>, vector<2000x2xf32> -> vector<2000x2xf32>
    %get3A_60 = arith.constant 0 : index
    %get3A_61 = arith.constant 0 : index
    %get3A_62 = vector.load %arg10[%get3A_60, %get3A_61] : memref<1x2xf32, #tpu.memory_space<vmem>>, vector<1x2xf32>
    %add3A_63 = vector.broadcast %get3A_62 : vector<1x2xf32> to vector<2000x2xf32>
    %add3A_64 = arith.addf %dot_general3A_59, %add3A_63 : vector<2000x2xf32>
    %reduce_max3A = arith.constant dense<0xFF800000> : vector<2000xf32>
    %reduce_max3A_65 = vector.multi_reduction <maximumf>, %add3A_64, %reduce_max3A [1] : vector<2000x2xf32> to vector<2000xf32>
    %broadcast_in_dim3A = vector.shape_cast %reduce_max3A_65 : vector<2000xf32> to vector<2000x1xf32>
    %sub3A = vector.broadcast %broadcast_in_dim3A : vector<2000x1xf32> to vector<2000x2xf32>
    %sub3A_66 = arith.subf %add3A_64, %sub3A : vector<2000x2xf32>
    %exp3A = math.exp %sub3A_66 : vector<2000x2xf32>
    %reduce_sum3A = arith.constant dense<0.000000e+00> : vector<2000xf32>
    %reduce_sum3A_67 = vector.multi_reduction <add>, %exp3A, %reduce_sum3A [1] : vector<2000x2xf32> to vector<2000xf32>
    %broadcast_in_dim3A_68 = vector.shape_cast %reduce_sum3A_67 : vector<2000xf32> to vector<2000x1xf32>
    %div3A = vector.broadcast %broadcast_in_dim3A_68 : vector<2000x1xf32> to vector<2000x2xf32>
    %div3A_69 = arith.divf %exp3A, %div3A : vector<2000x2xf32>
    %swap3A = arith.constant 0 : index
    %swap3A_70 = arith.constant 0 : index
    %swap3A_71 = vector.load %arg11[%swap3A, %swap3A_70] : memref<2000x2xf32, #tpu.memory_space<vmem>>, vector<2000x2xf32>
    tpu.vector_store %arg11[%swap3A, %swap3A_70], %div3A_69 {strides = array<i32>} : memref<2000x2xf32, #tpu.memory_space<vmem>>, vector<2000x2xf32>,
    return
  }
  func.func @transform_0(%arg0: i32) -> (i32, i32) {
    %c0_i32 = arith.constant 0 : i32
    %c0_i32_0 = arith.constant 0 : i32
    return %arg0, %c0_i32 : i32, i32
  }
  func.func @transform_1(%arg0: i32) -> (i32, i32, i32) {
    %c0_i32 = arith.constant 0 : i32
    %c0_i32_0 = arith.constant 0 : i32
    %c0_i32_1 = arith.constant 0 : i32
    return %c0_i32, %arg0, %c0_i32_0 : i32, i32, i32
  }
  func.func @transform_2(%arg0: i32) -> (i32, i32) {
    %c0_i32 = arith.constant 0 : i32
    %c0_i32_0 = arith.constant 0 : i32
    %c0_i32_1 = arith.constant 0 : i32
    return %c0_i32, %c0_i32_0 : i32, i32
  }
  func.func @transform_3(%arg0: i32) -> (i32, i32) {
    %c0_i32 = arith.constant 0 : i32
    %c0_i32_0 = arith.constant 0 : i32
    %c0_i32_1 = arith.constant 0 : i32
    return %c0_i32, %c0_i32_0 : i32, i32
  }
  func.func @transform_4(%arg0: i32) -> (i32, i32) {
    %c0_i32 = arith.constant 0 : i32
    %c0_i32_0 = arith.constant 0 : i32
    %c0_i32_1 = arith.constant 0 : i32
    return %c0_i32, %c0_i32_0 : i32, i32
  }
  func.func @transform_5(%arg0: i32) -> (i32, i32) {
    %c0_i32 = arith.constant 0 : i32
    %c0_i32_0 = arith.constant 0 : i32
    %c0_i32_1 = arith.constant 0 : i32
    return %c0_i32, %c0_i32_0 : i32, i32
  }
  func.func @transform_6(%arg0: i32) -> (i32, i32) {
    %c0_i32 = arith.constant 0 : i32
    %c0_i32_0 = arith.constant 0 : i32
    %c0_i32_1 = arith.constant 0 : i32
    return %c0_i32, %c0_i32_0 : i32, i32
  }
  func.func @transform_7(%arg0: i32) -> (i32, i32) {
    %c0_i32 = arith.constant 0 : i32
    %c0_i32_0 = arith.constant 0 : i32
    %c0_i32_1 = arith.constant 0 : i32
    return %c0_i32, %c0_i32_0 : i32, i32
  }
  func.func @transform_8(%arg0: i32) -> (i32, i32) {
    %c0_i32 = arith.constant 0 : i32
    %c0_i32_0 = arith.constant 0 : i32
    %c0_i32_1 = arith.constant 0 : i32
    return %c0_i32, %c0_i32_0 : i32, i32
  }
  func.func @transform_9(%arg0: i32) -> (i32, i32) {
    %c0_i32 = arith.constant 0 : i32
    %c0_i32_0 = arith.constant 0 : i32
    %c0_i32_1 = arith.constant 0 : i32
    return %c0_i32, %c0_i32_0 : i32, i32
  }
  func.func @transform_10(%arg0: i32) -> (i32, i32) {
    %c0_i32 = arith.constant 0 : i32
    %c0_i32_0 = arith.constant 0 : i32
    return %arg0, %c0_i32 : i32, i32
  }
}

</mosaic_0001>

<sc_bundles>
// kernel: kernel.6.cloned.1.call-start
scs
__scs_entry_jumppad:
0x0: {  	(pc) =	sbr.rel $0x88, $3  }
0x1: {  	(tag) =	ssettag $0x0;
	lr =	simm.s32 $0x1  }
0x2: {  	[smem:$0x3F96] =	sst lr;
	_ =	strace $0xD0000000  }
0x3: {  	_ = 	snop  }
0x4: {  	_ = 	snop  }
0x5: {  	_ = 	snop  }
0x6: {  	_ = 	snop  }
0x7: {  	_ = 	snop  }
__scs_overlays_trampoline_lowered:
0x8: {  	[smem:$0x3FA5] =	sst s0  }
0x9: {  	[smem:$0x3FA6] =	sst s1  }
0xa: {  	[smem:$0x3FA7] =	sst s2  }
0xb: {  	[smem:$0x3FA8] =	sst s3  }
0xc: {  	[smem:$0x3FA9] =	sst s4  }
0xd: {  	[smem:$0x3FAA] =	sst s5  }
0xe: {  	[smem:$0x3FAB] =	sst s6  }
0xf: {  	[smem:$0x3FAC] =	sst s7  }
0x10: {  	[smem:$0x3FAD] =	sst s8  }
0x11: {  	[smem:$0x3FAE] =	sst s9;
	s0 =	simm.s32 @!p0 $0x0  }
0x12: {  	s1 =	sld [smem:$0x3F94];
	s0 =	simm.s32 @p0 $0x1  }
0x13: {  	[smem:$0x3FAF] =	sst s0;
	s0 =	simm.s32 @!p1 $0x0  }
0x14: {  	s2 =	sld [smem:$0x3F93];
	s0 =	simm.s32 @p1 $0x1  }
0x15: {  	[smem:$0x3FB0] =	sst s0;
	s0 =	simm.s32 @!p2 $0x0  }
0x16: {  	s3 =	sld [smem:$0x3FDB];
	s0 =	simm.s32 @p2 $0x1  }
0x17: {  	s4 =	simm.s32 $0x1BF5;
	[smem:$0x3FB2] =	sst s0  }
0x18: {  	s0 =	sld [smem:$0x3F95];
	_ =	swait.ge [sflag:s4], $0x0  }
0x19: {  	s7 =	sld [smem:$0x3F96]  }
0x1a: {  	s8 =	sadd.s32 $0xFFFFE003, lr  }
0x1b: {  	s9 =	sadd.s32 $0xFFFFFEF7, lr;
	s5 =	simm.s32 $0xFFFFFFFF;
	p2 =	slt.u32 s8, $0xFFFFF086  }
0x1c: {  	p1 =	slt.u32 s9, $0xF7A;
	s5 =	simm.s32 @!p2 $0x0  }
0x1d: {  	s5 =	simm.s32 @p1 $0x1;
	p0 =	seq.s32 s7, s2  }
0x1e: {  	s7 =	smul.u32 @!p0 $0xF7A, s2;
	p2 =	seq.s32 @!p0 s5, $0x0  }
0x1f: {  	s9 =	smul.u32 $0xF7A, s1;
	s8 =	simm.s32 @!p0 $0x1BF5;
	p2 =	por !p2, p0  }
0x20: {  	[sflag:s8] =	ssyncset.s32 @!p0 $0xFFFFF086;
	s6 =	sadd.s32 @!p0 s3, s7;
	s7 =	simm.s32 @!p0 $0x108  }
0x21: {  	s3 =	sadd.s32 s3, s9;
	s6 =	sadd.s32 @!p0 $0x88, s6;
	s7 =	simm.s32 @p2 $0x1082  }
0x22: {  	[simem:s7], [sflag:s8] =	dma.local @!p0 [hbm:s6], $0xF7A  }
0x23: {  	s9 =	sor.u32 $0xD0000000, s2;
	s6 =	simm.s32 $0x108;
	_ =	swait.ge @!p0 [sflag:s8], $0x0  }
0x24: {  	s3 =	sadd.s32 $0x88, s3;
	s6 =	simm.s32 @!p1 $0x1082;
	[sflag:s4] =	ssyncset.s32 $0xFFFFF086  }
0x25: {  	[simem:s6], [sflag:s4] =	dma.local [hbm:s3], $0xF7A  }
0x26: {  	[smem:$0x3F96] =	sst s1;
	(tag) =	ssettag s2;
	_ =	strace s9  }
0x27: {  	s1 =	sld [smem:$0x3FA6]  }
0x28: {  	s2 =	sld [smem:$0x3FA7]  }
0x29: {  	s4 =	sld [smem:$0x3FA9]  }
0x2a: {  	p0 =	seq.s32 s5, $0x0;
	s5 =	sld [smem:$0x3FAA]  }
0x2b: {  	s6 =	sld [smem:$0x3FAB]  }
0x2c: {  	s7 =	sld [smem:$0x3FAC]  }
0x2d: {  	s3 =	simm.s32 $0x108;
	s8 =	sld [smem:$0x3FAD]  }
0x2e: {  	s3 =	simm.s32 @!p0 $0x1082;
	s9 =	sld [smem:$0x3FAE]  }
0x2f: {  	lr =	sadd.s32 s0, s3;
	s0 =	sld [smem:$0x3FA5]  }
0x30: {  	s3 =	sld [smem:$0x3FA8]  }
0x31: {  	[smem:$0x3FB1] =	sst s10  }
0x32: {  	s10 =	sld [smem:$0x3FAF];
	_ =	sdelay $0x3  }
0x33: {  	p0 =	seq.s32 s10, $0x1;
	s10 =	sld [smem:$0x3FB1];
	_ =	sdelay $0x3  }
0x34: {  	[smem:$0x3FB1] =	sst s10  }
0x35: {  	s10 =	sld [smem:$0x3FB0];
	_ =	sdelay $0x3  }
0x36: {  	p1 =	seq.s32 s10, $0x1;
	s10 =	sld [smem:$0x3FB1];
	_ =	sdelay $0x3  }
0x37: {  	[smem:$0x3FB1] =	sst s10  }
0x38: {  	s10 =	sld [smem:$0x3FB2]  }
0x39: {  	_ = 	snop;
	(pc) =	sbr.ind lr, $3  }
0x3a: {  	_ = 	snop  }
0x3b: {  	_ = 	snop  }
0x3c: {  	p2 =	seq.s32 s10, $0x1;
	s10 =	sld [smem:$0x3FB1]  }
0x3d: {  	_ =	shalt  }
0x3e: {  	_ =	shalt  }
0x3f: {  	_ =	shalt  }
0x40: {  	_ =	shalt  }
0x41: {  	_ =	shalt  }
0x42: {  	_ =	shalt  }
0x43: {  	_ =	shalt  }
0x44: {  	_ =	shalt  }
0x45: {  	_ =	shalt  }
0x46: {  	_ =	shalt  }
0x47: {  	_ =	shalt  }
0x48: {  	_ =	shalt  }
0x49: {  	_ =	shalt  }
0x4a: {  	_ =	shalt  }
0x4b: {  	_ =	shalt  }
0x4c: {  	_ =	shalt  }
0x4d: {  	_ =	shalt  }
0x4e: {  	_ =	shalt  }
0x4f: {  	_ =	shalt  }
0x50: {  	_ =	shalt  }
0x51: {  	_ =	shalt  }
0x52: {  	_ =	shalt  }
0x53: {  	_ =	shalt  }
0x54: {  	_ =	shalt  }
0x55: {  	_ =	shalt  }
0x56: {  	_ =	shalt  }
0x57: {  	_ =	shalt  }
0x58: {  	_ =	shalt  }
0x59: {  	_ =	shalt  }
0x5a: {  	_ =	shalt  }
0x5b: {  	_ =	shalt  }
0x5c: {  	_ =	shalt  }
0x5d: {  	_ =	shalt  }
0x5e: {  	_ =	shalt  }
0x5f: {  	_ =	shalt  }
0x60: {  	_ =	shalt  }
0x61: {  	_ =	shalt  }
0x62: {  	_ =	shalt  }
0x63: {  	_ =	shalt  }
0x64: {  	_ =	shalt  }
0x65: {  	_ =	shalt  }
0x66: {  	_ =	shalt  }
0x67: {  	_ =	shalt  }
0x68: {  	_ =	shalt  }
0x69: {  	_ =	shalt  }
0x6a: {  	_ =	shalt  }
0x6b: {  	_ =	shalt  }
0x6c: {  	_ =	shalt  }
0x6d: {  	_ =	shalt  }
0x6e: {  	_ =	shalt  }
0x6f: {  	_ =	shalt  }
0x70: {  	_ =	shalt  }
0x71: {  	_ =	shalt  }
0x72: {  	_ =	shalt  }
0x73: {  	_ =	shalt  }
0x74: {  	_ =	shalt  }
0x75: {  	_ =	shalt  }
0x76: {  	_ =	shalt  }
0x77: {  	_ =	shalt  }
0x78: {  	_ =	shalt  }
0x79: {  	_ =	shalt  }
0x7a: {  	_ =	shalt  }
0x7b: {  	_ =	shalt  }
0x7c: {  	_ =	shalt  }
0x7d: {  	_ =	shalt  }
0x7e: {  	_ =	shalt  }
0x7f: {  	_ =	shalt  }
0x80: {  	_ =	shalt  }
0x81: {  	_ =	shalt  }
0x82: {  	_ =	shalt  }
0x83: {  	_ =	shalt  }
0x84: {  	_ =	shalt  }
0x85: {  	_ =	shalt  }
0x86: {  	_ =	shalt  }
0x87: {  	_ =	shalt  }
.Lfunc_end0:
.L_simem_size_0:
called_computation_lowered:
.L_overlay_start_0:
0x88: {  	s2 =	sld [smem:$0x3FD9]  }
0x89: {  	s3 =	sld [smem:$0x3FFE];
	_ =	sdelay $0x1  }
0x8a: {  	s1 =	srdreg.scid  }
0x8b: {  	s0 =	sand.u32 $0x1, s1  }
0x8c: {  	s16 =	sshll.u32 s0, $0xA;
	s2 =	sadd.s32 s3, s2  }
0x8d: {  	s2 =	sadd.s32 s2, s16  }
0x8e: {  	[smem:$0x3FBD] =	sst s2  }
0x8f: {  	_ = 	snop  }
0x90: {  	(tm) =	ssettm $0x1  }
0x91: {  	s17 =	sld [smem:$0x3FFB];
	_ =	sdelay $0x3  }
0x92: {  	_ =	strace s17  }
0x93: {  	s2 =	sld [smem:$0x3FFC];
	_ =	sdelay $0x3  }
0x94: {  	_ =	strace s2  }
0x95: {  	s2 =	sld [smem:$0x3FFD];
	_ =	sdelay $0x3  }
0x96: {  	_ =	strace s2  }
0x97: {  	_ =	strace $0x8FFFFFFF  }
0x98: {  	s18 =	sld [smem:$0x3FDB];
	_ =	sdelay $0x1  }
0x99: {  	s19 =	simm.s32 $_scs_section_size  }
0x9a: {  	s4 =	simm.s32 $_size__tile_overlayer_lowered;
	s5 =	simm.s32 $_tile_overlayer_lowered  }
0x9b: {  	s22 =	simm.s32 $0x1BFF;
	s21 =	sshll.u32 s5, $0x1;
	s2 =	sadd.s32 s19, s18  }
0x9c: {  	s6 =	simm.s32 $0x0;
	s20 =	sshll.u32 s4, $0x1;
	s4 =	sadd.s32 s21, s2  }
0x9d: {  	[timem:s6], [sflag:s22] =	dma.local [hbm:s4], s20  }
0x9e: {  	_ =	swait.ge [sflag:s22], s20  }
0x9f: {  	s3 =	ssub.s32 $0x0, s20;
	[sflag:s22] =	ssyncset.done $0x0  }
0xa0: {  	[sflag:s22] =	ssyncadd.s32 s3;
	_ =	sdelay $0x1  }
0xa1: {  	s23 =	simm.s32 $0x1B8B  }
0xa2: {  	_ =	swait.ge [sflag:s23], $0x1  }
0xa3: {  	[sflag:s23] =	ssyncset.done $0x0  }
0xa4: {  	s25 =	simm.s32 $0x1B8E;
	s24 =	sld [smem:$0x3FFE];
	[sflag:s23] =	ssyncadd.s32 $0xFFFFFFFF  }
0xa5: {  	s26 =	simm.s32 $execute0_lowered;
	[smem:$0x3FD2] =	sst s25  }
0xa6: {  	s4 =	sshll.u32 s26, $0x1;
	_ =	strace $0x80000046;
	[dreg:$0x1] =	wrdreg $0xFFFFFFFF  }
0xa7: {  	s28 =	simm.s32 $_size_execute0_lowered;
	s2 =	sadd.s32 s2, s4;
	[dreg:$0x0] =	wrdreg $0x0  }
0xa8: {  	s4 =	sshll.u32 s28, $0x1;
	[dreg:$0x2] =	wrdreg s2  }
0xa9: {  	[dreg:$0x3] =	wrdreg s4  }
0xaa: {  	[dreg:$0x4] =	wrdreg $0xC0  }
0xab: {  	_ =	task [dreg:s6], $0x5FFFF  }
0xac: {  	[dreg:$0x1] =	wrdreg $0xFFFFFFFF  }
0xad: {  	[dreg:$0x0] =	wrdreg $0x60  }
0xae: {  	[dreg:$0x2] =	wrdreg s24  }
0xaf: {  	[dreg:$0x3] =	wrdreg $0x94000  }
0xb0: {  	[dreg:$0x4] =	wrdreg $0x1D4800  }
0xb1: {  	[dreg:$0x5] =	wrdreg $0x9  }
0xb2: {  	_ =	task.clear_ibuf [dreg:s6], $0x6FFFF;
	_ =	strace $0x90000046  }
0xb3: {  	s29 =	simm.s32 $0x9;
	_ =	strace $0x80000048  }
0xb4: {  	_ =	swait.ge [sflag:s29], $0x1  }
0xb5: {  	[sflag:s29] =	ssyncadd.s32 $0xFFFFFFFF  }
0xb6: {  	_ =	strace $0x90000048  }
0xb7: {  	_ =	sfence  }
0xb8: {  	s30 =	sld [smem:$0x0];
	_ =	sdelay $0x2  }
0xb9: {  	s31 =	sshll.u32 s1, $0xD;
	s1 =	sshrl.u32 s1, $0x2  }
0xba: {  	s3 =	sand.u32 $0x4000, s31;
	s1 =	sadd.s32 s1, s30  }
0xbb: {  	s0 =	sor.u32 s3, s0;
	s1 =	sshll.u32 s1, $0x11  }
0xbc: {  	s0 =	sor.u32 s1, s0  }
0xbd: {  	s0 =	sadd.s32 $0x8F2B, s0  }
0xbe: {  	[sflag:s0] =	ssyncadd.remote.s32 $0x1  }
0xbf: {  	_ =	sfence.sel $0xFFFF  }
0xc0: {  	[dreg:$0x0] =	wrdreg $0xFFFFFFFF;
	(pc) =	sbr.abs _section_cstart, $3  }
0xc1: {  	[dreg:$0x1] =	wrdreg $0xFFFFFFFF  }
0xc2: {  	_ =	task.clear_ibuf [dreg:s6], $0x2FFFF;
	_ =	strace $0x9FFFFFFF  }
0xc3: {  	(tm) =	ssettm $0x7FFFFFFF  }
tec
execute0_lowered:
.L_overlay_start_1:
0x0: {  	(tag) =	ssettag $0x1  }
0x1: {  	s0 =	rddreg [dreg:$0x0]  }
0x2: {  	s1 =	rddreg [dreg:$0x1]  }
0x3: {  	s2 =	rddreg [dreg:$0x2];
	s5 =	stileid.u32  }
0x4: {  	s4 =	srdreg.scid;
	s3 =	simm.s32 $0x0;
	s29 =	simm.s32 $0x180  }
0x5: {  	s30 =	simm.s32 $0x200;
	s31 =	simm.s32 $0x280;
	s6 =	smul.u32 $0x500, s5  }
0x6: {  	s7 =	sand.u32 $0x1, s4;
	[smem:$0x7FF] =	sst s3;
	s4 =	sadd.s32 $0xC800, s0  }
0x7: {  	s14 =	sadd.s32 $0x28000, s2;
	s15 =	sshll.u32 s5, $0xE;
	s16 =	sshll.u32 s5, $0xB  }
0x8: {  	s17 =	sor.u32 $0x10, s5;
	s20 =	sor.u32 $0x20, s5;
	s22 =	sor.u32 $0x30, s5  }
0x9: {  	s25 =	sor.u32 $0x40, s5;
	p0 =	sne.s32 s5, $0x0;
	s8 =	smul.u32 $0x27100, s7  }
0xa: {  	s9 =	ssub.s32 $0x2, s7;
	_ =	strace $0x80000047;
	s13 =	smul.u32 $0x2710, s7  }
0xb: {  	[dreg:$0x5] =	wrdreg s14;
	s18 =	sshll.u32 s17, $0xE;
	s21 =	sshll.u32 s20, $0xE  }
0xc: {  	s23 =	sshll.u32 s22, $0xE;
	s24 =	sshll.u32 s22, $0xB;
	s26 =	sshll.u32 s25, $0xE  }
0xd: {  	s10 =	sshrl.u32 s9, $0x1;
	s11 =	sadd.s32 s6, s0;
	s12 =	sadd.s32 s8, s0  }
0xe: {  	s10 =	ssub.s32 s9, s10;
	s9 =	sadd.s32 $0x140000, s1;
	s7 =	sadd.s32 $0x2800, s11  }
0xf: {  	s0 =	sadd.s32 $0x7800, s0;
	s8 =	smul.u32 $0x271, s5;
	s11 =	sshll.u32 s17, $0xB  }
0x10: {  	s5 =	simm.s32 $0x4400;
	[dreg:$0x4] =	wrdreg s9;
	s10 =	smax.u32 s10, $0x1  }
0x11: {  	v0 =	vmov s13;
	s13 =	simm.s32 $0x4;
	s19 =	sadd.s32 s11, s2;
	[dreg:$0x6] =	wrdreg s10  }
0x12: {  	s9 =	sadd.s32 $0x5AA00, s12;
	s11 =	sadd.s32 s21, s1;
	[dreg:$0xa] =	wrdreg s19  }
0x13: {  	s21 =	simm.s32 $0x400;
	s10 =	sadd.s32 s15, s1;
	[dreg:$0xb] =	wrdreg s11  }
0x14: {  	s12 =	simm.s32 $0x3;
	[dreg:$0x7] =	wrdreg s10;
	s10 =	sadd.s32 s16, s2  }
0x15: {  	s11 =	sshll.u32 s25, $0xB;
	[dreg:$0x8] =	wrdreg s10;
	s10 =	sadd.s32 s18, s1  }
0x16: {  	s28 =	sadd.s32 s11, s2;
	[dreg:$0x9] =	wrdreg s10;
	s10 =	sshll.u32 s20, $0xB  }
0x17: {  	s25 =	simm.s32 $0x80;
	[dreg:$0x10] =	wrdreg s28;
	s10 =	sadd.s32 s10, s2  }
0x18: {  	s15 =	simm.s32 $0x0;
	s11 =	simm.s32 $0x380;
	[dreg:$0xc] =	wrdreg s10  }
0x19: {  	s10 =	sadd.s32 s23, s1;
	s23 =	sadd.s32 s6, s0;
	s0 =	simm.s32 $0x1  }
0x1a: {  	s6 =	simm.s32 $0x8400;
	[dreg:$0xd] =	wrdreg s10;
	s10 =	sadd.s32 s24, s2  }
0x1b: {  	s24 =	simm.s32 $0x8C00;
	[dreg:$0xe] =	wrdreg s10;
	s10 =	sadd.s32 s26, s1  }
0x1c: {  	v1 =	vimm.f32 $0.0e+00;
	v2 =	vimm.f32 $1.000000000e+00;
	s26 =	simm.s32 $0x2;
	[dreg:$0xf] =	wrdreg s10;
	s10 =	simm.s32 $0x300  }
.LBB2_1:
0x1d: {  	[dreg:$0x11] =	wrdreg s15;
	s15 =	simm.s32 $0x440  }
0x1e: {  	[tilespmem:s15+$0x20] =	vst v1  }
0x1f: {  	[tilespmem:s15+$0x10] =	vst v1  }
0x20: {  	[tilespmem:s15+$0x0] =	vst v1  }
0x21: {  	[tilespmem:s15+$0xFFFFFFF0] =	vst v1  }
0x22: {  	[tilespmem:s15+$0xFFFFFFE0] =	vst v1  }
0x23: {  	[tilespmem:s15+$0xFFFFFFD0] =	vst v1  }
0x24: {  	[tilespmem:s15+$0xFFFFFFC0] =	vst v1  }
0x25: {  	s17 =	simm.s32 $0x0;
	s16 =	simm.s32 $0x40;
	[tilespmem:s15+$0x30] =	vst v1  }
.LBB2_2:
0x26: {  	p1 =	sne.s32 s16, $0x1FC0;
	[tilespmem:s17+$0x8C00] =	vst v1  }
0x27: {  	s15 =	sadd.s32 $0x80, s15;
	[tilespmem:s17+$0x8400] =	vst v2  }
0x28: {  	[tilespmem:s15+$0x20] =	vst v1  }
0x29: {  	[tilespmem:s15+$0x10] =	vst v1  }
0x2a: {  	[tilespmem:s15+$0x0] =	vst v1  }
.Ltmp0:
0x2b: {  	[tilespmem:s15+$0xFFFFFFF0] =	vst v1;
	(pc) =	sbr.rel @p1 .LBB2_2-.Ltmp0, $4  }
0x2c: {  	[tilespmem:s15+$0xFFFFFFE0] =	vst v1  }
0x2d: {  	[tilespmem:s15+$0xFFFFFFD0] =	vst v1  }
0x2e: {  	[tilespmem:s15+$0xFFFFFFC0] =	vst v1  }
0x2f: {  	s17 =	sshra.s32 s16, $0x2;
	s16 =	sadd.s32 $0x40, s16;
	[tilespmem:s15+$0x30] =	vst v1  }
0x30: {  	[tilespmem:s17+$0x8C00] =	vst v1  }
0x31: {  	[tilespmem:s17+$0x8400] =	vst v2;
	s14 =	rddreg [dreg:$0x7];
	s15 =	simm.s32 $0x5  }
0x32: {  	[spmem:s14] =	stream.linear.scatter [tilespmem:s21], [sflag:$0x5], $0x4000, $0x38;
	[tilespmem:$0x1FC90] =	vst v63  }
0x33: {  	_ =	swait.ge [sflag:s15], $0x4000  }
0x34: {  	[sflag:s15] =	ssyncset.done $0x0  }
0x35: {  	s17 =	rddreg [dreg:$0x8];
	[sflag:s15] =	ssyncadd.s32 $0xFFFFC000  }
0x36: {  	[spmem:s17] =	stream.linear.scatter [tilespmem:s24], [sflag:$0x5], $0x800, $0x38;
	[tilespmem:$0x1FC90] =	vst v63  }
0x37: {  	_ =	swait.ge [sflag:s15], $0x800  }
0x38: {  	[sflag:s15] =	ssyncset.done $0x0  }
0x39: {  	s18 =	rddreg [dreg:$0x9];
	[sflag:s15] =	ssyncadd.s32 $0xFFFFF800  }
0x3a: {  	[spmem:s18] =	stream.linear.scatter [tilespmem:s21], [sflag:$0x5], $0x4000, $0x38;
	[tilespmem:$0x1FC90] =	vst v63  }
0x3b: {  	_ =	swait.ge [sflag:s15], $0x4000  }
0x3c: {  	[sflag:s15] =	ssyncset.done $0x0  }
0x3d: {  	s19 =	rddreg [dreg:$0xa];
	[sflag:s15] =	ssyncadd.s32 $0xFFFFC000  }
0x3e: {  	[spmem:s19] =	stream.linear.scatter [tilespmem:s24], [sflag:$0x5], $0x800, $0x38;
	[tilespmem:$0x1FC90] =	vst v63  }
0x3f: {  	_ =	swait.ge [sflag:s15], $0x800  }
0x40: {  	[sflag:s15] =	ssyncset.done $0x0  }
0x41: {  	s20 =	rddreg [dreg:$0xb];
	[sflag:s15] =	ssyncadd.s32 $0xFFFFF800  }
0x42: {  	[spmem:s20] =	stream.linear.scatter [tilespmem:s21], [sflag:$0x5], $0x4000, $0x38;
	[tilespmem:$0x1FC90] =	vst v63  }
0x43: {  	_ =	swait.ge [sflag:s15], $0x4000  }
0x44: {  	[sflag:s15] =	ssyncset.done $0x0  }
0x45: {  	s22 =	rddreg [dreg:$0xc];
	[sflag:s15] =	ssyncadd.s32 $0xFFFFC000  }
0x46: {  	[spmem:s22] =	stream.linear.scatter [tilespmem:s24], [sflag:$0x5], $0x800, $0x38;
	[tilespmem:$0x1FC90] =	vst v63  }
0x47: {  	_ =	swait.ge [sflag:s15], $0x800  }
0x48: {  	[sflag:s15] =	ssyncset.done $0x0  }
0x49: {  	s28 =	rddreg [dreg:$0xd];
	[sflag:s15] =	ssyncadd.s32 $0xFFFFF800  }
0x4a: {  	[spmem:s28] =	stream.linear.scatter [tilespmem:s21], [sflag:$0x5], $0x4000, $0x38;
	[tilespmem:$0x1FC90] =	vst v63  }
0x4b: {  	_ =	swait.ge [sflag:s15], $0x4000  }
0x4c: {  	[sflag:s15] =	ssyncset.done $0x0  }
0x4d: {  	s16 =	rddreg [dreg:$0xe];
	[sflag:s15] =	ssyncadd.s32 $0xFFFFC000  }
0x4e: {  	[spmem:s16] =	stream.linear.scatter [tilespmem:s24], [sflag:$0x5], $0x800, $0x38;
	[tilespmem:$0x1FC90] =	vst v63  }
0x4f: {  	_ =	swait.ge [sflag:s15], $0x800  }
0x50: {  	[sflag:s15] =	ssyncset.done $0x0  }
0x51: {  	s17 =	rddreg [dreg:$0xf];
	[sflag:s15] =	ssyncadd.s32 $0xFFFFF800  }
0x52: {  	[spmem:s17] =	stream.linear.scatter [tilespmem:s21], [sflag:$0x5], $0x4000, $0x38;
	[tilespmem:$0x1FC90] =	vst v63  }
0x53: {  	_ =	swait.ge [sflag:s15], $0x4000  }
0x54: {  	[sflag:s15] =	ssyncset.done $0x0  }
0x55: {  	s18 =	rddreg [dreg:$0x10];
	[sflag:s15] =	ssyncadd.s32 $0xFFFFC000  }
0x56: {  	[spmem:s18] =	stream.linear.scatter [tilespmem:s24], [sflag:$0x5], $0x800, $0x38;
	[tilespmem:$0x1FC90] =	vst v63  }
0x57: {  	_ =	swait.ge [sflag:s15], $0x800  }
0x58: {  	[sflag:s15] =	ssyncset.done $0x0  }
0x59: {  	s14 =	rddreg [dreg:$0x4];
	[sflag:s15] =	ssyncadd.s32 $0xFFFFF800;
	s15 =	simm.s32 @!p0 $0x400  }
0x5a: {  	[spmem:s14] =	stream.linear.scatter @!p0 [tilespmem:s15], [sflag:$0x5], $0x800, $0x38;
	[tilespmem:$0x1FC90] =	vst v63  }
0x5b: {  	s15 =	simm.s32 @!p0 $0x5  }
0x5c: {  	_ =	swait.ge @!p0 [sflag:s15], $0x800  }
0x5d: {  	[sflag:s15] =	ssyncset.done @!p0 $0x0  }
0x5e: {  	s14 =	rddreg [dreg:$0x5];
	[sflag:s15] =	ssyncadd.s32 @!p0 $0xFFFFF800;
	s15 =	simm.s32 @!p0 $0x8C00  }
0x5f: {  	[spmem:s14] =	stream.linear.scatter @!p0 [tilespmem:s15], [sflag:$0x4], $0x100, $0x38;
	[tilespmem:$0x1FC90] =	vst v63  }
0x60: {  	s15 =	simm.s32 @!p0 $0x4  }
0x61: {  	_ =	swait.ge @!p0 [sflag:s15], $0x100  }
0x62: {  	[sflag:s15] =	ssyncset.done @!p0 $0x0  }
0x63: {  	[sflag:s15] =	ssyncadd.s32 @!p0 $0xFFFFFF00  }
0x64: {  	s15 =	simm.s32 $0x0;
	[bflag:$0x0] =	sbarrier.arrive $0xFFFF  }
0x65: {  	[tilespmem:s15], [sflag:$0x2] =	stream.linear.gather [hbm4b:s7+s15], $0x80, $0x38;
	[tilespmem:$0x1FC90] =	vst v63  }
0x66: {  	_ = 	snop  }
0x67: {  	[tilespmem:s25], [sflag:$0x2] =	stream.linear.gather [hbm4b:s23+s15], $0x80, $0x38;
	[tilespmem:$0x1FC90] =	vst v63  }
0x68: {  	_ =	swait.ge [sflag:s26], $0x80  }
0x69: {  	[sflag:s26] =	ssyncset.done $0x0  }
0x6a: {  	[sflag:s26] =	ssyncadd.s32 $0xFFFFFF80  }
0x6b: {  	_ =	swait.ge [sflag:s26], $0x80  }
0x6c: {  	[sflag:s26] =	ssyncset.done $0x0  }
0x6d: {  	[sflag:s26] =	ssyncadd.s32 $0xFFFFFF80  }
0x6e: {  	v3 =	vld [tilespmem:$0x0]  }
0x6f: {  	v4 =	vld [tilespmem:$0x10]  }
0x70: {  	v5 =	vld [tilespmem:$0x20]  }
0x71: {  	v6 =	vld [tilespmem:$0x30]  }
0x72: {  	v7 =	vld [tilespmem:$0x40]  }
0x73: {  	v8 =	vld [tilespmem:$0x50];
	v3 =	vadd.s32 v0, v3  }
0x74: {  	v62 =	vld [tilespmem:$0x60];
	[tilespmem:$0x0] =	vst v3;
	v3 =	vadd.s32 v0, v4  }
0x75: {  	v63 =	vld [tilespmem:$0x70];
	[tilespmem:$0x10] =	vst v3;
	v3 =	vadd.s32 v0, v5  }
0x76: {  	[tilespmem:$0x20] =	vst v3;
	v3 =	vadd.s32 v0, v6  }
0x77: {  	[tilespmem:$0x30] =	vst v3;
	v3 =	vadd.s32 v0, v7  }
0x78: {  	[tilespmem:$0x40] =	vst v3;
	v3 =	vadd.s32 v0, v8  }
0x79: {  	[tilespmem:$0x50] =	vst v3;
	v3 =	vadd.s32 v0, v62  }
0x7a: {  	[tilespmem:$0x60] =	vst v3;
	v3 =	vadd.s32 v0, v63  }
0x7b: {  	[tilespmem:$0x70] =	vst v3  }
0x7c: {  	[tilespmem:s21], [sflag:$0x1] =	stream.indirect.gather [hbm4b:s4+s25], $0x80, s15, s25, $0xb8;
	[tilespmem:$0x1FC90] =	vst v63  }
0x7d: {  	s19 =	simm.s32 $0x100;
	s16 =	sadd.s32 $0x10, s7  }
0x7e: {  	[tilespmem:s19], [sflag:$0x2] =	stream.linear.gather [hbm4b:s16+s15], $0x80, $0x38;
	[tilespmem:$0x1FC90] =	vst v63  }
0x7f: {  	s20 =	sadd.s32 $0x10, s23  }
0x80: {  	[tilespmem:s29], [sflag:$0x2] =	stream.linear.gather [hbm4b:s20+s15], $0x80, $0x38;
	[tilespmem:$0x1FC90] =	vst v63  }
0x81: {  	s22 =	sadd.s32 $0x20, s7  }
0x82: {  	[tilespmem:s30], [sflag:$0x2] =	stream.linear.gather [hbm4b:s22+s15], $0x80, $0x38;
	[tilespmem:$0x1FC90] =	vst v63  }
0x83: {  	s28 =	sadd.s32 $0x20, s23;
	s16 =	simm.s32 $0x3  }
0x84: {  	[tilespmem:s31], [sflag:$0x2] =	stream.linear.gather [hbm4b:s28+s15], $0x80, $0x38;
	[tilespmem:$0x1FC90] =	vst v63  }
.LBB2_4:
0x85: {  	_ =	swait.ge [sflag:s26], $0x80  }
0x86: {  	[sflag:s26] =	ssyncset.done $0x0  }
0x87: {  	[sflag:s26] =	ssyncadd.s32 $0xFFFFFF80  }
0x88: {  	_ =	swait.ge [sflag:s26], $0x80  }
0x89: {  	[sflag:s26] =	ssyncset.done $0x0  }
0x8a: {  	[sflag:s26] =	ssyncadd.s32 $0xFFFFFF80  }
0x8b: {  	v3 =	vld [tilespmem:$0x100]  }
0x8c: {  	v4 =	vld [tilespmem:$0x110]  }
0x8d: {  	v5 =	vld [tilespmem:$0x120]  }
0x8e: {  	v6 =	vld [tilespmem:$0x130]  }
0x8f: {  	v7 =	vld [tilespmem:$0x140]  }
0x90: {  	v8 =	vld [tilespmem:$0x150];
	v3 =	vadd.s32 v0, v3  }
0x91: {  	v48 =	vld [tilespmem:$0x160];
	[tilespmem:$0x100] =	vst v3;
	v3 =	vadd.s32 v0, v4  }
0x92: {  	v49 =	vld [tilespmem:$0x170];
	[tilespmem:$0x110] =	vst v3;
	v3 =	vadd.s32 v0, v5  }
0x93: {  	[tilespmem:$0x120] =	vst v3;
	v3 =	vadd.s32 v0, v6  }
0x94: {  	[tilespmem:$0x130] =	vst v3;
	v3 =	vadd.s32 v0, v7  }
0x95: {  	[tilespmem:$0x140] =	vst v3;
	v3 =	vadd.s32 v0, v8  }
0x96: {  	[tilespmem:$0x150] =	vst v3;
	v3 =	vadd.s32 v0, v48  }
0x97: {  	[tilespmem:$0x160] =	vst v3;
	v3 =	vadd.s32 v0, v49  }
0x98: {  	[tilespmem:$0x170] =	vst v3  }
0x99: {  	_ =	swait.ge [sflag:s0], $0x4000  }
0x9a: {  	p1 =	seq.s32 s15, $0x0;
	[sflag:s0] =	ssyncset.done $0x0  }
0x9b: {  	s17 =	simm.s32 @!p1 $0x3;
	[sflag:s0] =	ssyncadd.s32 $0xFFFFC000  }
0x9c: {  	_ =	swait.ge @!p1 [sflag:s17], $0x4000  }
0x9d: {  	[sflag:s17] =	ssyncset.done @!p1 $0x0  }
0x9e: {  	[sflag:s17] =	ssyncadd.s32 @!p1 $0xFFFFC000  }
0x9f: {  	_ =	swait.ge @!p1 [sflag:s17], $0x800  }
0xa0: {  	[sflag:s17] =	ssyncset.done @!p1 $0x0  }
0xa1: {  	s14 =	simm.s32 $0x100;
	[sflag:s17] =	ssyncadd.s32 @!p1 $0xFFFFF800  }
0xa2: {  	[tilespmem:s5], [sflag:$0x1] =	stream.indirect.gather [hbm4b:s4+s25], $0x80, s14, s25, $0xb8;
	[tilespmem:$0x1FC90] =	vst v63  }
0xa3: {  	_ = 	snop  }
0xa4: {  	[spmem:s1] =	stream.indirect.scatter.add.f32 [tilespmem:s21], [sflag:$0x3], $0x80, s25, s25, $0xb8;
	[tilespmem:$0x1FC90] =	vst v63  }
0xa5: {  	s17 =	sadd.s32 s15, s7  }
0xa6: {  	[spmem:s2] =	stream.indirect.scatter.add.f32 [tilespmem:s6], [sflag:$0x3], $0x10, s25, s25, $0xb8;
	[tilespmem:$0x1FC90] =	vst v63  }
0xa7: {  	s18 =	sadd.s32 $0x30, s17  }
0xa8: {  	[tilespmem:s10], [sflag:$0x2] =	stream.linear.gather [hbm4b:s18+s3], $0x80, $0x38;
	[tilespmem:$0x1FC90] =	vst v63  }
0xa9: {  	s18 =	sadd.s32 s15, s23  }
0xaa: {  	s19 =	sadd.s32 $0x30, s18  }
0xab: {  	[tilespmem:s11], [sflag:$0x2] =	stream.linear.gather [hbm4b:s19+s3], $0x80, $0x38;
	[tilespmem:$0x1FC90] =	vst v63  }
0xac: {  	_ =	swait.ge [sflag:s26], $0x80  }
0xad: {  	[sflag:s26] =	ssyncset.done $0x0  }
0xae: {  	[sflag:s26] =	ssyncadd.s32 $0xFFFFFF80  }
0xaf: {  	_ =	swait.ge [sflag:s26], $0x80  }
0xb0: {  	[sflag:s26] =	ssyncset.done $0x0  }
0xb1: {  	[sflag:s26] =	ssyncadd.s32 $0xFFFFFF80  }
0xb2: {  	v3 =	vld [tilespmem:$0x200]  }
0xb3: {  	v50 =	vld [tilespmem:$0x210]  }
0xb4: {  	v51 =	vld [tilespmem:$0x220]  }
0xb5: {  	v52 =	vld [tilespmem:$0x230]  }
0xb6: {  	v53 =	vld [tilespmem:$0x240]  }
0xb7: {  	v54 =	vld [tilespmem:$0x250];
	v3 =	vadd.s32 v0, v3  }
0xb8: {  	v55 =	vld [tilespmem:$0x260];
	[tilespmem:$0x200] =	vst v3;
	v3 =	vadd.s32 v0, v50  }
0xb9: {  	v56 =	vld [tilespmem:$0x270];
	[tilespmem:$0x210] =	vst v3;
	v3 =	vadd.s32 v0, v51  }
0xba: {  	[tilespmem:$0x220] =	vst v3;
	v3 =	vadd.s32 v0, v52  }
0xbb: {  	[tilespmem:$0x230] =	vst v3;
	v3 =	vadd.s32 v0, v53  }
0xbc: {  	[tilespmem:$0x240] =	vst v3;
	v3 =	vadd.s32 v0, v54  }
0xbd: {  	[tilespmem:$0x250] =	vst v3;
	v3 =	vadd.s32 v0, v55  }
0xbe: {  	[tilespmem:$0x260] =	vst v3;
	v3 =	vadd.s32 v0, v56  }
0xbf: {  	[tilespmem:$0x270] =	vst v3  }
0xc0: {  	_ =	swait.ge [sflag:s0], $0x4000  }
0xc1: {  	[sflag:s0] =	ssyncset.done $0x0  }
0xc2: {  	[sflag:s0] =	ssyncadd.s32 $0xFFFFC000  }
0xc3: {  	_ =	swait.ge [sflag:s12], $0x4000  }
0xc4: {  	[sflag:s12] =	ssyncset.done $0x0  }
0xc5: {  	[sflag:s12] =	ssyncadd.s32 $0xFFFFC000  }
0xc6: {  	_ =	swait.ge [sflag:s12], $0x800  }
0xc7: {  	[sflag:s12] =	ssyncset.done $0x0  }
0xc8: {  	[sflag:s12] =	ssyncadd.s32 $0xFFFFF800  }
0xc9: {  	[tilespmem:s21], [sflag:$0x1] =	stream.indirect.gather [hbm4b:s4+s25], $0x80, s30, s25, $0xb8;
	[tilespmem:$0x1FC90] =	vst v63  }
0xca: {  	p1 =	seq.s32 s15, $0x4C0  }
0xcb: {  	[spmem:s1] =	stream.indirect.scatter.add.f32 [tilespmem:s5], [sflag:$0x3], $0x80, s29, s25, $0xb8;
	[tilespmem:$0x1FC90] =	vst v63  }
0xcc: {  	s19 =	sadd.s32 @!p1 s15, s7  }
0xcd: {  	[spmem:s2] =	stream.indirect.scatter.add.f32 [tilespmem:s6], [sflag:$0x3], $0x10, s29, s25, $0xb8;
	[tilespmem:$0x1FC90] =	vst v63  }
0xce: {  	s14 =	simm.s32 @!p1 $0x0;
	s20 =	sadd.s32 @!p1 $0x40, s19  }
0xcf: {  	[tilespmem:s14], [sflag:$0x2] =	stream.linear.gather @!p1 [hbm4b:s20+s14], $0x80, $0x38;
	[tilespmem:$0x1FC90] =	vst v63  }
0xd0: {  	s20 =	sadd.s32 @!p1 s15, s23  }
0xd1: {  	s28 =	simm.s32 @!p1 $0x80;
	s22 =	sadd.s32 @!p1 $0x40, s20  }
0xd2: {  	[tilespmem:s28], [sflag:$0x2] =	stream.linear.gather @!p1 [hbm4b:s22+s14], $0x80, $0x38;
	[tilespmem:$0x1FC90] =	vst v63  }
0xd3: {  	_ =	swait.ge [sflag:s26], $0x80  }
0xd4: {  	[sflag:s26] =	ssyncset.done $0x0  }
0xd5: {  	[sflag:s26] =	ssyncadd.s32 $0xFFFFFF80  }
0xd6: {  	_ =	swait.ge [sflag:s26], $0x80  }
0xd7: {  	[sflag:s26] =	ssyncset.done $0x0  }
0xd8: {  	[sflag:s26] =	ssyncadd.s32 $0xFFFFFF80  }
0xd9: {  	v3 =	vld [tilespmem:$0x300]  }
0xda: {  	v57 =	vld [tilespmem:$0x310]  }
0xdb: {  	v58 =	vld [tilespmem:$0x320]  }
0xdc: {  	v59 =	vld [tilespmem:$0x330]  }
0xdd: {  	v60 =	vld [tilespmem:$0x340]  }
0xde: {  	v61 =	vld [tilespmem:$0x350];
	v3 =	vadd.s32 v0, v3  }
0xdf: {  	v62 =	vld [tilespmem:$0x360];
	[tilespmem:$0x300] =	vst v3;
	v3 =	vadd.s32 v0, v57  }
0xe0: {  	v63 =	vld [tilespmem:$0x370];
	[tilespmem:$0x310] =	vst v3;
	v3 =	vadd.s32 v0, v58  }
0xe1: {  	[tilespmem:$0x320] =	vst v3;
	v3 =	vadd.s32 v0, v59  }
0xe2: {  	[tilespmem:$0x330] =	vst v3;
	v3 =	vadd.s32 v0, v60  }
0xe3: {  	[tilespmem:$0x340] =	vst v3;
	v3 =	vadd.s32 v0, v61  }
0xe4: {  	[tilespmem:$0x350] =	vst v3;
	v3 =	vadd.s32 v0, v62  }
0xe5: {  	[tilespmem:$0x360] =	vst v3;
	v3 =	vadd.s32 v0, v63  }
0xe6: {  	[tilespmem:$0x370] =	vst v3  }
0xe7: {  	_ =	swait.ge [sflag:s0], $0x4000  }
0xe8: {  	[sflag:s0] =	ssyncset.done $0x0  }
0xe9: {  	[sflag:s0] =	ssyncadd.s32 $0xFFFFC000  }
0xea: {  	_ =	swait.ge [sflag:s12], $0x4000  }
0xeb: {  	[sflag:s12] =	ssyncset.done $0x0  }
0xec: {  	[sflag:s12] =	ssyncadd.s32 $0xFFFFC000  }
0xed: {  	_ =	swait.ge [sflag:s12], $0x800  }
0xee: {  	[sflag:s12] =	ssyncset.done $0x0  }
0xef: {  	[sflag:s12] =	ssyncadd.s32 $0xFFFFF800  }
0xf0: {  	[tilespmem:s5], [sflag:$0x1] =	stream.indirect.gather [hbm4b:s4+s25], $0x80, s10, s25, $0xb8;
	[tilespmem:$0x1FC90] =	vst v63  }
0xf1: {  	_ = 	snop  }
0xf2: {  	[spmem:s1] =	stream.indirect.scatter.add.f32 [tilespmem:s21], [sflag:$0x3], $0x80, s31, s25, $0xb8;
	[tilespmem:$0x1FC90] =	vst v63  }
0xf3: {  	_ = 	snop  }
0xf4: {  	[spmem:s2] =	stream.indirect.scatter.add.f32 [tilespmem:s6], [sflag:$0x3], $0x10, s31, s25, $0xb8;
	[tilespmem:$0x1FC90] =	vst v63  }
0xf5: {  	s19 =	sadd.s32 @!p1 $0x50, s19;
	s22 =	simm.s32 @!p1 $0x100  }
0xf6: {  	[tilespmem:s22], [sflag:$0x2] =	stream.linear.gather @!p1 [hbm4b:s19+s14], $0x80, $0x38;
	[tilespmem:$0x1FC90] =	vst v63  }
0xf7: {  	p2 =	sgt.u32 s16, $0x4E;
	s19 =	sadd.s32 @!p1 $0x50, s20;
	s20 =	simm.s32 @!p1 $0x180  }
0xf8: {  	[tilespmem:s20], [sflag:$0x2] =	stream.linear.gather @!p1 [hbm4b:s19+s14], $0x80, $0x38;
	[tilespmem:$0x1FC90] =	vst v63  }
0xf9: {  	s14 =	simm.s32 @p2 $0x1  }
0xfa: {  	_ =	swait.ge @p2 [sflag:s14], $0x4000  }
0xfb: {  	[sflag:s14] =	ssyncset.done @p2 $0x0  }
0xfc: {  	[sflag:s14] =	ssyncadd.s32 @p2 $0xFFFFC000;
	s14 =	simm.s32 @p2 $0x3  }
0xfd: {  	_ =	swait.ge @p2 [sflag:s14], $0x4000  }
0xfe: {  	[sflag:s14] =	ssyncset.done @p2 $0x0  }
0xff: {  	[sflag:s14] =	ssyncadd.s32 @p2 $0xFFFFC000  }
0x100: {  	_ =	swait.ge @p2 [sflag:s14], $0x800  }
0x101: {  	[sflag:s14] =	ssyncset.done @p2 $0x0  }
0x102: {  	[sflag:s14] =	ssyncadd.s32 @p2 $0xFFFFF800;
	s14 =	simm.s32 @!p2 $0x2  }
0x103: {  	_ =	swait.ge @!p2 [sflag:s14], $0x80  }
0x104: {  	[sflag:s14] =	ssyncset.done @!p2 $0x0  }
0x105: {  	[sflag:s14] =	ssyncadd.s32 @!p2 $0xFFFFFF80  }
0x106: {  	_ =	swait.ge @!p2 [sflag:s14], $0x80  }
0x107: {  	[sflag:s14] =	ssyncset.done @!p2 $0x0  }
0x108: {  	[sflag:s14] =	ssyncadd.s32 @!p2 $0xFFFFFF80  }
0x109: {  	v3 =	vld @!p2 [tilespmem:$0x0]  }
0x10a: {  	v4 =	vld @!p2 [tilespmem:$0x10]  }
0x10b: {  	v5 =	vld @!p2 [tilespmem:$0x20]  }
0x10c: {  	v6 =	vld @!p2 [tilespmem:$0x30]  }
0x10d: {  	v7 =	vld @!p2 [tilespmem:$0x40]  }
0x10e: {  	v8 =	vld @!p2 [tilespmem:$0x50];
	v3 =	vadd.s32 @!p2 v0, v3  }
0x10f: {  	[tilespmem:$0x0] =	vst @!p2 v3;
	v3 =	vadd.s32 @!p2 v0, v4;
	v4 =	vld @!p2 [tilespmem:$0x60]  }
0x110: {  	[tilespmem:$0x10] =	vst @!p2 v3;
	v3 =	vadd.s32 @!p2 v0, v5;
	v5 =	vld @!p2 [tilespmem:$0x70]  }
0x111: {  	[tilespmem:$0x20] =	vst @!p2 v3;
	v3 =	vadd.s32 @!p2 v0, v6  }
0x112: {  	[tilespmem:$0x30] =	vst @!p2 v3;
	v3 =	vadd.s32 @!p2 v0, v7  }
0x113: {  	[tilespmem:$0x40] =	vst @!p2 v3;
	v3 =	vadd.s32 @!p2 v0, v8  }
0x114: {  	[tilespmem:$0x50] =	vst @!p2 v3;
	v3 =	vadd.s32 @!p2 v0, v4  }
0x115: {  	[tilespmem:$0x60] =	vst @!p2 v3;
	v3 =	vadd.s32 @!p2 v0, v5  }
0x116: {  	s14 =	simm.s32 @!p2 $0x1;
	[tilespmem:$0x70] =	vst @!p2 v3  }
0x117: {  	_ =	swait.ge @!p2 [sflag:s14], $0x4000  }
0x118: {  	[sflag:s14] =	ssyncset.done @!p2 $0x0  }
0x119: {  	[sflag:s14] =	ssyncadd.s32 @!p2 $0xFFFFC000;
	s14 =	simm.s32 @!p2 $0x3  }
0x11a: {  	_ =	swait.ge @!p2 [sflag:s14], $0x4000  }
0x11b: {  	[sflag:s14] =	ssyncset.done @!p2 $0x0  }
0x11c: {  	[sflag:s14] =	ssyncadd.s32 @!p2 $0xFFFFC000  }
0x11d: {  	_ =	swait.ge @!p2 [sflag:s14], $0x800  }
0x11e: {  	s19 =	simm.s32 @!p2 $0x0;
	[sflag:s14] =	ssyncset.done @!p2 $0x0  }
0x11f: {  	s20 =	simm.s32 @!p2 $0x400;
	[sflag:s14] =	ssyncadd.s32 @!p2 $0xFFFFF800;
	s14 =	simm.s32 @!p2 $0x80  }
0x120: {  	[tilespmem:s20], [sflag:$0x1] =	stream.indirect.gather @!p2 [hbm4b:s4+s14], $0x80, s19, s14, $0xb8;
	[tilespmem:$0x1FC90] =	vst v63  }
.Ltmp1:
0x121: {  	_ = 	snop;
	(pc) =	sbr.rel @p1 .LBB2_6-.Ltmp1, $4  }
0x122: {  	_ = 	snop  }
0x123: {  	[spmem:s1] =	stream.indirect.scatter.add.f32 [tilespmem:s5], [sflag:$0x3], $0x80, s11, s25, $0xb8;
	[tilespmem:$0x1FC90] =	vst v63  }
0x124: {  	_ = 	snop  }
0x125: {  	[spmem:s2] =	stream.indirect.scatter.add.f32 [tilespmem:s6], [sflag:$0x3], $0x10, s11, s25, $0xb8;
	[tilespmem:$0x1FC90] =	vst v63  }
.Ltmp2:
0x126: {  	(pc) =	sbr.rel .LBB2_4-.Ltmp2, $4  }
0x127: {  	s14 =	sadd.s32 $0x60, s17  }
0x128: {  	[tilespmem:s30], [sflag:$0x2] =	stream.linear.gather [hbm4b:s14+s3], $0x80, $0x38;
	[tilespmem:$0x1FC90] =	vst v63  }
0x129: {  	s28 =	sadd.s32 $0x60, s18;
	s15 =	sadd.s32 $0x40, s15;
	s16 =	sadd.s32 $0x4, s16  }
0x12a: {  	[tilespmem:s31], [sflag:$0x2] =	stream.linear.gather [hbm4b:s28+s3], $0x80, $0x38;
	[tilespmem:$0x1FC90] =	vst v63  }
.LBB2_6:
0x12b: {  	_ =	swait.ge [sflag:s12], $0x4000  }
0x12c: {  	[sflag:s12] =	ssyncset.done $0x0  }
0x12d: {  	[sflag:s12] =	ssyncadd.s32 $0xFFFFC000  }
0x12e: {  	_ =	swait.ge [sflag:s12], $0x800  }
0x12f: {  	[sflag:s12] =	ssyncset.done $0x0  }
0x130: {  	[sflag:s12] =	ssyncadd.s32 $0xFFFFF800  }
0x131: {  	s15 =	simm.s32 $0x0;
	[bflag:$0x0] =	sbarrier.arrive $0xFFFF  }
.LBB2_7:
0x132: {  	s14 =	smul.u32 $0x7D, s15;
	_ =	sdelay $0x1  }
0x133: {  	s14 =	sadd.s32 s8, s14  }
0x134: {  	s16 =	sshll.u32 s14, $0x7  }
0x135: {  	s16 =	sand.u32 $0x3FFFFF80, s16  }
0x136: {  	s16 =	sadd.s32 s16, s1  }
0x137: {  	[tilespmem:s21], [sflag:$0x4] =	stream.linear.gather [spmem:s16], $0x3E80, $0x38;
	[tilespmem:$0x1FC90] =	vst v63  }
0x138: {  	s16 =	sshll.u32 s14, $0x4;
	_ =	swait.ge [sflag:s13], $0x3E80  }
0x139: {  	s14 =	sand.u32 $0x3FFFFFF0, s16;
	[sflag:s13] =	ssyncset.done $0x0  }
0x13a: {  	s14 =	sadd.s32 s14, s2;
	[sflag:s13] =	ssyncadd.s32 $0xFFFFC180  }
0x13b: {  	[tilespmem:s24], [sflag:$0x4] =	stream.linear.gather [spmem:s14], $0x7D0, $0x38;
	[tilespmem:$0x1FC90] =	vst v63  }
0x13c: {  	_ =	swait.ge [sflag:s13], $0x7D0  }
0x13d: {  	[sflag:s13] =	ssyncset.done $0x0  }
0x13e: {  	s28 =	simm.s32 $0x0;
	[sflag:s13] =	ssyncadd.s32 $0xFFFFF830  }
0x13f: {  	v3 =	vld [tilespmem:s28+$0x8C00];
	_ =	sdelay $0x4  }
0x140: {  	v3 =	vmax.f32 v3, $1.000000000e+00  }
0x141: {  	(erf) = vrcp.f32 v3;
	_ =	sdelay $0x3  }
0x142: {  	s17 =	simm.s32 $0x440  }
0x143: {  	v3 =	vld [tilespmem:s17+$0xFFFFFFC0]  }
0x144: {  	v4 =	vld [tilespmem:s17+$0xFFFFFFD0]  }
0x145: {  	v5 =	vld [tilespmem:s17+$0xFFFFFFE0]  }
0x146: {  	v7 =	vld [tilespmem:s17+$0x0]  }
0x147: {  	v9 =	vld [tilespmem:s17+$0x10];
	v8 =	vpop (erf)  }
0x148: {  	v6 =	vld [tilespmem:s17+$0xFFFFFFF0];
	v3 =	vmul.f32 v8, v3  }
0x149: {  	v11 =	vld [tilespmem:s17+$0x30];
	v4 =	vmul.f32 v4, v8  }
0x14a: {  	v10 =	vld [tilespmem:s17+$0x20];
	v5 =	vmul.f32 v5, v8;
	[tilespmem:s17+$0xFFFFFFC0] =	vst v3  }
0x14b: {  	v61 =	vmul.f32 v7, v8;
	[tilespmem:s17+$0xFFFFFFD0] =	vst v4  }
0x14c: {  	v62 =	vmul.f32 v9, v8;
	[tilespmem:s17+$0xFFFFFFE0] =	vst v5  }
0x14d: {  	v3 =	vmul.f32 v6, v8;
	[tilespmem:s17+$0x0] =	vst v61  }
0x14e: {  	v63 =	vmul.f32 v11, v8;
	[tilespmem:s17+$0x10] =	vst v62  }
0x14f: {  	[tilespmem:s17+$0xFFFFFFF0] =	vst v3;
	v3 =	vmul.f32 v10, v8  }
0x150: {  	[tilespmem:s17+$0x30] =	vst v63  }
0x151: {  	s19 =	simm.s32 $0x10;
	s18 =	simm.s32 $0x80;
	[tilespmem:s17+$0x20] =	vst v3  }
.LBB2_8:
0x152: {  	p1 =	sne.s32 s18, $0x1F00;
	v3 =	vld [tilespmem:s19+$0x8C00];
	_ =	sdelay $0x4  }
0x153: {  	v3 =	vmax.f32 v3, $1.000000000e+00  }
0x154: {  	s17 =	sadd.s32 $0x80, s17;
	(erf) = vrcp.f32 v3  }
0x155: {  	v3 =	vld [tilespmem:s17+$0xFFFFFFF0]  }
0x156: {  	v4 =	vld [tilespmem:s17+$0x30]  }
0x157: {  	v5 =	vld [tilespmem:s17+$0x10]  }
0x158: {  	v6 =	vld [tilespmem:s17+$0xFFFFFFD0]  }
0x159: {  	v7 =	vld [tilespmem:s17+$0xFFFFFFC0]  }
0x15a: {  	v8 =	vld [tilespmem:s17+$0xFFFFFFE0]  }
0x15b: {  	v9 =	vld [tilespmem:s17+$0x0]  }
0x15c: {  	v10 =	vld [tilespmem:s17+$0x20]  }
0x15d: {  	v11 =	vpop (erf)  }
0x15e: {  	v7 =	vmul.f32 v11, v7;
	v6 =	vmul.f32 v6, v11  }
0x15f: {  	v3 =	vmul.f32 v3, v11;
	v8 =	vmul.f32 v8, v11  }
0x160: {  	v5 =	vmul.f32 v5, v11;
	[tilespmem:s17+$0xFFFFFFC0] =	vst v7;
	v7 =	vmul.f32 v9, v11  }
0x161: {  	v4 =	vmul.f32 v4, v11;
	[tilespmem:s17+$0xFFFFFFD0] =	vst v6;
	v6 =	vmul.f32 v10, v11  }
0x162: {  	[tilespmem:s17+$0xFFFFFFE0] =	vst v8  }
.Ltmp3:
0x163: {  	[tilespmem:s17+$0xFFFFFFF0] =	vst v3;
	(pc) =	sbr.rel @p1 .LBB2_8-.Ltmp3, $4  }
0x164: {  	[tilespmem:s17+$0x0] =	vst v7  }
0x165: {  	[tilespmem:s17+$0x10] =	vst v5  }
0x166: {  	[tilespmem:s17+$0x20] =	vst v6  }
0x167: {  	s19 =	sshra.s32 s18, $0x2;
	s18 =	sadd.s32 $0x40, s18;
	[tilespmem:s17+$0x30] =	vst v4  }
0x168: {  	v3 =	vld [tilespmem:s19+$0x8C00];
	_ =	sdelay $0x4  }
0x169: {  	v3 =	vmax.f32 v3, $1.000000000e+00  }
0x16a: {  	(erf) = vrcp.f32 v3;
	_ =	sdelay $0x3  }
0x16b: {  	s14 =	sadd.s32 $0x80, s17  }
0x16c: {  	v3 =	vld [tilespmem:s14+$0xFFFFFFC0]  }
0x16d: {  	v4 =	vld [tilespmem:s14+$0xFFFFFFD0]  }
0x16e: {  	v5 =	vld [tilespmem:s14+$0xFFFFFFE0]  }
0x16f: {  	v7 =	vld [tilespmem:s14+$0x0]  }
0x170: {  	v9 =	vld [tilespmem:s14+$0x10];
	v8 =	vpop (erf)  }
0x171: {  	v6 =	vld [tilespmem:s14+$0xFFFFFFF0];
	v3 =	vmul.f32 v8, v3  }
0x172: {  	v11 =	vld [tilespmem:s14+$0x30];
	v4 =	vmul.f32 v4, v8  }
0x173: {  	v10 =	vld [tilespmem:s14+$0x20];
	v5 =	vmul.f32 v5, v8;
	[tilespmem:s14+$0xFFFFFFC0] =	vst v3  }
0x174: {  	v61 =	vmul.f32 v7, v8;
	[tilespmem:s14+$0xFFFFFFD0] =	vst v4  }
0x175: {  	v62 =	vmul.f32 v9, v8;
	[tilespmem:s14+$0xFFFFFFE0] =	vst v5  }
0x176: {  	v3 =	vmul.f32 v6, v8;
	[tilespmem:s14+$0x0] =	vst v61  }
0x177: {  	v63 =	vmul.f32 v11, v8;
	[tilespmem:s14+$0x10] =	vst v62  }
0x178: {  	s15 =	sadd.s32 $0x1, s15;
	[tilespmem:s14+$0xFFFFFFF0] =	vst v3;
	v3 =	vmul.f32 v10, v8  }
0x179: {  	p1 =	sne.s32 s15, $0x5;
	[tilespmem:s14+$0x30] =	vst v63  }
.Ltmp4:
0x17a: {  	s28 =	sadd.s32 s16, s9;
	[tilespmem:s14+$0x20] =	vst v3;
	(pc) =	sbr.rel @p1 .LBB2_7-.Ltmp4, $4  }
0x17b: {  	[hbm4b:s28+s3] =	stream.linear.scatter [tilespmem:s21], [sflag:$0x4], $0x3E80, $0x38;
	[tilespmem:$0x1FC90] =	vst v63  }
0x17c: {  	_ =	swait.ge [sflag:s13], $0x3E80  }
0x17d: {  	[sflag:s13] =	ssyncset.done $0x0  }
0x17e: {  	[sflag:s13] =	ssyncadd.s32 $0xFFFFC180  }
0x17f: {  	s15 =	rddreg [dreg:$0x11]  }
0x180: {  	s14 =	rddreg [dreg:$0x6];
	s15 =	sadd.s32 $0x1, s15  }
0x181: {  	p1 =	sne.s32 s15, s14  }
.Ltmp5:
0x182: {  	_ = 	snop;
	(pc) =	sbr.rel @p1 .LBB2_1-.Ltmp5, $1  }
0x183: {  	_ =	sdelay $0x3  }
0x184: {  	_ =	sfence.sel $0x180000  }
0x185: {  	[bflag:$0x0] =	sbarrier.arrive $0xFFFF  }
0x186: {  	_ =	strace $0x90000047  }
0x187: {  	[bflag:$0x2] =	sbarrier.arrive $0xFFFF  }
0x188: {  	s0 =	rddreg [dreg:$0x3]  }
0x189: {  	s0 =	sadd.s32 @!p0 $0x100000, s0  }
0x18a: {  	[sflag:s0] =	ssyncadd.tile.s32 @!p0 $0x1;
	_ =	shalt  }
.Lfunc_end2:
_tile_overlayer_lowered:
.L_overlay_start_2:
0x18b: {  	(tag) =	ssettag $0x2  }
0x18c: {  	s0 =	rddreg [dreg:$0x0];
	s2 =	stileid.u32  }
0x18d: {  	s1 =	rddreg [dreg:$0x1];
	p0 =	sne.s32 s2, $0x0  }
0x18e: {  	s3 =	rddreg [dreg:$0x2];
	[bflag:$0x3] =	sbarrier.arrive $0xFFFF;
	s2 =	simm.s32 @!p0 $0x1C04  }
0x18f: {  	[timem:s3], [sflag:s2] =	dma.local @!p0 [hbm:s0], s1  }
0x190: {  	s0 =	simm.s32 @!p0 $0x4  }
0x191: {  	_ =	swait.ge @!p0 [sflag:s0], s1  }
0x192: {  	s1 =	ssub.s32 @!p0 $0x0, s1;
	[sflag:s0] =	ssyncset.done @!p0 $0x0  }
0x193: {  	[sflag:s0] =	ssyncadd.s32 @!p0 s1  }
0x194: {  	[bflag:$0x3] =	sbarrier.arrive $0xFFFF  }
0x195: {  	_ =	shalt  }

</sc_bundles>
